<compile_context>
chip_gen: v7x
topology: tpu7x:2x2x1
jax: 0.10.2.dev20260603
libtpu: 0.0.44.dev20260713+nightly
codegen_flags: <defaults>
</compile_context>

<pallas_src>
import functools

import jax
import jax.numpy as jnp
from jax import lax
from jax.experimental import pallas as pl
from jax.experimental.pallas import tpu as pltpu
from jax.experimental.pallas import tpu_sc as plsc

NC = 2
NS = 16
NWORK = NC * NS
CH = 128
NUM_GRAPHS = 128



DEGW = 4


def _deg_body(nchunk, rpt, dst2, zeros, ones, out, idx_d, ones_v, sem, acc):
    c = lax.axis_index("c")
    s = lax.axis_index("s")
    wid = c * NS + s
    base_r = s * rpt
    pltpu.sync_copy(zeros.at[pl.ds(base_r, rpt)], acc.at[pl.ds(base_r, rpt)])
    pltpu.sync_copy(ones, ones_v)
    pltpu.sync_copy(dst2.at[pl.ds(wid * nchunk, nchunk)], idx_d)
    plsc.subcore_barrier()

    def fire(j):
        pltpu.async_copy(ones_v, acc.at[idx_d.at[j]], sem, add=True)

    def drain_one():
        pltpu.make_async_copy(ones, ones_v, sem).wait()

    for k in range(DEGW):
        fire(k)

    def grp(gp, carry):
        for k in range(DEGW):
            drain_one()
        for k in range(DEGW):
            fire(gp * DEGW + k)
        return carry

    lax.fori_loop(1, nchunk // DEGW, grp, 0)
    for k in range(DEGW):
        drain_one()
    plsc.subcore_barrier()
    pltpu.sync_copy(acc.at[pl.ds(base_r, rpt)], out.at[c, pl.ds(base_r, rpt)])


def _msg_body(nchunk, rpt, hp, src2, dst2, zeros, out,
              idx_s, idx_d, ra, rb, gsa, gsb, ssa, ssb, acc):
    c = lax.axis_index("c")
    s = lax.axis_index("s")
    wid = c * NS + s
    base_r = s * rpt
    pltpu.sync_copy(zeros.at[pl.ds(base_r, rpt)], acc.at[pl.ds(base_r, rpt)])
    plsc.subcore_barrier()

    nh = nchunk // 2
    rows = (ra, rb)
    gsem = (gsa, gsb)
    ssem = (ssa, ssb)
    dummy = hp.at[pl.ds(0, CH)]

    def half(half_idx):
        rbase = wid * nchunk + half_idx * nh
        pltpu.sync_copy(src2.at[pl.ds(rbase, nh)], idx_s)
        pltpu.sync_copy(dst2.at[pl.ds(rbase, nh)], idx_d)
        pltpu.async_copy(hp.at[idx_s.at[0]], rows[0], gsem[0])
        pltpu.async_copy(hp.at[idx_s.at[1]], rows[1], gsem[1])

        def pairloop(jp, carry):
            for par in (0, 1):
                j = 2 * jp + par
                pltpu.make_async_copy(dummy, ra, gsem[par]).wait()
                pltpu.async_copy(rows[par], acc.at[idx_d.at[j]],
                                 ssem[par], add=True)
            for par in (0, 1):
                j2 = 2 * jp + 2 + par

                @pl.when(j2 < nh)
                def _():
                    pltpu.make_async_copy(dummy, ra, ssem[par]).wait()
                    pltpu.async_copy(hp.at[idx_s.at[j2]], rows[par],
                                     gsem[par])
            return carry

        lax.fori_loop(0, nh // 2, pairloop, 0)
        pltpu.make_async_copy(dummy, ra, ssem[0]).wait()
        pltpu.make_async_copy(dummy, ra, ssem[1]).wait()

    half(0)
    half(1)
    plsc.subcore_barrier()
    pltpu.sync_copy(acc.at[pl.ds(base_r, rpt)], out.at[c, pl.ds(base_r, rpt)])



def _tc0_body(n, degp_ref, x_ref, w1_ref, dinv_ref, hp1_ref):
    deg = 1.0 + degp_ref[0, 0:n, 0:1] + degp_ref[1, 0:n, 0:1]
    dinv = lax.rsqrt(deg)
    dinv_ref[...] = dinv
    h = jnp.dot(x_ref[...], w1_ref[...], preferred_element_type=jnp.float32)
    hp1_ref[...] = dinv * h


def _tcmid_body(n, p_ref, hp_ref, dinv_ref, b_ref, w_ref, out_ref):
    dinv = dinv_ref[...]
    tot = p_ref[0, 0:n, :] + p_ref[1, 0:n, :] + hp_ref[...]
    a = jnp.maximum(dinv * tot + b_ref[...], 0.0)
    out_ref[...] = dinv * jnp.dot(a, w_ref[...],
                                  preferred_element_type=jnp.float32)


def _tcfin_body(n, p_ref, hp_ref, dinv_ref, b3_ref, batch_ref, wl_ref,
                bl_ref, out_ref):
    dinv = dinv_ref[...]
    h3 = dinv * (p_ref[0, 0:n, :] + p_ref[1, 0:n, :] + hp_ref[...]) + b3_ref[...]
    gid = lax.broadcasted_iota(jnp.int32, (1, NUM_GRAPHS), 1)
    onehot = (batch_ref[...] == gid).astype(jnp.float32)
    sums = lax.dot_general(onehot, h3, (((0,), (0,)), ((), ())),
                           preferred_element_type=jnp.float32)
    cnts = jnp.sum(onehot, axis=0)[:, None]
    pooled = sums / jnp.maximum(cnts, 1.0)
    out_ref[...] = jnp.dot(pooled, wl_ref[...],
                           preferred_element_type=jnp.float32) + bl_ref[...]



def kernel(x, edge_index, batch, W1, b1, W2, b2, W3, b3, Wl, bl):
    n, d = x.shape
    h = W1.shape[1]
    c_out = Wl.shape[1]
    e = edge_index.shape[1]

    unit = NWORK * CH * 4
    ep = ((e + unit - 1) // unit) * unit
    pad = ep - e
    ep_w = ep // NWORK
    nchunk = ep_w // CH
    npad = ((n + 1 + NS * 8 - 1) // (NS * 8)) * (NS * 8)
    rpt = npad // NS

    src2 = jnp.concatenate(
        [edge_index[0].astype(jnp.int32),
         jnp.zeros((pad,), jnp.int32)]).reshape(ep // CH, CH)
    dst2 = jnp.concatenate(
        [edge_index[1].astype(jnp.int32),
         jnp.full((pad,), n, jnp.int32)]).reshape(ep // CH, CH)
    zeros = jnp.zeros((npad, h), jnp.float32)
    ones = jnp.ones((CH, h), jnp.float32)
    batch2 = batch.astype(jnp.int32).reshape(n, 1)
    b1r, b2r, b3r = (b.reshape(1, -1) for b in (b1, b2, b3))
    blr = bl.reshape(1, -1)

    mesh = plsc.VectorSubcoreMesh(core_axis_name="c", subcore_axis_name="s",
                                  num_cores=NC, num_subcores=NS)

    degp = pl.kernel(
        functools.partial(_deg_body, nchunk, rpt),
        out_type=jax.ShapeDtypeStruct((NC, npad, h), jnp.float32),
        mesh=mesh,
        scratch_types=[
            pltpu.VMEM((nchunk, CH), jnp.int32),
            pltpu.VMEM((CH, h), jnp.float32),
            pltpu.SemaphoreType.DMA,
            pltpu.VMEM_SHARED((npad, h), jnp.float32),
        ],
        name="sc_degree",
    )(dst2, zeros, ones)

    def msg(hp):
        return pl.kernel(
            functools.partial(_msg_body, nchunk, rpt),
            out_type=jax.ShapeDtypeStruct((NC, npad, h), jnp.float32),
            mesh=mesh,
            scratch_types=[
                pltpu.VMEM((nchunk // 2, CH), jnp.int32),
                pltpu.VMEM((nchunk // 2, CH), jnp.int32),
                pltpu.VMEM((CH, h), jnp.float32),
                pltpu.VMEM((CH, h), jnp.float32),
                pltpu.SemaphoreType.DMA,
                pltpu.SemaphoreType.DMA,
                pltpu.SemaphoreType.DMA,
                pltpu.SemaphoreType.DMA,
                pltpu.VMEM_SHARED((npad, h), jnp.float32),
            ],
            name="sc_message",
        )(hp, src2, dst2, zeros)

    f32 = jnp.float32
    dinv, hp1 = pl.pallas_call(
        functools.partial(_tc0_body, n),
        out_shape=[jax.ShapeDtypeStruct((n, 1), f32),
                   jax.ShapeDtypeStruct((n, h), f32)],
    )(degp, x, W1)

    p1 = msg(hp1)
    hp2 = pl.pallas_call(
        functools.partial(_tcmid_body, n),
        out_shape=jax.ShapeDtypeStruct((n, h), f32),
    )(p1, hp1, dinv, b1r, W2)

    p2 = msg(hp2)
    hp3 = pl.pallas_call(
        functools.partial(_tcmid_body, n),
        out_shape=jax.ShapeDtypeStruct((n, h), f32),
    )(p2, hp2, dinv, b2r, W3)

    p3 = msg(hp3)
    out = pl.pallas_call(
        functools.partial(_tcfin_body, n),
        out_shape=jax.ShapeDtypeStruct((NUM_GRAPHS, c_out), f32),
    )(p3, hp3, dinv, b3r, batch2, Wl, blr)
    return out

# --- scband reference (transcript-rebuilt; emitter-appended) ---
"""Pipeline reference for scband-gcn-87505663689235 (READ-ONLY COPY).

The authoritative reference and input builder live on the scoring server;
editing this copy changes nothing except your own understanding.
"""

import jax, jax.numpy as jnp
import numpy as np

N = 10000
E = 320000
D = 128
H = 128
C = 10
G = 128


def setup_inputs(seed: int = 0) -> dict:
    key = jax.random.key(seed)
    ks = jax.random.split(key, 12)
    x = jax.random.normal(ks[0], (N, D), dtype=jnp.float32)
    edge_index = jax.random.randint(ks[1], (2, E), 0, N)
    batch = jnp.sort(jax.random.randint(ks[2], (N,), 0, G))
    s1 = 1.0 / np.sqrt(D)
    s2 = 1.0 / np.sqrt(H)
    W1 = jax.random.normal(ks[3], (D, H), dtype=jnp.float32) * s1
    b1 = jnp.zeros((H,), dtype=jnp.float32)
    W2 = jax.random.normal(ks[4], (H, H), dtype=jnp.float32) * s2
    b2 = jnp.zeros((H,), dtype=jnp.float32)
    W3 = jax.random.normal(ks[5], (H, H), dtype=jnp.float32) * s2
    b3 = jnp.zeros((H,), dtype=jnp.float32)
    Wl = jax.random.normal(ks[6], (H, C), dtype=jnp.float32) * s2
    bl = jnp.zeros((C,), dtype=jnp.float32)
    return {"x": x, "edge_index": edge_index, "batch": batch,
            "W1": W1, "b1": b1, "W2": W2, "b2": b2, "W3": W3, "b3": b3,
            "Wl": Wl, "bl": bl}


def _gcn_conv(x, edge_index, W, b):
    # PyG-style GCNConv: h = x @ W; out = D^{-1/2} (A + I) D^{-1/2} h + b
    n = x.shape[0]
    loop = jnp.arange(n, dtype=edge_index.dtype)
    src = jnp.concatenate([edge_index[0], loop])
    dst = jnp.concatenate([edge_index[1], loop])
    ones = jnp.ones(src.shape[0], dtype=x.dtype)
    deg = jax.ops.segment_sum(ones, dst, num_segments=n)
    dinv = jnp.where(deg > 0, jax.lax.rsqrt(deg), 0.0)
    norm = dinv[src] * dinv[dst]
    h = x @ W
    msg = h[src] * norm[:, None]
    out = jax.ops.segment_sum(msg, dst, num_segments=n)
    return out + b


def reference(x, edge_index, batch, W1, b1, W2, b2, W3, b3, Wl, bl):
    h = jax.nn.relu(_gcn_conv(x, edge_index, W1, b1))
    h = jax.nn.relu(_gcn_conv(h, edge_index, W2, b2))
    h = _gcn_conv(h, edge_index, W3, b3)
    # global_mean_pool over batch vector
    sums = jax.ops.segment_sum(h, batch, num_segments=G)
    cnts = jax.ops.segment_sum(jnp.ones((h.shape[0], 1), h.dtype), batch, num_segments=G)
    pooled = sums / jnp.maximum(cnts, 1.0)
    # dropout p=0.5 is identity in eval mode
    return pooled @ Wl + bl

if __name__ == "__main__":
    import jax
    _d = setup_inputs()
    print(jax.jit(kernel)(*tuple(_d.values())))

</pallas_src>

<mosaic_0001>
#map = affine_map<(d0, d1) -> (0, 0)>
#map1 = affine_map<(d0, d1) -> (0, 0, 0)>
module attributes {stable_mosaic.version = 14 : i64} {
  func.func @sc_message(%arg0: i32, %arg1: i32, %arg2: memref<10000x128xf32, #tpu.memory_space<hbm>>, %arg3: memref<2560x128xi32, #tpu.memory_space<hbm>>, %arg4: memref<2560x128xi32, #tpu.memory_space<hbm>>, %arg5: memref<10112x128xf32, #tpu.memory_space<hbm>>, %arg6: memref<2x10112x128xf32, #tpu.memory_space<hbm>>, %arg7: memref<40x128xi32, #tpu.memory_space<vmem>>, %arg8: memref<40x128xi32, #tpu.memory_space<vmem>>, %arg9: memref<128x128xf32, #tpu.memory_space<vmem>>, %arg10: memref<128x128xf32, #tpu.memory_space<vmem>>, %arg11: memref<!tpu.dma_semaphore, #tpu.memory_space<semaphore_mem>>, %arg12: memref<!tpu.dma_semaphore, #tpu.memory_space<semaphore_mem>>, %arg13: memref<!tpu.dma_semaphore, #tpu.memory_space<semaphore_mem>>, %arg14: memref<!tpu.dma_semaphore, #tpu.memory_space<semaphore_mem>>, %arg15: memref<10112x128xf32, #tpu.memory_space<vmem_shared>>) attributes {dimension_semantics = [#tpu.dimension_semantics<core_parallel>, #tpu.dimension_semantics<subcore_parallel>], iteration_bounds = array<i64: 2, 16>, scalar_prefetch = 0 : i64, scratch_operands = 9 : i64, tpu.core_type = #tpu.core_type<sc_vector_subcore>, window_params = [{transform_indices = #map}, {transform_indices = #map}, {transform_indices = #map}, {transform_indices = #map}, {transform_indices = #map1}]} {
    %mul3A = arith.constant 16 : i32
    %mul3A_0 = arith.muli %arg0, %mul3A : i32
    %add3A = arith.addi %mul3A_0, %arg1 : i32
    %mul3A_1 = arith.constant 632 : i32
    %mul3A_2 = arith.muli %arg1, %mul3A_1 : i32
    "tpu.region"() ({
      %run_scoped3A = tpu.sem_alloc : memref<!tpu.dma_semaphore, #tpu.memory_space<semaphore_mem>>
      %dma_start3A_73 = arith.constant 0 : i32
      %dma_start3A_74 = tpu.memref_slice %arg15[%mul3A_2, %dma_start3A_73] : memref<10112x128xf32, #tpu.memory_space<vmem_shared>> -> memref<632x128xf32, #tpu.memory_space<vmem_shared>>
      %dma_start3A_75 = arith.constant 0 : i32
      %dma_start3A_76 = tpu.memref_slice %arg5[%mul3A_2, %dma_start3A_75] : memref<10112x128xf32, #tpu.memory_space<hbm>> -> memref<632x128xf32, #tpu.memory_space<hbm>>
      tpu.enqueue_dma source(%dma_start3A_76 : memref<632x128xf32, #tpu.memory_space<hbm>>) target(%dma_start3A_74 : memref<632x128xf32, #tpu.memory_space<vmem_shared>>) target_semaphore(%run_scoped3A : memref<!tpu.dma_semaphore, #tpu.memory_space<semaphore_mem>>)
      %dma_wait3A_77 = arith.constant 0 : i32
      %dma_wait3A_78 = tpu.memref_slice %arg15[%mul3A_2, %dma_wait3A_77] : memref<10112x128xf32, #tpu.memory_space<vmem_shared>> -> memref<632x128xf32, #tpu.memory_space<vmem_shared>>
      %dma_wait3A_79 = arith.constant 0 : i32
      %dma_wait3A_80 = tpu.memref_slice %arg5[%mul3A_2, %dma_wait3A_79] : memref<10112x128xf32, #tpu.memory_space<hbm>> -> memref<632x128xf32, #tpu.memory_space<hbm>>
      tpu.wait_dma2 semaphore(%run_scoped3A : memref<!tpu.dma_semaphore, #tpu.memory_space<semaphore_mem>>) src(%dma_wait3A_80 : memref<632x128xf32, #tpu.memory_space<hbm>>) dst(%dma_wait3A_78 : memref<632x128xf32, #tpu.memory_space<vmem_shared>>)
      tpu.yield
    }) : () -> ()
    %barrier3A = arith.constant 0 : index
    tpu.barrier barrier_id(%barrier3A)
    %mul3A_3 = arith.constant 80 : i32
    %mul3A_4 = arith.muli %add3A, %mul3A_3 : i32
    %add3A_5 = arith.constant 0 : i32
    %add3A_6 = arith.addi %mul3A_4, %add3A_5 : i32
    "tpu.region"() ({
      %run_scoped3A = tpu.sem_alloc : memref<!tpu.dma_semaphore, #tpu.memory_space<semaphore_mem>>
      %dma_start3A_73 = arith.constant 0 : i32
      %dma_start3A_74 = tpu.memref_slice %arg3[%add3A_6, %dma_start3A_73] : memref<2560x128xi32, #tpu.memory_space<hbm>> -> memref<40x128xi32, #tpu.memory_space<hbm>>
      %dma_start3A_75 = arith.constant 0 : i32
      %dma_start3A_76 = tpu.memref_slice %arg3[%add3A_6, %dma_start3A_75] : memref<2560x128xi32, #tpu.memory_space<hbm>> -> memref<40x128xi32, #tpu.memory_space<hbm>>
      tpu.enqueue_dma source(%dma_start3A_76 : memref<40x128xi32, #tpu.memory_space<hbm>>) target(%arg7 : memref<40x128xi32, #tpu.memory_space<vmem>>) target_semaphore(%run_scoped3A : memref<!tpu.dma_semaphore, #tpu.memory_space<semaphore_mem>>)
      %dma_wait3A_77 = arith.constant 0 : i32
      %dma_wait3A_78 = tpu.memref_slice %arg3[%add3A_6, %dma_wait3A_77] : memref<2560x128xi32, #tpu.memory_space<hbm>> -> memref<40x128xi32, #tpu.memory_space<hbm>>
      %dma_wait3A_79 = arith.constant 0 : i32
      %dma_wait3A_80 = tpu.memref_slice %arg3[%add3A_6, %dma_wait3A_79] : memref<2560x128xi32, #tpu.memory_space<hbm>> -> memref<40x128xi32, #tpu.memory_space<hbm>>
      tpu.wait_dma2 semaphore(%run_scoped3A : memref<!tpu.dma_semaphore, #tpu.memory_space<semaphore_mem>>) src(%dma_wait3A_80 : memref<40x128xi32, #tpu.memory_space<hbm>>) dst(%arg7 : memref<40x128xi32, #tpu.memory_space<vmem>>)
      tpu.yield
    }) : () -> ()
    "tpu.region"() ({
      %run_scoped3A = tpu.sem_alloc : memref<!tpu.dma_semaphore, #tpu.memory_space<semaphore_mem>>
      %dma_start3A_73 = arith.constant 0 : i32
      %dma_start3A_74 = tpu.memref_slice %arg4[%add3A_6, %dma_start3A_73] : memref<2560x128xi32, #tpu.memory_space<hbm>> -> memref<40x128xi32, #tpu.memory_space<hbm>>
      %dma_start3A_75 = arith.constant 0 : i32
      %dma_start3A_76 = tpu.memref_slice %arg4[%add3A_6, %dma_start3A_75] : memref<2560x128xi32, #tpu.memory_space<hbm>> -> memref<40x128xi32, #tpu.memory_space<hbm>>
      tpu.enqueue_dma source(%dma_start3A_76 : memref<40x128xi32, #tpu.memory_space<hbm>>) target(%arg8 : memref<40x128xi32, #tpu.memory_space<vmem>>) target_semaphore(%run_scoped3A : memref<!tpu.dma_semaphore, #tpu.memory_space<semaphore_mem>>)
      %dma_wait3A_77 = arith.constant 0 : i32
      %dma_wait3A_78 = tpu.memref_slice %arg4[%add3A_6, %dma_wait3A_77] : memref<2560x128xi32, #tpu.memory_space<hbm>> -> memref<40x128xi32, #tpu.memory_space<hbm>>
      %dma_wait3A_79 = arith.constant 0 : i32
      %dma_wait3A_80 = tpu.memref_slice %arg4[%add3A_6, %dma_wait3A_79] : memref<2560x128xi32, #tpu.memory_space<hbm>> -> memref<40x128xi32, #tpu.memory_space<hbm>>
      tpu.wait_dma2 semaphore(%run_scoped3A : memref<!tpu.dma_semaphore, #tpu.memory_space<semaphore_mem>>) src(%dma_wait3A_80 : memref<40x128xi32, #tpu.memory_space<hbm>>) dst(%arg8 : memref<40x128xi32, #tpu.memory_space<vmem>>)
      tpu.yield
    }) : () -> ()
    %dma_start3A = arith.constant 0 : i32
    %dma_start3A_7 = arith.constant 0 : i32
    %dma_start3A_8 = tpu.memref_slice %arg7[%dma_start3A, %dma_start3A_7] : memref<40x128xi32, #tpu.memory_space<vmem>> -> memref<1x128xi32, #tpu.memory_space<vmem>>
    %dma_start3A_9 = tpu.memref_squeeze %dma_start3A_8 : memref<1x128xi32, #tpu.memory_space<vmem>> -> memref<128xi32, #tpu.memory_space<vmem>>
    %dma_start3A_10 = arith.constant 0 : i32
    %dma_start3A_11 = arith.constant 0 : i32
    %dma_start3A_12 = tpu.memref_slice %arg2[%dma_start3A_10, %dma_start3A_11] : memref<10000x128xf32, #tpu.memory_space<hbm>> -> memref<10000x128xf32, #tpu.memory_space<hbm>>
    tpu.enqueue_indirect_dma source(%dma_start3A_12 : memref<10000x128xf32, #tpu.memory_space<hbm>>) target(%arg9 : memref<128x128xf32, #tpu.memory_space<vmem>>) offsets(%dma_start3A_9 : memref<128xi32, #tpu.memory_space<vmem>>) semaphore(%arg11 : memref<!tpu.dma_semaphore, #tpu.memory_space<semaphore_mem>>)
    %dma_start3A_13 = arith.constant 1 : i32
    %dma_start3A_14 = arith.constant 0 : i32
    %dma_start3A_15 = tpu.memref_slice %arg7[%dma_start3A_13, %dma_start3A_14] : memref<40x128xi32, #tpu.memory_space<vmem>> -> memref<1x128xi32, #tpu.memory_space<vmem>>
    %dma_start3A_16 = tpu.memref_squeeze %dma_start3A_15 : memref<1x128xi32, #tpu.memory_space<vmem>> -> memref<128xi32, #tpu.memory_space<vmem>>
    %dma_start3A_17 = arith.constant 0 : i32
    %dma_start3A_18 = arith.constant 0 : i32
    %dma_start3A_19 = tpu.memref_slice %arg2[%dma_start3A_17, %dma_start3A_18] : memref<10000x128xf32, #tpu.memory_space<hbm>> -> memref<10000x128xf32, #tpu.memory_space<hbm>>
    tpu.enqueue_indirect_dma source(%dma_start3A_19 : memref<10000x128xf32, #tpu.memory_space<hbm>>) target(%arg10 : memref<128x128xf32, #tpu.memory_space<vmem>>) offsets(%dma_start3A_16 : memref<128xi32, #tpu.memory_space<vmem>>) semaphore(%arg12 : memref<!tpu.dma_semaphore, #tpu.memory_space<semaphore_mem>>)
    %scan3A = arith.constant 0 : i32
    %scan3A_20 = arith.constant 0 : i32
    %scan3A_21 = arith.constant 20 : i32
    %scan3A_22 = arith.addi %scan3A_20, %scan3A_21 : i32
    %scan3A_23 = arith.constant 1 : i32
    scf.for %scan3A_73 = %scan3A_20 to %scan3A_22 step %scan3A_23  : i32 {
      %mul3A_74 = arith.constant 2 : i32
      %mul3A_75 = arith.muli %mul3A_74, %scan3A_73 : i32
      %add3A_76 = arith.constant 0 : i32
      %add3A_77 = arith.addi %mul3A_75, %add3A_76 : i32
      %dma_wait3A_78 = arith.constant 0 : i32
      %dma_wait3A_79 = arith.constant 0 : i32
      %dma_wait3A_80 = tpu.memref_slice %arg2[%dma_wait3A_78, %dma_wait3A_79] : memref<10000x128xf32, #tpu.memory_space<hbm>> -> memref<128x128xf32, #tpu.memory_space<hbm>>
      %dma_wait3A_81 = arith.constant 0 : i32
      %dma_wait3A_82 = arith.constant 0 : i32
      %dma_wait3A_83 = tpu.memref_slice %arg2[%dma_wait3A_81, %dma_wait3A_82] : memref<10000x128xf32, #tpu.memory_space<hbm>> -> memref<128x128xf32, #tpu.memory_space<hbm>>
      tpu.wait_dma2 semaphore(%arg11 : memref<!tpu.dma_semaphore, #tpu.memory_space<semaphore_mem>>) src(%dma_wait3A_83 : memref<128x128xf32, #tpu.memory_space<hbm>>) dst(%arg9 : memref<128x128xf32, #tpu.memory_space<vmem>>)
      %dma_start3A_84 = arith.constant 0 : i32
      %dma_start3A_85 = tpu.memref_slice %arg8[%add3A_77, %dma_start3A_84] : memref<40x128xi32, #tpu.memory_space<vmem>> -> memref<1x128xi32, #tpu.memory_space<vmem>>
      %dma_start3A_86 = tpu.memref_squeeze %dma_start3A_85 : memref<1x128xi32, #tpu.memory_space<vmem>> -> memref<128xi32, #tpu.memory_space<vmem>>
      %dma_start3A_87 = arith.constant 0 : i32
      %dma_start3A_88 = arith.constant 0 : i32
      %dma_start3A_89 = tpu.memref_slice %arg15[%dma_start3A_87, %dma_start3A_88] : memref<10112x128xf32, #tpu.memory_space<vmem_shared>> -> memref<10112x128xf32, #tpu.memory_space<vmem_shared>>
      tpu.enqueue_indirect_dma source(%arg9 : memref<128x128xf32, #tpu.memory_space<vmem>>) target(%dma_start3A_89 : memref<10112x128xf32, #tpu.memory_space<vmem_shared>>) offsets(%dma_start3A_86 : memref<128xi32, #tpu.memory_space<vmem>>) semaphore(%arg13 : memref<!tpu.dma_semaphore, #tpu.memory_space<semaphore_mem>>) {add = true}
      %mul3A_90 = arith.constant 2 : i32
      %mul3A_91 = arith.muli %mul3A_90, %scan3A_73 : i32
      %add3A_92 = arith.constant 1 : i32
      %add3A_93 = arith.addi %mul3A_91, %add3A_92 : i32
      %dma_wait3A_94 = arith.constant 0 : i32
      %dma_wait3A_95 = arith.constant 0 : i32
      %dma_wait3A_96 = tpu.memref_slice %arg2[%dma_wait3A_94, %dma_wait3A_95] : memref<10000x128xf32, #tpu.memory_space<hbm>> -> memref<128x128xf32, #tpu.memory_space<hbm>>
      %dma_wait3A_97 = arith.constant 0 : i32
      %dma_wait3A_98 = arith.constant 0 : i32
      %dma_wait3A_99 = tpu.memref_slice %arg2[%dma_wait3A_97, %dma_wait3A_98] : memref<10000x128xf32, #tpu.memory_space<hbm>> -> memref<128x128xf32, #tpu.memory_space<hbm>>
      tpu.wait_dma2 semaphore(%arg12 : memref<!tpu.dma_semaphore, #tpu.memory_space<semaphore_mem>>) src(%dma_wait3A_99 : memref<128x128xf32, #tpu.memory_space<hbm>>) dst(%arg9 : memref<128x128xf32, #tpu.memory_space<vmem>>)
      %dma_start3A_100 = arith.constant 0 : i32
      %dma_start3A_101 = tpu.memref_slice %arg8[%add3A_93, %dma_start3A_100] : memref<40x128xi32, #tpu.memory_space<vmem>> -> memref<1x128xi32, #tpu.memory_space<vmem>>
      %dma_start3A_102 = tpu.memref_squeeze %dma_start3A_101 : memref<1x128xi32, #tpu.memory_space<vmem>> -> memref<128xi32, #tpu.memory_space<vmem>>
      %dma_start3A_103 = arith.constant 0 : i32
      %dma_start3A_104 = arith.constant 0 : i32
      %dma_start3A_105 = tpu.memref_slice %arg15[%dma_start3A_103, %dma_start3A_104] : memref<10112x128xf32, #tpu.memory_space<vmem_shared>> -> memref<10112x128xf32, #tpu.memory_space<vmem_shared>>
      tpu.enqueue_indirect_dma source(%arg10 : memref<128x128xf32, #tpu.memory_space<vmem>>) target(%dma_start3A_105 : memref<10112x128xf32, #tpu.memory_space<vmem_shared>>) offsets(%dma_start3A_102 : memref<128xi32, #tpu.memory_space<vmem>>) semaphore(%arg14 : memref<!tpu.dma_semaphore, #tpu.memory_space<semaphore_mem>>) {add = true}
      %mul3A_106 = arith.constant 2 : i32
      %mul3A_107 = arith.muli %mul3A_106, %scan3A_73 : i32
      %add3A_108 = arith.constant 2 : i32
      %add3A_109 = arith.addi %mul3A_107, %add3A_108 : i32
      %add3A_110 = arith.constant 0 : i32
      %add3A_111 = arith.addi %add3A_109, %add3A_110 : i32
      %lt3A = arith.constant 40 : i32
      %lt3A_112 = arith.cmpi slt, %add3A_111, %lt3A : i32
      %convert_element_type3A = arith.extui %lt3A_112 : i1 to i32
      %cond3A = arith.constant 0 : i32
      %cond3A_113 = arith.cmpi ne, %convert_element_type3A, %cond3A : i32
      scf.if %cond3A_113 {
        %dma_wait3A_125 = arith.constant 0 : i32
        %dma_wait3A_126 = arith.constant 0 : i32
        %dma_wait3A_127 = tpu.memref_slice %arg2[%dma_wait3A_125, %dma_wait3A_126] : memref<10000x128xf32, #tpu.memory_space<hbm>> -> memref<128x128xf32, #tpu.memory_space<hbm>>
        %dma_wait3A_128 = arith.constant 0 : i32
        %dma_wait3A_129 = arith.constant 0 : i32
        %dma_wait3A_130 = tpu.memref_slice %arg2[%dma_wait3A_128, %dma_wait3A_129] : memref<10000x128xf32, #tpu.memory_space<hbm>> -> memref<128x128xf32, #tpu.memory_space<hbm>>
        tpu.wait_dma2 semaphore(%arg13 : memref<!tpu.dma_semaphore, #tpu.memory_space<semaphore_mem>>) src(%dma_wait3A_130 : memref<128x128xf32, #tpu.memory_space<hbm>>) dst(%arg9 : memref<128x128xf32, #tpu.memory_space<vmem>>)
        %dma_start3A_131 = arith.constant 0 : i32
        %dma_start3A_132 = tpu.memref_slice %arg7[%add3A_111, %dma_start3A_131] : memref<40x128xi32, #tpu.memory_space<vmem>> -> memref<1x128xi32, #tpu.memory_space<vmem>>
        %dma_start3A_133 = tpu.memref_squeeze %dma_start3A_132 : memref<1x128xi32, #tpu.memory_space<vmem>> -> memref<128xi32, #tpu.memory_space<vmem>>
        %dma_start3A_134 = arith.constant 0 : i32
        %dma_start3A_135 = arith.constant 0 : i32
        %dma_start3A_136 = tpu.memref_slice %arg2[%dma_start3A_134, %dma_start3A_135] : memref<10000x128xf32, #tpu.memory_space<hbm>> -> memref<10000x128xf32, #tpu.memory_space<hbm>>
        tpu.enqueue_indirect_dma source(%dma_start3A_136 : memref<10000x128xf32, #tpu.memory_space<hbm>>) target(%arg9 : memref<128x128xf32, #tpu.memory_space<vmem>>) offsets(%dma_start3A_133 : memref<128xi32, #tpu.memory_space<vmem>>) semaphore(%arg11 : memref<!tpu.dma_semaphore, #tpu.memory_space<semaphore_mem>>)
      } else {
      }
      %mul3A_114 = arith.constant 2 : i32
      %mul3A_115 = arith.muli %mul3A_114, %scan3A_73 : i32
      %add3A_116 = arith.constant 2 : i32
      %add3A_117 = arith.addi %mul3A_115, %add3A_116 : i32
      %add3A_118 = arith.constant 1 : i32
      %add3A_119 = arith.addi %add3A_117, %add3A_118 : i32
      %lt3A_120 = arith.constant 40 : i32
      %lt3A_121 = arith.cmpi slt, %add3A_119, %lt3A_120 : i32
      %convert_element_type3A_122 = arith.extui %lt3A_121 : i1 to i32
      %cond3A_123 = arith.constant 0 : i32
      %cond3A_124 = arith.cmpi ne, %convert_element_type3A_122, %cond3A_123 : i32
      scf.if %cond3A_124 {
        %dma_wait3A_125 = arith.constant 0 : i32
        %dma_wait3A_126 = arith.constant 0 : i32
        %dma_wait3A_127 = tpu.memref_slice %arg2[%dma_wait3A_125, %dma_wait3A_126] : memref<10000x128xf32, #tpu.memory_space<hbm>> -> memref<128x128xf32, #tpu.memory_space<hbm>>
        %dma_wait3A_128 = arith.constant 0 : i32
        %dma_wait3A_129 = arith.constant 0 : i32
        %dma_wait3A_130 = tpu.memref_slice %arg2[%dma_wait3A_128, %dma_wait3A_129] : memref<10000x128xf32, #tpu.memory_space<hbm>> -> memref<128x128xf32, #tpu.memory_space<hbm>>
        tpu.wait_dma2 semaphore(%arg14 : memref<!tpu.dma_semaphore, #tpu.memory_space<semaphore_mem>>) src(%dma_wait3A_130 : memref<128x128xf32, #tpu.memory_space<hbm>>) dst(%arg9 : memref<128x128xf32, #tpu.memory_space<vmem>>)
        %dma_start3A_131 = arith.constant 0 : i32
        %dma_start3A_132 = tpu.memref_slice %arg7[%add3A_119, %dma_start3A_131] : memref<40x128xi32, #tpu.memory_space<vmem>> -> memref<1x128xi32, #tpu.memory_space<vmem>>
        %dma_start3A_133 = tpu.memref_squeeze %dma_start3A_132 : memref<1x128xi32, #tpu.memory_space<vmem>> -> memref<128xi32, #tpu.memory_space<vmem>>
        %dma_start3A_134 = arith.constant 0 : i32
        %dma_start3A_135 = arith.constant 0 : i32
        %dma_start3A_136 = tpu.memref_slice %arg2[%dma_start3A_134, %dma_start3A_135] : memref<10000x128xf32, #tpu.memory_space<hbm>> -> memref<10000x128xf32, #tpu.memory_space<hbm>>
        tpu.enqueue_indirect_dma source(%dma_start3A_136 : memref<10000x128xf32, #tpu.memory_space<hbm>>) target(%arg10 : memref<128x128xf32, #tpu.memory_space<vmem>>) offsets(%dma_start3A_133 : memref<128xi32, #tpu.memory_space<vmem>>) semaphore(%arg12 : memref<!tpu.dma_semaphore, #tpu.memory_space<semaphore_mem>>)
      } else {
      }
    }
    %scan3A_24 = arith.constant 20 : i32
    %dma_wait3A = arith.constant 0 : i32
    %dma_wait3A_25 = arith.constant 0 : i32
    %dma_wait3A_26 = tpu.memref_slice %arg2[%dma_wait3A, %dma_wait3A_25] : memref<10000x128xf32, #tpu.memory_space<hbm>> -> memref<128x128xf32, #tpu.memory_space<hbm>>
    %dma_wait3A_27 = arith.constant 0 : i32
    %dma_wait3A_28 = arith.constant 0 : i32
    %dma_wait3A_29 = tpu.memref_slice %arg2[%dma_wait3A_27, %dma_wait3A_28] : memref<10000x128xf32, #tpu.memory_space<hbm>> -> memref<128x128xf32, #tpu.memory_space<hbm>>
    tpu.wait_dma2 semaphore(%arg13 : memref<!tpu.dma_semaphore, #tpu.memory_space<semaphore_mem>>) src(%dma_wait3A_29 : memref<128x128xf32, #tpu.memory_space<hbm>>) dst(%arg9 : memref<128x128xf32, #tpu.memory_space<vmem>>)
    %dma_wait3A_30 = arith.constant 0 : i32
    %dma_wait3A_31 = arith.constant 0 : i32
    %dma_wait3A_32 = tpu.memref_slice %arg2[%dma_wait3A_30, %dma_wait3A_31] : memref<10000x128xf32, #tpu.memory_space<hbm>> -> memref<128x128xf32, #tpu.memory_space<hbm>>
    %dma_wait3A_33 = arith.constant 0 : i32
    %dma_wait3A_34 = arith.constant 0 : i32
    %dma_wait3A_35 = tpu.memref_slice %arg2[%dma_wait3A_33, %dma_wait3A_34] : memref<10000x128xf32, #tpu.memory_space<hbm>> -> memref<128x128xf32, #tpu.memory_space<hbm>>
    tpu.wait_dma2 semaphore(%arg14 : memref<!tpu.dma_semaphore, #tpu.memory_space<semaphore_mem>>) src(%dma_wait3A_35 : memref<128x128xf32, #tpu.memory_space<hbm>>) dst(%arg9 : memref<128x128xf32, #tpu.memory_space<vmem>>)
    %mul3A_36 = arith.constant 80 : i32
    %mul3A_37 = arith.muli %add3A, %mul3A_36 : i32
    %add3A_38 = arith.constant 40 : i32
    %add3A_39 = arith.addi %mul3A_37, %add3A_38 : i32
    "tpu.region"() ({
      %run_scoped3A = tpu.sem_alloc : memref<!tpu.dma_semaphore, #tpu.memory_space<semaphore_mem>>
      %dma_start3A_73 = arith.constant 0 : i32
      %dma_start3A_74 = tpu.memref_slice %arg3[%add3A_39, %dma_start3A_73] : memref<2560x128xi32, #tpu.memory_space<hbm>> -> memref<40x128xi32, #tpu.memory_space<hbm>>
      %dma_start3A_75 = arith.constant 0 : i32
      %dma_start3A_76 = tpu.memref_slice %arg3[%add3A_39, %dma_start3A_75] : memref<2560x128xi32, #tpu.memory_space<hbm>> -> memref<40x128xi32, #tpu.memory_space<hbm>>
      tpu.enqueue_dma source(%dma_start3A_76 : memref<40x128xi32, #tpu.memory_space<hbm>>) target(%arg7 : memref<40x128xi32, #tpu.memory_space<vmem>>) target_semaphore(%run_scoped3A : memref<!tpu.dma_semaphore, #tpu.memory_space<semaphore_mem>>)
      %dma_wait3A_77 = arith.constant 0 : i32
      %dma_wait3A_78 = tpu.memref_slice %arg3[%add3A_39, %dma_wait3A_77] : memref<2560x128xi32, #tpu.memory_space<hbm>> -> memref<40x128xi32, #tpu.memory_space<hbm>>
      %dma_wait3A_79 = arith.constant 0 : i32
      %dma_wait3A_80 = tpu.memref_slice %arg3[%add3A_39, %dma_wait3A_79] : memref<2560x128xi32, #tpu.memory_space<hbm>> -> memref<40x128xi32, #tpu.memory_space<hbm>>
      tpu.wait_dma2 semaphore(%run_scoped3A : memref<!tpu.dma_semaphore, #tpu.memory_space<semaphore_mem>>) src(%dma_wait3A_80 : memref<40x128xi32, #tpu.memory_space<hbm>>) dst(%arg7 : memref<40x128xi32, #tpu.memory_space<vmem>>)
      tpu.yield
    }) : () -> ()
    "tpu.region"() ({
      %run_scoped3A = tpu.sem_alloc : memref<!tpu.dma_semaphore, #tpu.memory_space<semaphore_mem>>
      %dma_start3A_73 = arith.constant 0 : i32
      %dma_start3A_74 = tpu.memref_slice %arg4[%add3A_39, %dma_start3A_73] : memref<2560x128xi32, #tpu.memory_space<hbm>> -> memref<40x128xi32, #tpu.memory_space<hbm>>
      %dma_start3A_75 = arith.constant 0 : i32
      %dma_start3A_76 = tpu.memref_slice %arg4[%add3A_39, %dma_start3A_75] : memref<2560x128xi32, #tpu.memory_space<hbm>> -> memref<40x128xi32, #tpu.memory_space<hbm>>
      tpu.enqueue_dma source(%dma_start3A_76 : memref<40x128xi32, #tpu.memory_space<hbm>>) target(%arg8 : memref<40x128xi32, #tpu.memory_space<vmem>>) target_semaphore(%run_scoped3A : memref<!tpu.dma_semaphore, #tpu.memory_space<semaphore_mem>>)
      %dma_wait3A_77 = arith.constant 0 : i32
      %dma_wait3A_78 = tpu.memref_slice %arg4[%add3A_39, %dma_wait3A_77] : memref<2560x128xi32, #tpu.memory_space<hbm>> -> memref<40x128xi32, #tpu.memory_space<hbm>>
      %dma_wait3A_79 = arith.constant 0 : i32
      %dma_wait3A_80 = tpu.memref_slice %arg4[%add3A_39, %dma_wait3A_79] : memref<2560x128xi32, #tpu.memory_space<hbm>> -> memref<40x128xi32, #tpu.memory_space<hbm>>
      tpu.wait_dma2 semaphore(%run_scoped3A : memref<!tpu.dma_semaphore, #tpu.memory_space<semaphore_mem>>) src(%dma_wait3A_80 : memref<40x128xi32, #tpu.memory_space<hbm>>) dst(%arg8 : memref<40x128xi32, #tpu.memory_space<vmem>>)
      tpu.yield
    }) : () -> ()
    %dma_start3A_40 = arith.constant 0 : i32
    %dma_start3A_41 = arith.constant 0 : i32
    %dma_start3A_42 = tpu.memref_slice %arg7[%dma_start3A_40, %dma_start3A_41] : memref<40x128xi32, #tpu.memory_space<vmem>> -> memref<1x128xi32, #tpu.memory_space<vmem>>
    %dma_start3A_43 = tpu.memref_squeeze %dma_start3A_42 : memref<1x128xi32, #tpu.memory_space<vmem>> -> memref<128xi32, #tpu.memory_space<vmem>>
    %dma_start3A_44 = arith.constant 0 : i32
    %dma_start3A_45 = arith.constant 0 : i32
    %dma_start3A_46 = tpu.memref_slice %arg2[%dma_start3A_44, %dma_start3A_45] : memref<10000x128xf32, #tpu.memory_space<hbm>> -> memref<10000x128xf32, #tpu.memory_space<hbm>>
    tpu.enqueue_indirect_dma source(%dma_start3A_46 : memref<10000x128xf32, #tpu.memory_space<hbm>>) target(%arg9 : memref<128x128xf32, #tpu.memory_space<vmem>>) offsets(%dma_start3A_43 : memref<128xi32, #tpu.memory_space<vmem>>) semaphore(%arg11 : memref<!tpu.dma_semaphore, #tpu.memory_space<semaphore_mem>>)
    %dma_start3A_47 = arith.constant 1 : i32
    %dma_start3A_48 = arith.constant 0 : i32
    %dma_start3A_49 = tpu.memref_slice %arg7[%dma_start3A_47, %dma_start3A_48] : memref<40x128xi32, #tpu.memory_space<vmem>> -> memref<1x128xi32, #tpu.memory_space<vmem>>
    %dma_start3A_50 = tpu.memref_squeeze %dma_start3A_49 : memref<1x128xi32, #tpu.memory_space<vmem>> -> memref<128xi32, #tpu.memory_space<vmem>>
    %dma_start3A_51 = arith.constant 0 : i32
    %dma_start3A_52 = arith.constant 0 : i32
    %dma_start3A_53 = tpu.memref_slice %arg2[%dma_start3A_51, %dma_start3A_52] : memref<10000x128xf32, #tpu.memory_space<hbm>> -> memref<10000x128xf32, #tpu.memory_space<hbm>>
    tpu.enqueue_indirect_dma source(%dma_start3A_53 : memref<10000x128xf32, #tpu.memory_space<hbm>>) target(%arg10 : memref<128x128xf32, #tpu.memory_space<vmem>>) offsets(%dma_start3A_50 : memref<128xi32, #tpu.memory_space<vmem>>) semaphore(%arg12 : memref<!tpu.dma_semaphore, #tpu.memory_space<semaphore_mem>>)
    %scan3A_54 = arith.constant 0 : i32
    %scan3A_55 = arith.constant 0 : i32
    %scan3A_56 = arith.constant 20 : i32
    %scan3A_57 = arith.addi %scan3A_55, %scan3A_56 : i32
    %scan3A_58 = arith.constant 1 : i32
    scf.for %scan3A_73 = %scan3A_55 to %scan3A_57 step %scan3A_58  : i32 {
      %mul3A_74 = arith.constant 2 : i32
      %mul3A_75 = arith.muli %mul3A_74, %scan3A_73 : i32
      %add3A_76 = arith.constant 0 : i32
      %add3A_77 = arith.addi %mul3A_75, %add3A_76 : i32
      %dma_wait3A_78 = arith.constant 0 : i32
      %dma_wait3A_79 = arith.constant 0 : i32
      %dma_wait3A_80 = tpu.memref_slice %arg2[%dma_wait3A_78, %dma_wait3A_79] : memref<10000x128xf32, #tpu.memory_space<hbm>> -> memref<128x128xf32, #tpu.memory_space<hbm>>
      %dma_wait3A_81 = arith.constant 0 : i32
      %dma_wait3A_82 = arith.constant 0 : i32
      %dma_wait3A_83 = tpu.memref_slice %arg2[%dma_wait3A_81, %dma_wait3A_82] : memref<10000x128xf32, #tpu.memory_space<hbm>> -> memref<128x128xf32, #tpu.memory_space<hbm>>
      tpu.wait_dma2 semaphore(%arg11 : memref<!tpu.dma_semaphore, #tpu.memory_space<semaphore_mem>>) src(%dma_wait3A_83 : memref<128x128xf32, #tpu.memory_space<hbm>>) dst(%arg9 : memref<128x128xf32, #tpu.memory_space<vmem>>)
      %dma_start3A_84 = arith.constant 0 : i32
      %dma_start3A_85 = tpu.memref_slice %arg8[%add3A_77, %dma_start3A_84] : memref<40x128xi32, #tpu.memory_space<vmem>> -> memref<1x128xi32, #tpu.memory_space<vmem>>
      %dma_start3A_86 = tpu.memref_squeeze %dma_start3A_85 : memref<1x128xi32, #tpu.memory_space<vmem>> -> memref<128xi32, #tpu.memory_space<vmem>>
      %dma_start3A_87 = arith.constant 0 : i32
      %dma_start3A_88 = arith.constant 0 : i32
      %dma_start3A_89 = tpu.memref_slice %arg15[%dma_start3A_87, %dma_start3A_88] : memref<10112x128xf32, #tpu.memory_space<vmem_shared>> -> memref<10112x128xf32, #tpu.memory_space<vmem_shared>>
      tpu.enqueue_indirect_dma source(%arg9 : memref<128x128xf32, #tpu.memory_space<vmem>>) target(%dma_start3A_89 : memref<10112x128xf32, #tpu.memory_space<vmem_shared>>) offsets(%dma_start3A_86 : memref<128xi32, #tpu.memory_space<vmem>>) semaphore(%arg13 : memref<!tpu.dma_semaphore, #tpu.memory_space<semaphore_mem>>) {add = true}
      %mul3A_90 = arith.constant 2 : i32
      %mul3A_91 = arith.muli %mul3A_90, %scan3A_73 : i32
      %add3A_92 = arith.constant 1 : i32
      %add3A_93 = arith.addi %mul3A_91, %add3A_92 : i32
      %dma_wait3A_94 = arith.constant 0 : i32
      %dma_wait3A_95 = arith.constant 0 : i32
      %dma_wait3A_96 = tpu.memref_slice %arg2[%dma_wait3A_94, %dma_wait3A_95] : memref<10000x128xf32, #tpu.memory_space<hbm>> -> memref<128x128xf32, #tpu.memory_space<hbm>>
      %dma_wait3A_97 = arith.constant 0 : i32
      %dma_wait3A_98 = arith.constant 0 : i32
      %dma_wait3A_99 = tpu.memref_slice %arg2[%dma_wait3A_97, %dma_wait3A_98] : memref<10000x128xf32, #tpu.memory_space<hbm>> -> memref<128x128xf32, #tpu.memory_space<hbm>>
      tpu.wait_dma2 semaphore(%arg12 : memref<!tpu.dma_semaphore, #tpu.memory_space<semaphore_mem>>) src(%dma_wait3A_99 : memref<128x128xf32, #tpu.memory_space<hbm>>) dst(%arg9 : memref<128x128xf32, #tpu.memory_space<vmem>>)
      %dma_start3A_100 = arith.constant 0 : i32
      %dma_start3A_101 = tpu.memref_slice %arg8[%add3A_93, %dma_start3A_100] : memref<40x128xi32, #tpu.memory_space<vmem>> -> memref<1x128xi32, #tpu.memory_space<vmem>>
      %dma_start3A_102 = tpu.memref_squeeze %dma_start3A_101 : memref<1x128xi32, #tpu.memory_space<vmem>> -> memref<128xi32, #tpu.memory_space<vmem>>
      %dma_start3A_103 = arith.constant 0 : i32
      %dma_start3A_104 = arith.constant 0 : i32
      %dma_start3A_105 = tpu.memref_slice %arg15[%dma_start3A_103, %dma_start3A_104] : memref<10112x128xf32, #tpu.memory_space<vmem_shared>> -> memref<10112x128xf32, #tpu.memory_space<vmem_shared>>
      tpu.enqueue_indirect_dma source(%arg10 : memref<128x128xf32, #tpu.memory_space<vmem>>) target(%dma_start3A_105 : memref<10112x128xf32, #tpu.memory_space<vmem_shared>>) offsets(%dma_start3A_102 : memref<128xi32, #tpu.memory_space<vmem>>) semaphore(%arg14 : memref<!tpu.dma_semaphore, #tpu.memory_space<semaphore_mem>>) {add = true}
      %mul3A_106 = arith.constant 2 : i32
      %mul3A_107 = arith.muli %mul3A_106, %scan3A_73 : i32
      %add3A_108 = arith.constant 2 : i32
      %add3A_109 = arith.addi %mul3A_107, %add3A_108 : i32
      %add3A_110 = arith.constant 0 : i32
      %add3A_111 = arith.addi %add3A_109, %add3A_110 : i32
      %lt3A = arith.constant 40 : i32
      %lt3A_112 = arith.cmpi slt, %add3A_111, %lt3A : i32
      %convert_element_type3A = arith.extui %lt3A_112 : i1 to i32
      %cond3A = arith.constant 0 : i32
      %cond3A_113 = arith.cmpi ne, %convert_element_type3A, %cond3A : i32
      scf.if %cond3A_113 {
        %dma_wait3A_125 = arith.constant 0 : i32
        %dma_wait3A_126 = arith.constant 0 : i32
        %dma_wait3A_127 = tpu.memref_slice %arg2[%dma_wait3A_125, %dma_wait3A_126] : memref<10000x128xf32, #tpu.memory_space<hbm>> -> memref<128x128xf32, #tpu.memory_space<hbm>>
        %dma_wait3A_128 = arith.constant 0 : i32
        %dma_wait3A_129 = arith.constant 0 : i32
        %dma_wait3A_130 = tpu.memref_slice %arg2[%dma_wait3A_128, %dma_wait3A_129] : memref<10000x128xf32, #tpu.memory_space<hbm>> -> memref<128x128xf32, #tpu.memory_space<hbm>>
        tpu.wait_dma2 semaphore(%arg13 : memref<!tpu.dma_semaphore, #tpu.memory_space<semaphore_mem>>) src(%dma_wait3A_130 : memref<128x128xf32, #tpu.memory_space<hbm>>) dst(%arg9 : memref<128x128xf32, #tpu.memory_space<vmem>>)
        %dma_start3A_131 = arith.constant 0 : i32
        %dma_start3A_132 = tpu.memref_slice %arg7[%add3A_111, %dma_start3A_131] : memref<40x128xi32, #tpu.memory_space<vmem>> -> memref<1x128xi32, #tpu.memory_space<vmem>>
        %dma_start3A_133 = tpu.memref_squeeze %dma_start3A_132 : memref<1x128xi32, #tpu.memory_space<vmem>> -> memref<128xi32, #tpu.memory_space<vmem>>
        %dma_start3A_134 = arith.constant 0 : i32
        %dma_start3A_135 = arith.constant 0 : i32
        %dma_start3A_136 = tpu.memref_slice %arg2[%dma_start3A_134, %dma_start3A_135] : memref<10000x128xf32, #tpu.memory_space<hbm>> -> memref<10000x128xf32, #tpu.memory_space<hbm>>
        tpu.enqueue_indirect_dma source(%dma_start3A_136 : memref<10000x128xf32, #tpu.memory_space<hbm>>) target(%arg9 : memref<128x128xf32, #tpu.memory_space<vmem>>) offsets(%dma_start3A_133 : memref<128xi32, #tpu.memory_space<vmem>>) semaphore(%arg11 : memref<!tpu.dma_semaphore, #tpu.memory_space<semaphore_mem>>)
      } else {
      }
      %mul3A_114 = arith.constant 2 : i32
      %mul3A_115 = arith.muli %mul3A_114, %scan3A_73 : i32
      %add3A_116 = arith.constant 2 : i32
      %add3A_117 = arith.addi %mul3A_115, %add3A_116 : i32
      %add3A_118 = arith.constant 1 : i32
      %add3A_119 = arith.addi %add3A_117, %add3A_118 : i32
      %lt3A_120 = arith.constant 40 : i32
      %lt3A_121 = arith.cmpi slt, %add3A_119, %lt3A_120 : i32
      %convert_element_type3A_122 = arith.extui %lt3A_121 : i1 to i32
      %cond3A_123 = arith.constant 0 : i32
      %cond3A_124 = arith.cmpi ne, %convert_element_type3A_122, %cond3A_123 : i32
      scf.if %cond3A_124 {
        %dma_wait3A_125 = arith.constant 0 : i32
        %dma_wait3A_126 = arith.constant 0 : i32
        %dma_wait3A_127 = tpu.memref_slice %arg2[%dma_wait3A_125, %dma_wait3A_126] : memref<10000x128xf32, #tpu.memory_space<hbm>> -> memref<128x128xf32, #tpu.memory_space<hbm>>
        %dma_wait3A_128 = arith.constant 0 : i32
        %dma_wait3A_129 = arith.constant 0 : i32
        %dma_wait3A_130 = tpu.memref_slice %arg2[%dma_wait3A_128, %dma_wait3A_129] : memref<10000x128xf32, #tpu.memory_space<hbm>> -> memref<128x128xf32, #tpu.memory_space<hbm>>
        tpu.wait_dma2 semaphore(%arg14 : memref<!tpu.dma_semaphore, #tpu.memory_space<semaphore_mem>>) src(%dma_wait3A_130 : memref<128x128xf32, #tpu.memory_space<hbm>>) dst(%arg9 : memref<128x128xf32, #tpu.memory_space<vmem>>)
        %dma_start3A_131 = arith.constant 0 : i32
        %dma_start3A_132 = tpu.memref_slice %arg7[%add3A_119, %dma_start3A_131] : memref<40x128xi32, #tpu.memory_space<vmem>> -> memref<1x128xi32, #tpu.memory_space<vmem>>
        %dma_start3A_133 = tpu.memref_squeeze %dma_start3A_132 : memref<1x128xi32, #tpu.memory_space<vmem>> -> memref<128xi32, #tpu.memory_space<vmem>>
        %dma_start3A_134 = arith.constant 0 : i32
        %dma_start3A_135 = arith.constant 0 : i32
        %dma_start3A_136 = tpu.memref_slice %arg2[%dma_start3A_134, %dma_start3A_135] : memref<10000x128xf32, #tpu.memory_space<hbm>> -> memref<10000x128xf32, #tpu.memory_space<hbm>>
        tpu.enqueue_indirect_dma source(%dma_start3A_136 : memref<10000x128xf32, #tpu.memory_space<hbm>>) target(%arg10 : memref<128x128xf32, #tpu.memory_space<vmem>>) offsets(%dma_start3A_133 : memref<128xi32, #tpu.memory_space<vmem>>) semaphore(%arg12 : memref<!tpu.dma_semaphore, #tpu.memory_space<semaphore_mem>>)
      } else {
      }
    }
    %scan3A_59 = arith.constant 20 : i32
    %dma_wait3A_60 = arith.constant 0 : i32
    %dma_wait3A_61 = arith.constant 0 : i32
    %dma_wait3A_62 = tpu.memref_slice %arg2[%dma_wait3A_60, %dma_wait3A_61] : memref<10000x128xf32, #tpu.memory_space<hbm>> -> memref<128x128xf32, #tpu.memory_space<hbm>>
    %dma_wait3A_63 = arith.constant 0 : i32
    %dma_wait3A_64 = arith.constant 0 : i32
    %dma_wait3A_65 = tpu.memref_slice %arg2[%dma_wait3A_63, %dma_wait3A_64] : memref<10000x128xf32, #tpu.memory_space<hbm>> -> memref<128x128xf32, #tpu.memory_space<hbm>>
    tpu.wait_dma2 semaphore(%arg13 : memref<!tpu.dma_semaphore, #tpu.memory_space<semaphore_mem>>) src(%dma_wait3A_65 : memref<128x128xf32, #tpu.memory_space<hbm>>) dst(%arg9 : memref<128x128xf32, #tpu.memory_space<vmem>>)
    %dma_wait3A_66 = arith.constant 0 : i32
    %dma_wait3A_67 = arith.constant 0 : i32
    %dma_wait3A_68 = tpu.memref_slice %arg2[%dma_wait3A_66, %dma_wait3A_67] : memref<10000x128xf32, #tpu.memory_space<hbm>> -> memref<128x128xf32, #tpu.memory_space<hbm>>
    %dma_wait3A_69 = arith.constant 0 : i32
    %dma_wait3A_70 = arith.constant 0 : i32
    %dma_wait3A_71 = tpu.memref_slice %arg2[%dma_wait3A_69, %dma_wait3A_70] : memref<10000x128xf32, #tpu.memory_space<hbm>> -> memref<128x128xf32, #tpu.memory_space<hbm>>
    tpu.wait_dma2 semaphore(%arg14 : memref<!tpu.dma_semaphore, #tpu.memory_space<semaphore_mem>>) src(%dma_wait3A_71 : memref<128x128xf32, #tpu.memory_space<hbm>>) dst(%arg9 : memref<128x128xf32, #tpu.memory_space<vmem>>)
    %barrier3A_72 = arith.constant 0 : index
    tpu.barrier barrier_id(%barrier3A_72)
    "tpu.region"() ({
      %run_scoped3A = tpu.sem_alloc : memref<!tpu.dma_semaphore, #tpu.memory_space<semaphore_mem>>
      %dma_start3A_73 = arith.constant 0 : i32
      %dma_start3A_74 = tpu.memref_slice %arg6[%arg0, %mul3A_2, %dma_start3A_73] : memref<2x10112x128xf32, #tpu.memory_space<hbm>> -> memref<1x632x128xf32, #tpu.memory_space<hbm>>
      %dma_start3A_75 = tpu.memref_squeeze %dma_start3A_74 : memref<1x632x128xf32, #tpu.memory_space<hbm>> -> memref<632x128xf32, #tpu.memory_space<hbm>>
      %dma_start3A_76 = arith.constant 0 : i32
      %dma_start3A_77 = tpu.memref_slice %arg15[%mul3A_2, %dma_start3A_76] : memref<10112x128xf32, #tpu.memory_space<vmem_shared>> -> memref<632x128xf32, #tpu.memory_space<vmem_shared>>
      tpu.enqueue_dma source(%dma_start3A_77 : memref<632x128xf32, #tpu.memory_space<vmem_shared>>) target(%dma_start3A_75 : memref<632x128xf32, #tpu.memory_space<hbm>>) target_semaphore(%run_scoped3A : memref<!tpu.dma_semaphore, #tpu.memory_space<semaphore_mem>>)
      %dma_wait3A_78 = arith.constant 0 : i32
      %dma_wait3A_79 = tpu.memref_slice %arg6[%arg0, %mul3A_2, %dma_wait3A_78] : memref<2x10112x128xf32, #tpu.memory_space<hbm>> -> memref<1x632x128xf32, #tpu.memory_space<hbm>>
      %dma_wait3A_80 = tpu.memref_squeeze %dma_wait3A_79 : memref<1x632x128xf32, #tpu.memory_space<hbm>> -> memref<632x128xf32, #tpu.memory_space<hbm>>
      %dma_wait3A_81 = arith.constant 0 : i32
      %dma_wait3A_82 = tpu.memref_slice %arg15[%mul3A_2, %dma_wait3A_81] : memref<10112x128xf32, #tpu.memory_space<vmem_shared>> -> memref<632x128xf32, #tpu.memory_space<vmem_shared>>
      tpu.wait_dma2 semaphore(%run_scoped3A : memref<!tpu.dma_semaphore, #tpu.memory_space<semaphore_mem>>) src(%dma_wait3A_82 : memref<632x128xf32, #tpu.memory_space<vmem_shared>>) dst(%dma_wait3A_80 : memref<632x128xf32, #tpu.memory_space<hbm>>)
      tpu.yield
    }) : () -> ()
    return
  }
}

#map = affine_map<(d0, d1) -> (0, 0)>
#map1 = affine_map<(d0, d1) -> (0, 0, 0)>
module attributes {stable_mosaic.version = 14 : i64} {
  func.func @sc_degree(%arg0: i32, %arg1: i32, %arg2: memref<2560x128xi32, #tpu.memory_space<hbm>>, %arg3: memref<10112x128xf32, #tpu.memory_space<hbm>>, %arg4: memref<128x128xf32, #tpu.memory_space<hbm>>, %arg5: memref<2x10112x128xf32, #tpu.memory_space<hbm>>, %arg6: memref<80x128xi32, #tpu.memory_space<vmem>>, %arg7: memref<128x128xf32, #tpu.memory_space<vmem>>, %arg8: memref<!tpu.dma_semaphore, #tpu.memory_space<semaphore_mem>>, %arg9: memref<10112x128xf32, #tpu.memory_space<vmem_shared>>) attributes {dimension_semantics = [#tpu.dimension_semantics<core_parallel>, #tpu.dimension_semantics<subcore_parallel>], iteration_bounds = array<i64: 2, 16>, scalar_prefetch = 0 : i64, scratch_operands = 4 : i64, tpu.core_type = #tpu.core_type<sc_vector_subcore>, window_params = [{transform_indices = #map}, {transform_indices = #map}, {transform_indices = #map}, {transform_indices = #map1}]} {
    %mul3A = arith.constant 16 : i32
    %mul3A_0 = arith.muli %arg0, %mul3A : i32
    %add3A = arith.addi %mul3A_0, %arg1 : i32
    %mul3A_1 = arith.constant 632 : i32
    %mul3A_2 = arith.muli %arg1, %mul3A_1 : i32
    "tpu.region"() ({
      %run_scoped3A = tpu.sem_alloc : memref<!tpu.dma_semaphore, #tpu.memory_space<semaphore_mem>>
      %dma_start3A_38 = arith.constant 0 : i32
      %dma_start3A_39 = tpu.memref_slice %arg9[%mul3A_2, %dma_start3A_38] : memref<10112x128xf32, #tpu.memory_space<vmem_shared>> -> memref<632x128xf32, #tpu.memory_space<vmem_shared>>
      %dma_start3A_40 = arith.constant 0 : i32
      %dma_start3A_41 = tpu.memref_slice %arg3[%mul3A_2, %dma_start3A_40] : memref<10112x128xf32, #tpu.memory_space<hbm>> -> memref<632x128xf32, #tpu.memory_space<hbm>>
      tpu.enqueue_dma source(%dma_start3A_41 : memref<632x128xf32, #tpu.memory_space<hbm>>) target(%dma_start3A_39 : memref<632x128xf32, #tpu.memory_space<vmem_shared>>) target_semaphore(%run_scoped3A : memref<!tpu.dma_semaphore, #tpu.memory_space<semaphore_mem>>)
      %dma_wait3A = arith.constant 0 : i32
      %dma_wait3A_42 = tpu.memref_slice %arg9[%mul3A_2, %dma_wait3A] : memref<10112x128xf32, #tpu.memory_space<vmem_shared>> -> memref<632x128xf32, #tpu.memory_space<vmem_shared>>
      %dma_wait3A_43 = arith.constant 0 : i32
      %dma_wait3A_44 = tpu.memref_slice %arg3[%mul3A_2, %dma_wait3A_43] : memref<10112x128xf32, #tpu.memory_space<hbm>> -> memref<632x128xf32, #tpu.memory_space<hbm>>
      tpu.wait_dma2 semaphore(%run_scoped3A : memref<!tpu.dma_semaphore, #tpu.memory_space<semaphore_mem>>) src(%dma_wait3A_44 : memref<632x128xf32, #tpu.memory_space<hbm>>) dst(%dma_wait3A_42 : memref<632x128xf32, #tpu.memory_space<vmem_shared>>)
      tpu.yield
    }) : () -> ()
    "tpu.region"() ({
      %run_scoped3A = tpu.sem_alloc : memref<!tpu.dma_semaphore, #tpu.memory_space<semaphore_mem>>
      tpu.enqueue_dma source(%arg4 : memref<128x128xf32, #tpu.memory_space<hbm>>) target(%arg7 : memref<128x128xf32, #tpu.memory_space<vmem>>) target_semaphore(%run_scoped3A : memref<!tpu.dma_semaphore, #tpu.memory_space<semaphore_mem>>)
      tpu.wait_dma2 semaphore(%run_scoped3A : memref<!tpu.dma_semaphore, #tpu.memory_space<semaphore_mem>>) src(%arg4 : memref<128x128xf32, #tpu.memory_space<hbm>>) dst(%arg7 : memref<128x128xf32, #tpu.memory_space<vmem>>)
      tpu.yield
    }) : () -> ()
    %mul3A_3 = arith.constant 80 : i32
    %mul3A_4 = arith.muli %add3A, %mul3A_3 : i32
    "tpu.region"() ({
      %run_scoped3A = tpu.sem_alloc : memref<!tpu.dma_semaphore, #tpu.memory_space<semaphore_mem>>
      %dma_start3A_38 = arith.constant 0 : i32
      %dma_start3A_39 = tpu.memref_slice %arg2[%mul3A_4, %dma_start3A_38] : memref<2560x128xi32, #tpu.memory_space<hbm>> -> memref<80x128xi32, #tpu.memory_space<hbm>>
      %dma_start3A_40 = arith.constant 0 : i32
      %dma_start3A_41 = tpu.memref_slice %arg2[%mul3A_4, %dma_start3A_40] : memref<2560x128xi32, #tpu.memory_space<hbm>> -> memref<80x128xi32, #tpu.memory_space<hbm>>
      tpu.enqueue_dma source(%dma_start3A_41 : memref<80x128xi32, #tpu.memory_space<hbm>>) target(%arg6 : memref<80x128xi32, #tpu.memory_space<vmem>>) target_semaphore(%run_scoped3A : memref<!tpu.dma_semaphore, #tpu.memory_space<semaphore_mem>>)
      %dma_wait3A = arith.constant 0 : i32
      %dma_wait3A_42 = tpu.memref_slice %arg2[%mul3A_4, %dma_wait3A] : memref<2560x128xi32, #tpu.memory_space<hbm>> -> memref<80x128xi32, #tpu.memory_space<hbm>>
      %dma_wait3A_43 = arith.constant 0 : i32
      %dma_wait3A_44 = tpu.memref_slice %arg2[%mul3A_4, %dma_wait3A_43] : memref<2560x128xi32, #tpu.memory_space<hbm>> -> memref<80x128xi32, #tpu.memory_space<hbm>>
      tpu.wait_dma2 semaphore(%run_scoped3A : memref<!tpu.dma_semaphore, #tpu.memory_space<semaphore_mem>>) src(%dma_wait3A_44 : memref<80x128xi32, #tpu.memory_space<hbm>>) dst(%arg6 : memref<80x128xi32, #tpu.memory_space<vmem>>)
      tpu.yield
    }) : () -> ()
    %barrier3A = arith.constant 0 : index
    tpu.barrier barrier_id(%barrier3A)
    %dma_start3A = arith.constant 0 : i32
    %dma_start3A_5 = arith.constant 0 : i32
    %dma_start3A_6 = tpu.memref_slice %arg6[%dma_start3A, %dma_start3A_5] : memref<80x128xi32, #tpu.memory_space<vmem>> -> memref<1x128xi32, #tpu.memory_space<vmem>>
    %dma_start3A_7 = tpu.memref_squeeze %dma_start3A_6 : memref<1x128xi32, #tpu.memory_space<vmem>> -> memref<128xi32, #tpu.memory_space<vmem>>
    %dma_start3A_8 = arith.constant 0 : i32
    %dma_start3A_9 = arith.constant 0 : i32
    %dma_start3A_10 = tpu.memref_slice %arg9[%dma_start3A_8, %dma_start3A_9] : memref<10112x128xf32, #tpu.memory_space<vmem_shared>> -> memref<10112x128xf32, #tpu.memory_space<vmem_shared>>
    tpu.enqueue_indirect_dma source(%arg7 : memref<128x128xf32, #tpu.memory_space<vmem>>) target(%dma_start3A_10 : memref<10112x128xf32, #tpu.memory_space<vmem_shared>>) offsets(%dma_start3A_7 : memref<128xi32, #tpu.memory_space<vmem>>) semaphore(%arg8 : memref<!tpu.dma_semaphore, #tpu.memory_space<semaphore_mem>>) {add = true}
    %dma_start3A_11 = arith.constant 1 : i32
    %dma_start3A_12 = arith.constant 0 : i32
    %dma_start3A_13 = tpu.memref_slice %arg6[%dma_start3A_11, %dma_start3A_12] : memref<80x128xi32, #tpu.memory_space<vmem>> -> memref<1x128xi32, #tpu.memory_space<vmem>>
    %dma_start3A_14 = tpu.memref_squeeze %dma_start3A_13 : memref<1x128xi32, #tpu.memory_space<vmem>> -> memref<128xi32, #tpu.memory_space<vmem>>
    %dma_start3A_15 = arith.constant 0 : i32
    %dma_start3A_16 = arith.constant 0 : i32
    %dma_start3A_17 = tpu.memref_slice %arg9[%dma_start3A_15, %dma_start3A_16] : memref<10112x128xf32, #tpu.memory_space<vmem_shared>> -> memref<10112x128xf32, #tpu.memory_space<vmem_shared>>
    tpu.enqueue_indirect_dma source(%arg7 : memref<128x128xf32, #tpu.memory_space<vmem>>) target(%dma_start3A_17 : memref<10112x128xf32, #tpu.memory_space<vmem_shared>>) offsets(%dma_start3A_14 : memref<128xi32, #tpu.memory_space<vmem>>) semaphore(%arg8 : memref<!tpu.dma_semaphore, #tpu.memory_space<semaphore_mem>>) {add = true}
    %dma_start3A_18 = arith.constant 2 : i32
    %dma_start3A_19 = arith.constant 0 : i32
    %dma_start3A_20 = tpu.memref_slice %arg6[%dma_start3A_18, %dma_start3A_19] : memref<80x128xi32, #tpu.memory_space<vmem>> -> memref<1x128xi32, #tpu.memory_space<vmem>>
    %dma_start3A_21 = tpu.memref_squeeze %dma_start3A_20 : memref<1x128xi32, #tpu.memory_space<vmem>> -> memref<128xi32, #tpu.memory_space<vmem>>
    %dma_start3A_22 = arith.constant 0 : i32
    %dma_start3A_23 = arith.constant 0 : i32
    %dma_start3A_24 = tpu.memref_slice %arg9[%dma_start3A_22, %dma_start3A_23] : memref<10112x128xf32, #tpu.memory_space<vmem_shared>> -> memref<10112x128xf32, #tpu.memory_space<vmem_shared>>
    tpu.enqueue_indirect_dma source(%arg7 : memref<128x128xf32, #tpu.memory_space<vmem>>) target(%dma_start3A_24 : memref<10112x128xf32, #tpu.memory_space<vmem_shared>>) offsets(%dma_start3A_21 : memref<128xi32, #tpu.memory_space<vmem>>) semaphore(%arg8 : memref<!tpu.dma_semaphore, #tpu.memory_space<semaphore_mem>>) {add = true}
    %dma_start3A_25 = arith.constant 3 : i32
    %dma_start3A_26 = arith.constant 0 : i32
    %dma_start3A_27 = tpu.memref_slice %arg6[%dma_start3A_25, %dma_start3A_26] : memref<80x128xi32, #tpu.memory_space<vmem>> -> memref<1x128xi32, #tpu.memory_space<vmem>>
    %dma_start3A_28 = tpu.memref_squeeze %dma_start3A_27 : memref<1x128xi32, #tpu.memory_space<vmem>> -> memref<128xi32, #tpu.memory_space<vmem>>
    %dma_start3A_29 = arith.constant 0 : i32
    %dma_start3A_30 = arith.constant 0 : i32
    %dma_start3A_31 = tpu.memref_slice %arg9[%dma_start3A_29, %dma_start3A_30] : memref<10112x128xf32, #tpu.memory_space<vmem_shared>> -> memref<10112x128xf32, #tpu.memory_space<vmem_shared>>
    tpu.enqueue_indirect_dma source(%arg7 : memref<128x128xf32, #tpu.memory_space<vmem>>) target(%dma_start3A_31 : memref<10112x128xf32, #tpu.memory_space<vmem_shared>>) offsets(%dma_start3A_28 : memref<128xi32, #tpu.memory_space<vmem>>) semaphore(%arg8 : memref<!tpu.dma_semaphore, #tpu.memory_space<semaphore_mem>>) {add = true}
    %scan3A = arith.constant 0 : i32
    %scan3A_32 = arith.constant 1 : i32
    %scan3A_33 = arith.constant 19 : i32
    %scan3A_34 = arith.addi %scan3A_32, %scan3A_33 : i32
    %scan3A_35 = arith.constant 1 : i32
    scf.for %scan3A_38 = %scan3A_32 to %scan3A_34 step %scan3A_35  : i32 {
      tpu.wait_dma2 semaphore(%arg8 : memref<!tpu.dma_semaphore, #tpu.memory_space<semaphore_mem>>) src(%arg4 : memref<128x128xf32, #tpu.memory_space<hbm>>) dst(%arg7 : memref<128x128xf32, #tpu.memory_space<vmem>>)
      tpu.wait_dma2 semaphore(%arg8 : memref<!tpu.dma_semaphore, #tpu.memory_space<semaphore_mem>>) src(%arg4 : memref<128x128xf32, #tpu.memory_space<hbm>>) dst(%arg7 : memref<128x128xf32, #tpu.memory_space<vmem>>)
      tpu.wait_dma2 semaphore(%arg8 : memref<!tpu.dma_semaphore, #tpu.memory_space<semaphore_mem>>) src(%arg4 : memref<128x128xf32, #tpu.memory_space<hbm>>) dst(%arg7 : memref<128x128xf32, #tpu.memory_space<vmem>>)
      tpu.wait_dma2 semaphore(%arg8 : memref<!tpu.dma_semaphore, #tpu.memory_space<semaphore_mem>>) src(%arg4 : memref<128x128xf32, #tpu.memory_space<hbm>>) dst(%arg7 : memref<128x128xf32, #tpu.memory_space<vmem>>)
      %mul3A_39 = arith.constant 4 : i32
      %mul3A_40 = arith.muli %scan3A_38, %mul3A_39 : i32
      %add3A_41 = arith.constant 0 : i32
      %add3A_42 = arith.addi %mul3A_40, %add3A_41 : i32
      %dma_start3A_43 = arith.constant 0 : i32
      %dma_start3A_44 = tpu.memref_slice %arg6[%add3A_42, %dma_start3A_43] : memref<80x128xi32, #tpu.memory_space<vmem>> -> memref<1x128xi32, #tpu.memory_space<vmem>>
      %dma_start3A_45 = tpu.memref_squeeze %dma_start3A_44 : memref<1x128xi32, #tpu.memory_space<vmem>> -> memref<128xi32, #tpu.memory_space<vmem>>
      %dma_start3A_46 = arith.constant 0 : i32
      %dma_start3A_47 = arith.constant 0 : i32
      %dma_start3A_48 = tpu.memref_slice %arg9[%dma_start3A_46, %dma_start3A_47] : memref<10112x128xf32, #tpu.memory_space<vmem_shared>> -> memref<10112x128xf32, #tpu.memory_space<vmem_shared>>
      tpu.enqueue_indirect_dma source(%arg7 : memref<128x128xf32, #tpu.memory_space<vmem>>) target(%dma_start3A_48 : memref<10112x128xf32, #tpu.memory_space<vmem_shared>>) offsets(%dma_start3A_45 : memref<128xi32, #tpu.memory_space<vmem>>) semaphore(%arg8 : memref<!tpu.dma_semaphore, #tpu.memory_space<semaphore_mem>>) {add = true}
      %mul3A_49 = arith.constant 4 : i32
      %mul3A_50 = arith.muli %scan3A_38, %mul3A_49 : i32
      %add3A_51 = arith.constant 1 : i32
      %add3A_52 = arith.addi %mul3A_50, %add3A_51 : i32
      %dma_start3A_53 = arith.constant 0 : i32
      %dma_start3A_54 = tpu.memref_slice %arg6[%add3A_52, %dma_start3A_53] : memref<80x128xi32, #tpu.memory_space<vmem>> -> memref<1x128xi32, #tpu.memory_space<vmem>>
      %dma_start3A_55 = tpu.memref_squeeze %dma_start3A_54 : memref<1x128xi32, #tpu.memory_space<vmem>> -> memref<128xi32, #tpu.memory_space<vmem>>
      %dma_start3A_56 = arith.constant 0 : i32
      %dma_start3A_57 = arith.constant 0 : i32
      %dma_start3A_58 = tpu.memref_slice %arg9[%dma_start3A_56, %dma_start3A_57] : memref<10112x128xf32, #tpu.memory_space<vmem_shared>> -> memref<10112x128xf32, #tpu.memory_space<vmem_shared>>
      tpu.enqueue_indirect_dma source(%arg7 : memref<128x128xf32, #tpu.memory_space<vmem>>) target(%dma_start3A_58 : memref<10112x128xf32, #tpu.memory_space<vmem_shared>>) offsets(%dma_start3A_55 : memref<128xi32, #tpu.memory_space<vmem>>) semaphore(%arg8 : memref<!tpu.dma_semaphore, #tpu.memory_space<semaphore_mem>>) {add = true}
      %mul3A_59 = arith.constant 4 : i32
      %mul3A_60 = arith.muli %scan3A_38, %mul3A_59 : i32
      %add3A_61 = arith.constant 2 : i32
      %add3A_62 = arith.addi %mul3A_60, %add3A_61 : i32
      %dma_start3A_63 = arith.constant 0 : i32
      %dma_start3A_64 = tpu.memref_slice %arg6[%add3A_62, %dma_start3A_63] : memref<80x128xi32, #tpu.memory_space<vmem>> -> memref<1x128xi32, #tpu.memory_space<vmem>>
      %dma_start3A_65 = tpu.memref_squeeze %dma_start3A_64 : memref<1x128xi32, #tpu.memory_space<vmem>> -> memref<128xi32, #tpu.memory_space<vmem>>
      %dma_start3A_66 = arith.constant 0 : i32
      %dma_start3A_67 = arith.constant 0 : i32
      %dma_start3A_68 = tpu.memref_slice %arg9[%dma_start3A_66, %dma_start3A_67] : memref<10112x128xf32, #tpu.memory_space<vmem_shared>> -> memref<10112x128xf32, #tpu.memory_space<vmem_shared>>
      tpu.enqueue_indirect_dma source(%arg7 : memref<128x128xf32, #tpu.memory_space<vmem>>) target(%dma_start3A_68 : memref<10112x128xf32, #tpu.memory_space<vmem_shared>>) offsets(%dma_start3A_65 : memref<128xi32, #tpu.memory_space<vmem>>) semaphore(%arg8 : memref<!tpu.dma_semaphore, #tpu.memory_space<semaphore_mem>>) {add = true}
      %mul3A_69 = arith.constant 4 : i32
      %mul3A_70 = arith.muli %scan3A_38, %mul3A_69 : i32
      %add3A_71 = arith.constant 3 : i32
      %add3A_72 = arith.addi %mul3A_70, %add3A_71 : i32
      %dma_start3A_73 = arith.constant 0 : i32
      %dma_start3A_74 = tpu.memref_slice %arg6[%add3A_72, %dma_start3A_73] : memref<80x128xi32, #tpu.memory_space<vmem>> -> memref<1x128xi32, #tpu.memory_space<vmem>>
      %dma_start3A_75 = tpu.memref_squeeze %dma_start3A_74 : memref<1x128xi32, #tpu.memory_space<vmem>> -> memref<128xi32, #tpu.memory_space<vmem>>
      %dma_start3A_76 = arith.constant 0 : i32
      %dma_start3A_77 = arith.constant 0 : i32
      %dma_start3A_78 = tpu.memref_slice %arg9[%dma_start3A_76, %dma_start3A_77] : memref<10112x128xf32, #tpu.memory_space<vmem_shared>> -> memref<10112x128xf32, #tpu.memory_space<vmem_shared>>
      tpu.enqueue_indirect_dma source(%arg7 : memref<128x128xf32, #tpu.memory_space<vmem>>) target(%dma_start3A_78 : memref<10112x128xf32, #tpu.memory_space<vmem_shared>>) offsets(%dma_start3A_75 : memref<128xi32, #tpu.memory_space<vmem>>) semaphore(%arg8 : memref<!tpu.dma_semaphore, #tpu.memory_space<semaphore_mem>>) {add = true}
    }
    %scan3A_36 = arith.constant 19 : i32
    tpu.wait_dma2 semaphore(%arg8 : memref<!tpu.dma_semaphore, #tpu.memory_space<semaphore_mem>>) src(%arg4 : memref<128x128xf32, #tpu.memory_space<hbm>>) dst(%arg7 : memref<128x128xf32, #tpu.memory_space<vmem>>)
    tpu.wait_dma2 semaphore(%arg8 : memref<!tpu.dma_semaphore, #tpu.memory_space<semaphore_mem>>) src(%arg4 : memref<128x128xf32, #tpu.memory_space<hbm>>) dst(%arg7 : memref<128x128xf32, #tpu.memory_space<vmem>>)
    tpu.wait_dma2 semaphore(%arg8 : memref<!tpu.dma_semaphore, #tpu.memory_space<semaphore_mem>>) src(%arg4 : memref<128x128xf32, #tpu.memory_space<hbm>>) dst(%arg7 : memref<128x128xf32, #tpu.memory_space<vmem>>)
    tpu.wait_dma2 semaphore(%arg8 : memref<!tpu.dma_semaphore, #tpu.memory_space<semaphore_mem>>) src(%arg4 : memref<128x128xf32, #tpu.memory_space<hbm>>) dst(%arg7 : memref<128x128xf32, #tpu.memory_space<vmem>>)
    %barrier3A_37 = arith.constant 0 : index
    tpu.barrier barrier_id(%barrier3A_37)
    "tpu.region"() ({
      %run_scoped3A = tpu.sem_alloc : memref<!tpu.dma_semaphore, #tpu.memory_space<semaphore_mem>>
      %dma_start3A_38 = arith.constant 0 : i32
      %dma_start3A_39 = tpu.memref_slice %arg5[%arg0, %mul3A_2, %dma_start3A_38] : memref<2x10112x128xf32, #tpu.memory_space<hbm>> -> memref<1x632x128xf32, #tpu.memory_space<hbm>>
      %dma_start3A_40 = tpu.memref_squeeze %dma_start3A_39 : memref<1x632x128xf32, #tpu.memory_space<hbm>> -> memref<632x128xf32, #tpu.memory_space<hbm>>
      %dma_start3A_41 = arith.constant 0 : i32
      %dma_start3A_42 = tpu.memref_slice %arg9[%mul3A_2, %dma_start3A_41] : memref<10112x128xf32, #tpu.memory_space<vmem_shared>> -> memref<632x128xf32, #tpu.memory_space<vmem_shared>>
      tpu.enqueue_dma source(%dma_start3A_42 : memref<632x128xf32, #tpu.memory_space<vmem_shared>>) target(%dma_start3A_40 : memref<632x128xf32, #tpu.memory_space<hbm>>) target_semaphore(%run_scoped3A : memref<!tpu.dma_semaphore, #tpu.memory_space<semaphore_mem>>)
      %dma_wait3A = arith.constant 0 : i32
      %dma_wait3A_43 = tpu.memref_slice %arg5[%arg0, %mul3A_2, %dma_wait3A] : memref<2x10112x128xf32, #tpu.memory_space<hbm>> -> memref<1x632x128xf32, #tpu.memory_space<hbm>>
      %dma_wait3A_44 = tpu.memref_squeeze %dma_wait3A_43 : memref<1x632x128xf32, #tpu.memory_space<hbm>> -> memref<632x128xf32, #tpu.memory_space<hbm>>
      %dma_wait3A_45 = arith.constant 0 : i32
      %dma_wait3A_46 = tpu.memref_slice %arg9[%mul3A_2, %dma_wait3A_45] : memref<10112x128xf32, #tpu.memory_space<vmem_shared>> -> memref<632x128xf32, #tpu.memory_space<vmem_shared>>
      tpu.wait_dma2 semaphore(%run_scoped3A : memref<!tpu.dma_semaphore, #tpu.memory_space<semaphore_mem>>) src(%dma_wait3A_46 : memref<632x128xf32, #tpu.memory_space<vmem_shared>>) dst(%dma_wait3A_44 : memref<632x128xf32, #tpu.memory_space<hbm>>)
      tpu.yield
    }) : () -> ()
    return
  }
}

#map = affine_map<(d0, d1) -> (0, 0)>
#map1 = affine_map<(d0, d1) -> (0, 0, 0)>
module attributes {stable_mosaic.version = 14 : i64} {
  func.func @sc_message(%arg0: i32, %arg1: i32, %arg2: memref<10000x128xf32, #tpu.memory_space<hbm>>, %arg3: memref<2560x128xi32, #tpu.memory_space<hbm>>, %arg4: memref<2560x128xi32, #tpu.memory_space<hbm>>, %arg5: memref<10112x128xf32, #tpu.memory_space<hbm>>, %arg6: memref<2x10112x128xf32, #tpu.memory_space<hbm>>, %arg7: memref<40x128xi32, #tpu.memory_space<vmem>>, %arg8: memref<40x128xi32, #tpu.memory_space<vmem>>, %arg9: memref<128x128xf32, #tpu.memory_space<vmem>>, %arg10: memref<128x128xf32, #tpu.memory_space<vmem>>, %arg11: memref<!tpu.dma_semaphore, #tpu.memory_space<semaphore_mem>>, %arg12: memref<!tpu.dma_semaphore, #tpu.memory_space<semaphore_mem>>, %arg13: memref<!tpu.dma_semaphore, #tpu.memory_space<semaphore_mem>>, %arg14: memref<!tpu.dma_semaphore, #tpu.memory_space<semaphore_mem>>, %arg15: memref<10112x128xf32, #tpu.memory_space<vmem_shared>>) attributes {dimension_semantics = [#tpu.dimension_semantics<core_parallel>, #tpu.dimension_semantics<subcore_parallel>], iteration_bounds = array<i64: 2, 16>, scalar_prefetch = 0 : i64, scratch_operands = 9 : i64, tpu.core_type = #tpu.core_type<sc_vector_subcore>, window_params = [{transform_indices = #map}, {transform_indices = #map}, {transform_indices = #map}, {transform_indices = #map}, {transform_indices = #map1}]} {
    %mul3A = arith.constant 16 : i32
    %mul3A_0 = arith.muli %arg0, %mul3A : i32
    %add3A = arith.addi %mul3A_0, %arg1 : i32
    %mul3A_1 = arith.constant 632 : i32
    %mul3A_2 = arith.muli %arg1, %mul3A_1 : i32
    "tpu.region"() ({
      %run_scoped3A = tpu.sem_alloc : memref<!tpu.dma_semaphore, #tpu.memory_space<semaphore_mem>>
      %dma_start3A_73 = arith.constant 0 : i32
      %dma_start3A_74 = tpu.memref_slice %arg15[%mul3A_2, %dma_start3A_73] : memref<10112x128xf32, #tpu.memory_space<vmem_shared>> -> memref<632x128xf32, #tpu.memory_space<vmem_shared>>
      %dma_start3A_75 = arith.constant 0 : i32
      %dma_start3A_76 = tpu.memref_slice %arg5[%mul3A_2, %dma_start3A_75] : memref<10112x128xf32, #tpu.memory_space<hbm>> -> memref<632x128xf32, #tpu.memory_space<hbm>>
      tpu.enqueue_dma source(%dma_start3A_76 : memref<632x128xf32, #tpu.memory_space<hbm>>) target(%dma_start3A_74 : memref<632x128xf32, #tpu.memory_space<vmem_shared>>) target_semaphore(%run_scoped3A : memref<!tpu.dma_semaphore, #tpu.memory_space<semaphore_mem>>)
      %dma_wait3A_77 = arith.constant 0 : i32
      %dma_wait3A_78 = tpu.memref_slice %arg15[%mul3A_2, %dma_wait3A_77] : memref<10112x128xf32, #tpu.memory_space<vmem_shared>> -> memref<632x128xf32, #tpu.memory_space<vmem_shared>>
      %dma_wait3A_79 = arith.constant 0 : i32
      %dma_wait3A_80 = tpu.memref_slice %arg5[%mul3A_2, %dma_wait3A_79] : memref<10112x128xf32, #tpu.memory_space<hbm>> -> memref<632x128xf32, #tpu.memory_space<hbm>>
      tpu.wait_dma2 semaphore(%run_scoped3A : memref<!tpu.dma_semaphore, #tpu.memory_space<semaphore_mem>>) src(%dma_wait3A_80 : memref<632x128xf32, #tpu.memory_space<hbm>>) dst(%dma_wait3A_78 : memref<632x128xf32, #tpu.memory_space<vmem_shared>>)
      tpu.yield
    }) : () -> ()
    %barrier3A = arith.constant 0 : index
    tpu.barrier barrier_id(%barrier3A)
    %mul3A_3 = arith.constant 80 : i32
    %mul3A_4 = arith.muli %add3A, %mul3A_3 : i32
    %add3A_5 = arith.constant 0 : i32
    %add3A_6 = arith.addi %mul3A_4, %add3A_5 : i32
    "tpu.region"() ({
      %run_scoped3A = tpu.sem_alloc : memref<!tpu.dma_semaphore, #tpu.memory_space<semaphore_mem>>
      %dma_start3A_73 = arith.constant 0 : i32
      %dma_start3A_74 = tpu.memref_slice %arg3[%add3A_6, %dma_start3A_73] : memref<2560x128xi32, #tpu.memory_space<hbm>> -> memref<40x128xi32, #tpu.memory_space<hbm>>
      %dma_start3A_75 = arith.constant 0 : i32
      %dma_start3A_76 = tpu.memref_slice %arg3[%add3A_6, %dma_start3A_75] : memref<2560x128xi32, #tpu.memory_space<hbm>> -> memref<40x128xi32, #tpu.memory_space<hbm>>
      tpu.enqueue_dma source(%dma_start3A_76 : memref<40x128xi32, #tpu.memory_space<hbm>>) target(%arg7 : memref<40x128xi32, #tpu.memory_space<vmem>>) target_semaphore(%run_scoped3A : memref<!tpu.dma_semaphore, #tpu.memory_space<semaphore_mem>>)
      %dma_wait3A_77 = arith.constant 0 : i32
      %dma_wait3A_78 = tpu.memref_slice %arg3[%add3A_6, %dma_wait3A_77] : memref<2560x128xi32, #tpu.memory_space<hbm>> -> memref<40x128xi32, #tpu.memory_space<hbm>>
      %dma_wait3A_79 = arith.constant 0 : i32
      %dma_wait3A_80 = tpu.memref_slice %arg3[%add3A_6, %dma_wait3A_79] : memref<2560x128xi32, #tpu.memory_space<hbm>> -> memref<40x128xi32, #tpu.memory_space<hbm>>
      tpu.wait_dma2 semaphore(%run_scoped3A : memref<!tpu.dma_semaphore, #tpu.memory_space<semaphore_mem>>) src(%dma_wait3A_80 : memref<40x128xi32, #tpu.memory_space<hbm>>) dst(%arg7 : memref<40x128xi32, #tpu.memory_space<vmem>>)
      tpu.yield
    }) : () -> ()
    "tpu.region"() ({
      %run_scoped3A = tpu.sem_alloc : memref<!tpu.dma_semaphore, #tpu.memory_space<semaphore_mem>>
      %dma_start3A_73 = arith.constant 0 : i32
      %dma_start3A_74 = tpu.memref_slice %arg4[%add3A_6, %dma_start3A_73] : memref<2560x128xi32, #tpu.memory_space<hbm>> -> memref<40x128xi32, #tpu.memory_space<hbm>>
      %dma_start3A_75 = arith.constant 0 : i32
      %dma_start3A_76 = tpu.memref_slice %arg4[%add3A_6, %dma_start3A_75] : memref<2560x128xi32, #tpu.memory_space<hbm>> -> memref<40x128xi32, #tpu.memory_space<hbm>>
      tpu.enqueue_dma source(%dma_start3A_76 : memref<40x128xi32, #tpu.memory_space<hbm>>) target(%arg8 : memref<40x128xi32, #tpu.memory_space<vmem>>) target_semaphore(%run_scoped3A : memref<!tpu.dma_semaphore, #tpu.memory_space<semaphore_mem>>)
      %dma_wait3A_77 = arith.constant 0 : i32
      %dma_wait3A_78 = tpu.memref_slice %arg4[%add3A_6, %dma_wait3A_77] : memref<2560x128xi32, #tpu.memory_space<hbm>> -> memref<40x128xi32, #tpu.memory_space<hbm>>
      %dma_wait3A_79 = arith.constant 0 : i32
      %dma_wait3A_80 = tpu.memref_slice %arg4[%add3A_6, %dma_wait3A_79] : memref<2560x128xi32, #tpu.memory_space<hbm>> -> memref<40x128xi32, #tpu.memory_space<hbm>>
      tpu.wait_dma2 semaphore(%run_scoped3A : memref<!tpu.dma_semaphore, #tpu.memory_space<semaphore_mem>>) src(%dma_wait3A_80 : memref<40x128xi32, #tpu.memory_space<hbm>>) dst(%arg8 : memref<40x128xi32, #tpu.memory_space<vmem>>)
      tpu.yield
    }) : () -> ()
    %dma_start3A = arith.constant 0 : i32
    %dma_start3A_7 = arith.constant 0 : i32
    %dma_start3A_8 = tpu.memref_slice %arg7[%dma_start3A, %dma_start3A_7] : memref<40x128xi32, #tpu.memory_space<vmem>> -> memref<1x128xi32, #tpu.memory_space<vmem>>
    %dma_start3A_9 = tpu.memref_squeeze %dma_start3A_8 : memref<1x128xi32, #tpu.memory_space<vmem>> -> memref<128xi32, #tpu.memory_space<vmem>>
    %dma_start3A_10 = arith.constant 0 : i32
    %dma_start3A_11 = arith.constant 0 : i32
    %dma_start3A_12 = tpu.memref_slice %arg2[%dma_start3A_10, %dma_start3A_11] : memref<10000x128xf32, #tpu.memory_space<hbm>> -> memref<10000x128xf32, #tpu.memory_space<hbm>>
    tpu.enqueue_indirect_dma source(%dma_start3A_12 : memref<10000x128xf32, #tpu.memory_space<hbm>>) target(%arg9 : memref<128x128xf32, #tpu.memory_space<vmem>>) offsets(%dma_start3A_9 : memref<128xi32, #tpu.memory_space<vmem>>) semaphore(%arg11 : memref<!tpu.dma_semaphore, #tpu.memory_space<semaphore_mem>>)
    %dma_start3A_13 = arith.constant 1 : i32
    %dma_start3A_14 = arith.constant 0 : i32
    %dma_start3A_15 = tpu.memref_slice %arg7[%dma_start3A_13, %dma_start3A_14] : memref<40x128xi32, #tpu.memory_space<vmem>> -> memref<1x128xi32, #tpu.memory_space<vmem>>
    %dma_start3A_16 = tpu.memref_squeeze %dma_start3A_15 : memref<1x128xi32, #tpu.memory_space<vmem>> -> memref<128xi32, #tpu.memory_space<vmem>>
    %dma_start3A_17 = arith.constant 0 : i32
    %dma_start3A_18 = arith.constant 0 : i32
    %dma_start3A_19 = tpu.memref_slice %arg2[%dma_start3A_17, %dma_start3A_18] : memref<10000x128xf32, #tpu.memory_space<hbm>> -> memref<10000x128xf32, #tpu.memory_space<hbm>>
    tpu.enqueue_indirect_dma source(%dma_start3A_19 : memref<10000x128xf32, #tpu.memory_space<hbm>>) target(%arg10 : memref<128x128xf32, #tpu.memory_space<vmem>>) offsets(%dma_start3A_16 : memref<128xi32, #tpu.memory_space<vmem>>) semaphore(%arg12 : memref<!tpu.dma_semaphore, #tpu.memory_space<semaphore_mem>>)
    %scan3A = arith.constant 0 : i32
    %scan3A_20 = arith.constant 0 : i32
    %scan3A_21 = arith.constant 20 : i32
    %scan3A_22 = arith.addi %scan3A_20, %scan3A_21 : i32
    %scan3A_23 = arith.constant 1 : i32
    scf.for %scan3A_73 = %scan3A_20 to %scan3A_22 step %scan3A_23  : i32 {
      %mul3A_74 = arith.constant 2 : i32
      %mul3A_75 = arith.muli %mul3A_74, %scan3A_73 : i32
      %add3A_76 = arith.constant 0 : i32
      %add3A_77 = arith.addi %mul3A_75, %add3A_76 : i32
      %dma_wait3A_78 = arith.constant 0 : i32
      %dma_wait3A_79 = arith.constant 0 : i32
      %dma_wait3A_80 = tpu.memref_slice %arg2[%dma_wait3A_78, %dma_wait3A_79] : memref<10000x128xf32, #tpu.memory_space<hbm>> -> memref<128x128xf32, #tpu.memory_space<hbm>>
      %dma_wait3A_81 = arith.constant 0 : i32
      %dma_wait3A_82 = arith.constant 0 : i32
      %dma_wait3A_83 = tpu.memref_slice %arg2[%dma_wait3A_81, %dma_wait3A_82] : memref<10000x128xf32, #tpu.memory_space<hbm>> -> memref<128x128xf32, #tpu.memory_space<hbm>>
      tpu.wait_dma2 semaphore(%arg11 : memref<!tpu.dma_semaphore, #tpu.memory_space<semaphore_mem>>) src(%dma_wait3A_83 : memref<128x128xf32, #tpu.memory_space<hbm>>) dst(%arg9 : memref<128x128xf32, #tpu.memory_space<vmem>>)
      %dma_start3A_84 = arith.constant 0 : i32
      %dma_start3A_85 = tpu.memref_slice %arg8[%add3A_77, %dma_start3A_84] : memref<40x128xi32, #tpu.memory_space<vmem>> -> memref<1x128xi32, #tpu.memory_space<vmem>>
      %dma_start3A_86 = tpu.memref_squeeze %dma_start3A_85 : memref<1x128xi32, #tpu.memory_space<vmem>> -> memref<128xi32, #tpu.memory_space<vmem>>
      %dma_start3A_87 = arith.constant 0 : i32
      %dma_start3A_88 = arith.constant 0 : i32
      %dma_start3A_89 = tpu.memref_slice %arg15[%dma_start3A_87, %dma_start3A_88] : memref<10112x128xf32, #tpu.memory_space<vmem_shared>> -> memref<10112x128xf32, #tpu.memory_space<vmem_shared>>
      tpu.enqueue_indirect_dma source(%arg9 : memref<128x128xf32, #tpu.memory_space<vmem>>) target(%dma_start3A_89 : memref<10112x128xf32, #tpu.memory_space<vmem_shared>>) offsets(%dma_start3A_86 : memref<128xi32, #tpu.memory_space<vmem>>) semaphore(%arg13 : memref<!tpu.dma_semaphore, #tpu.memory_space<semaphore_mem>>) {add = true}
      %mul3A_90 = arith.constant 2 : i32
      %mul3A_91 = arith.muli %mul3A_90, %scan3A_73 : i32
      %add3A_92 = arith.constant 1 : i32
      %add3A_93 = arith.addi %mul3A_91, %add3A_92 : i32
      %dma_wait3A_94 = arith.constant 0 : i32
      %dma_wait3A_95 = arith.constant 0 : i32
      %dma_wait3A_96 = tpu.memref_slice %arg2[%dma_wait3A_94, %dma_wait3A_95] : memref<10000x128xf32, #tpu.memory_space<hbm>> -> memref<128x128xf32, #tpu.memory_space<hbm>>
      %dma_wait3A_97 = arith.constant 0 : i32
      %dma_wait3A_98 = arith.constant 0 : i32
      %dma_wait3A_99 = tpu.memref_slice %arg2[%dma_wait3A_97, %dma_wait3A_98] : memref<10000x128xf32, #tpu.memory_space<hbm>> -> memref<128x128xf32, #tpu.memory_space<hbm>>
      tpu.wait_dma2 semaphore(%arg12 : memref<!tpu.dma_semaphore, #tpu.memory_space<semaphore_mem>>) src(%dma_wait3A_99 : memref<128x128xf32, #tpu.memory_space<hbm>>) dst(%arg9 : memref<128x128xf32, #tpu.memory_space<vmem>>)
      %dma_start3A_100 = arith.constant 0 : i32
      %dma_start3A_101 = tpu.memref_slice %arg8[%add3A_93, %dma_start3A_100] : memref<40x128xi32, #tpu.memory_space<vmem>> -> memref<1x128xi32, #tpu.memory_space<vmem>>
      %dma_start3A_102 = tpu.memref_squeeze %dma_start3A_101 : memref<1x128xi32, #tpu.memory_space<vmem>> -> memref<128xi32, #tpu.memory_space<vmem>>
      %dma_start3A_103 = arith.constant 0 : i32
      %dma_start3A_104 = arith.constant 0 : i32
      %dma_start3A_105 = tpu.memref_slice %arg15[%dma_start3A_103, %dma_start3A_104] : memref<10112x128xf32, #tpu.memory_space<vmem_shared>> -> memref<10112x128xf32, #tpu.memory_space<vmem_shared>>
      tpu.enqueue_indirect_dma source(%arg10 : memref<128x128xf32, #tpu.memory_space<vmem>>) target(%dma_start3A_105 : memref<10112x128xf32, #tpu.memory_space<vmem_shared>>) offsets(%dma_start3A_102 : memref<128xi32, #tpu.memory_space<vmem>>) semaphore(%arg14 : memref<!tpu.dma_semaphore, #tpu.memory_space<semaphore_mem>>) {add = true}
      %mul3A_106 = arith.constant 2 : i32
      %mul3A_107 = arith.muli %mul3A_106, %scan3A_73 : i32
      %add3A_108 = arith.constant 2 : i32
      %add3A_109 = arith.addi %mul3A_107, %add3A_108 : i32
      %add3A_110 = arith.constant 0 : i32
      %add3A_111 = arith.addi %add3A_109, %add3A_110 : i32
      %lt3A = arith.constant 40 : i32
      %lt3A_112 = arith.cmpi slt, %add3A_111, %lt3A : i32
      %convert_element_type3A = arith.extui %lt3A_112 : i1 to i32
      %cond3A = arith.constant 0 : i32
      %cond3A_113 = arith.cmpi ne, %convert_element_type3A, %cond3A : i32
      scf.if %cond3A_113 {
        %dma_wait3A_125 = arith.constant 0 : i32
        %dma_wait3A_126 = arith.constant 0 : i32
        %dma_wait3A_127 = tpu.memref_slice %arg2[%dma_wait3A_125, %dma_wait3A_126] : memref<10000x128xf32, #tpu.memory_space<hbm>> -> memref<128x128xf32, #tpu.memory_space<hbm>>
        %dma_wait3A_128 = arith.constant 0 : i32
        %dma_wait3A_129 = arith.constant 0 : i32
        %dma_wait3A_130 = tpu.memref_slice %arg2[%dma_wait3A_128, %dma_wait3A_129] : memref<10000x128xf32, #tpu.memory_space<hbm>> -> memref<128x128xf32, #tpu.memory_space<hbm>>
        tpu.wait_dma2 semaphore(%arg13 : memref<!tpu.dma_semaphore, #tpu.memory_space<semaphore_mem>>) src(%dma_wait3A_130 : memref<128x128xf32, #tpu.memory_space<hbm>>) dst(%arg9 : memref<128x128xf32, #tpu.memory_space<vmem>>)
        %dma_start3A_131 = arith.constant 0 : i32
        %dma_start3A_132 = tpu.memref_slice %arg7[%add3A_111, %dma_start3A_131] : memref<40x128xi32, #tpu.memory_space<vmem>> -> memref<1x128xi32, #tpu.memory_space<vmem>>
        %dma_start3A_133 = tpu.memref_squeeze %dma_start3A_132 : memref<1x128xi32, #tpu.memory_space<vmem>> -> memref<128xi32, #tpu.memory_space<vmem>>
        %dma_start3A_134 = arith.constant 0 : i32
        %dma_start3A_135 = arith.constant 0 : i32
        %dma_start3A_136 = tpu.memref_slice %arg2[%dma_start3A_134, %dma_start3A_135] : memref<10000x128xf32, #tpu.memory_space<hbm>> -> memref<10000x128xf32, #tpu.memory_space<hbm>>
        tpu.enqueue_indirect_dma source(%dma_start3A_136 : memref<10000x128xf32, #tpu.memory_space<hbm>>) target(%arg9 : memref<128x128xf32, #tpu.memory_space<vmem>>) offsets(%dma_start3A_133 : memref<128xi32, #tpu.memory_space<vmem>>) semaphore(%arg11 : memref<!tpu.dma_semaphore, #tpu.memory_space<semaphore_mem>>)
      } else {
      }
      %mul3A_114 = arith.constant 2 : i32
      %mul3A_115 = arith.muli %mul3A_114, %scan3A_73 : i32
      %add3A_116 = arith.constant 2 : i32
      %add3A_117 = arith.addi %mul3A_115, %add3A_116 : i32
      %add3A_118 = arith.constant 1 : i32
      %add3A_119 = arith.addi %add3A_117, %add3A_118 : i32
      %lt3A_120 = arith.constant 40 : i32
      %lt3A_121 = arith.cmpi slt, %add3A_119, %lt3A_120 : i32
      %convert_element_type3A_122 = arith.extui %lt3A_121 : i1 to i32
      %cond3A_123 = arith.constant 0 : i32
      %cond3A_124 = arith.cmpi ne, %convert_element_type3A_122, %cond3A_123 : i32
      scf.if %cond3A_124 {
        %dma_wait3A_125 = arith.constant 0 : i32
        %dma_wait3A_126 = arith.constant 0 : i32
        %dma_wait3A_127 = tpu.memref_slice %arg2[%dma_wait3A_125, %dma_wait3A_126] : memref<10000x128xf32, #tpu.memory_space<hbm>> -> memref<128x128xf32, #tpu.memory_space<hbm>>
        %dma_wait3A_128 = arith.constant 0 : i32
        %dma_wait3A_129 = arith.constant 0 : i32
        %dma_wait3A_130 = tpu.memref_slice %arg2[%dma_wait3A_128, %dma_wait3A_129] : memref<10000x128xf32, #tpu.memory_space<hbm>> -> memref<128x128xf32, #tpu.memory_space<hbm>>
        tpu.wait_dma2 semaphore(%arg14 : memref<!tpu.dma_semaphore, #tpu.memory_space<semaphore_mem>>) src(%dma_wait3A_130 : memref<128x128xf32, #tpu.memory_space<hbm>>) dst(%arg9 : memref<128x128xf32, #tpu.memory_space<vmem>>)
        %dma_start3A_131 = arith.constant 0 : i32
        %dma_start3A_132 = tpu.memref_slice %arg7[%add3A_119, %dma_start3A_131] : memref<40x128xi32, #tpu.memory_space<vmem>> -> memref<1x128xi32, #tpu.memory_space<vmem>>
        %dma_start3A_133 = tpu.memref_squeeze %dma_start3A_132 : memref<1x128xi32, #tpu.memory_space<vmem>> -> memref<128xi32, #tpu.memory_space<vmem>>
        %dma_start3A_134 = arith.constant 0 : i32
        %dma_start3A_135 = arith.constant 0 : i32
        %dma_start3A_136 = tpu.memref_slice %arg2[%dma_start3A_134, %dma_start3A_135] : memref<10000x128xf32, #tpu.memory_space<hbm>> -> memref<10000x128xf32, #tpu.memory_space<hbm>>
        tpu.enqueue_indirect_dma source(%dma_start3A_136 : memref<10000x128xf32, #tpu.memory_space<hbm>>) target(%arg10 : memref<128x128xf32, #tpu.memory_space<vmem>>) offsets(%dma_start3A_133 : memref<128xi32, #tpu.memory_space<vmem>>) semaphore(%arg12 : memref<!tpu.dma_semaphore, #tpu.memory_space<semaphore_mem>>)
      } else {
      }
    }
    %scan3A_24 = arith.constant 20 : i32
    %dma_wait3A = arith.constant 0 : i32
    %dma_wait3A_25 = arith.constant 0 : i32
    %dma_wait3A_26 = tpu.memref_slice %arg2[%dma_wait3A, %dma_wait3A_25] : memref<10000x128xf32, #tpu.memory_space<hbm>> -> memref<128x128xf32, #tpu.memory_space<hbm>>
    %dma_wait3A_27 = arith.constant 0 : i32
    %dma_wait3A_28 = arith.constant 0 : i32
    %dma_wait3A_29 = tpu.memref_slice %arg2[%dma_wait3A_27, %dma_wait3A_28] : memref<10000x128xf32, #tpu.memory_space<hbm>> -> memref<128x128xf32, #tpu.memory_space<hbm>>
    tpu.wait_dma2 semaphore(%arg13 : memref<!tpu.dma_semaphore, #tpu.memory_space<semaphore_mem>>) src(%dma_wait3A_29 : memref<128x128xf32, #tpu.memory_space<hbm>>) dst(%arg9 : memref<128x128xf32, #tpu.memory_space<vmem>>)
    %dma_wait3A_30 = arith.constant 0 : i32
    %dma_wait3A_31 = arith.constant 0 : i32
    %dma_wait3A_32 = tpu.memref_slice %arg2[%dma_wait3A_30, %dma_wait3A_31] : memref<10000x128xf32, #tpu.memory_space<hbm>> -> memref<128x128xf32, #tpu.memory_space<hbm>>
    %dma_wait3A_33 = arith.constant 0 : i32
    %dma_wait3A_34 = arith.constant 0 : i32
    %dma_wait3A_35 = tpu.memref_slice %arg2[%dma_wait3A_33, %dma_wait3A_34] : memref<10000x128xf32, #tpu.memory_space<hbm>> -> memref<128x128xf32, #tpu.memory_space<hbm>>
    tpu.wait_dma2 semaphore(%arg14 : memref<!tpu.dma_semaphore, #tpu.memory_space<semaphore_mem>>) src(%dma_wait3A_35 : memref<128x128xf32, #tpu.memory_space<hbm>>) dst(%arg9 : memref<128x128xf32, #tpu.memory_space<vmem>>)
    %mul3A_36 = arith.constant 80 : i32
    %mul3A_37 = arith.muli %add3A, %mul3A_36 : i32
    %add3A_38 = arith.constant 40 : i32
    %add3A_39 = arith.addi %mul3A_37, %add3A_38 : i32
    "tpu.region"() ({
      %run_scoped3A = tpu.sem_alloc : memref<!tpu.dma_semaphore, #tpu.memory_space<semaphore_mem>>
      %dma_start3A_73 = arith.constant 0 : i32
      %dma_start3A_74 = tpu.memref_slice %arg3[%add3A_39, %dma_start3A_73] : memref<2560x128xi32, #tpu.memory_space<hbm>> -> memref<40x128xi32, #tpu.memory_space<hbm>>
      %dma_start3A_75 = arith.constant 0 : i32
      %dma_start3A_76 = tpu.memref_slice %arg3[%add3A_39, %dma_start3A_75] : memref<2560x128xi32, #tpu.memory_space<hbm>> -> memref<40x128xi32, #tpu.memory_space<hbm>>
      tpu.enqueue_dma source(%dma_start3A_76 : memref<40x128xi32, #tpu.memory_space<hbm>>) target(%arg7 : memref<40x128xi32, #tpu.memory_space<vmem>>) target_semaphore(%run_scoped3A : memref<!tpu.dma_semaphore, #tpu.memory_space<semaphore_mem>>)
      %dma_wait3A_77 = arith.constant 0 : i32
      %dma_wait3A_78 = tpu.memref_slice %arg3[%add3A_39, %dma_wait3A_77] : memref<2560x128xi32, #tpu.memory_space<hbm>> -> memref<40x128xi32, #tpu.memory_space<hbm>>
      %dma_wait3A_79 = arith.constant 0 : i32
      %dma_wait3A_80 = tpu.memref_slice %arg3[%add3A_39, %dma_wait3A_79] : memref<2560x128xi32, #tpu.memory_space<hbm>> -> memref<40x128xi32, #tpu.memory_space<hbm>>
      tpu.wait_dma2 semaphore(%run_scoped3A : memref<!tpu.dma_semaphore, #tpu.memory_space<semaphore_mem>>) src(%dma_wait3A_80 : memref<40x128xi32, #tpu.memory_space<hbm>>) dst(%arg7 : memref<40x128xi32, #tpu.memory_space<vmem>>)
      tpu.yield
    }) : () -> ()
    "tpu.region"() ({
      %run_scoped3A = tpu.sem_alloc : memref<!tpu.dma_semaphore, #tpu.memory_space<semaphore_mem>>
      %dma_start3A_73 = arith.constant 0 : i32
      %dma_start3A_74 = tpu.memref_slice %arg4[%add3A_39, %dma_start3A_73] : memref<2560x128xi32, #tpu.memory_space<hbm>> -> memref<40x128xi32, #tpu.memory_space<hbm>>
      %dma_start3A_75 = arith.constant 0 : i32
      %dma_start3A_76 = tpu.memref_slice %arg4[%add3A_39, %dma_start3A_75] : memref<2560x128xi32, #tpu.memory_space<hbm>> -> memref<40x128xi32, #tpu.memory_space<hbm>>
      tpu.enqueue_dma source(%dma_start3A_76 : memref<40x128xi32, #tpu.memory_space<hbm>>) target(%arg8 : memref<40x128xi32, #tpu.memory_space<vmem>>) target_semaphore(%run_scoped3A : memref<!tpu.dma_semaphore, #tpu.memory_space<semaphore_mem>>)
      %dma_wait3A_77 = arith.constant 0 : i32
      %dma_wait3A_78 = tpu.memref_slice %arg4[%add3A_39, %dma_wait3A_77] : memref<2560x128xi32, #tpu.memory_space<hbm>> -> memref<40x128xi32, #tpu.memory_space<hbm>>
      %dma_wait3A_79 = arith.constant 0 : i32
      %dma_wait3A_80 = tpu.memref_slice %arg4[%add3A_39, %dma_wait3A_79] : memref<2560x128xi32, #tpu.memory_space<hbm>> -> memref<40x128xi32, #tpu.memory_space<hbm>>
      tpu.wait_dma2 semaphore(%run_scoped3A : memref<!tpu.dma_semaphore, #tpu.memory_space<semaphore_mem>>) src(%dma_wait3A_80 : memref<40x128xi32, #tpu.memory_space<hbm>>) dst(%arg8 : memref<40x128xi32, #tpu.memory_space<vmem>>)
      tpu.yield
    }) : () -> ()
    %dma_start3A_40 = arith.constant 0 : i32
    %dma_start3A_41 = arith.constant 0 : i32
    %dma_start3A_42 = tpu.memref_slice %arg7[%dma_start3A_40, %dma_start3A_41] : memref<40x128xi32, #tpu.memory_space<vmem>> -> memref<1x128xi32, #tpu.memory_space<vmem>>
    %dma_start3A_43 = tpu.memref_squeeze %dma_start3A_42 : memref<1x128xi32, #tpu.memory_space<vmem>> -> memref<128xi32, #tpu.memory_space<vmem>>
    %dma_start3A_44 = arith.constant 0 : i32
    %dma_start3A_45 = arith.constant 0 : i32
    %dma_start3A_46 = tpu.memref_slice %arg2[%dma_start3A_44, %dma_start3A_45] : memref<10000x128xf32, #tpu.memory_space<hbm>> -> memref<10000x128xf32, #tpu.memory_space<hbm>>
    tpu.enqueue_indirect_dma source(%dma_start3A_46 : memref<10000x128xf32, #tpu.memory_space<hbm>>) target(%arg9 : memref<128x128xf32, #tpu.memory_space<vmem>>) offsets(%dma_start3A_43 : memref<128xi32, #tpu.memory_space<vmem>>) semaphore(%arg11 : memref<!tpu.dma_semaphore, #tpu.memory_space<semaphore_mem>>)
    %dma_start3A_47 = arith.constant 1 : i32
    %dma_start3A_48 = arith.constant 0 : i32
    %dma_start3A_49 = tpu.memref_slice %arg7[%dma_start3A_47, %dma_start3A_48] : memref<40x128xi32, #tpu.memory_space<vmem>> -> memref<1x128xi32, #tpu.memory_space<vmem>>
    %dma_start3A_50 = tpu.memref_squeeze %dma_start3A_49 : memref<1x128xi32, #tpu.memory_space<vmem>> -> memref<128xi32, #tpu.memory_space<vmem>>
    %dma_start3A_51 = arith.constant 0 : i32
    %dma_start3A_52 = arith.constant 0 : i32
    %dma_start3A_53 = tpu.memref_slice %arg2[%dma_start3A_51, %dma_start3A_52] : memref<10000x128xf32, #tpu.memory_space<hbm>> -> memref<10000x128xf32, #tpu.memory_space<hbm>>
    tpu.enqueue_indirect_dma source(%dma_start3A_53 : memref<10000x128xf32, #tpu.memory_space<hbm>>) target(%arg10 : memref<128x128xf32, #tpu.memory_space<vmem>>) offsets(%dma_start3A_50 : memref<128xi32, #tpu.memory_space<vmem>>) semaphore(%arg12 : memref<!tpu.dma_semaphore, #tpu.memory_space<semaphore_mem>>)
    %scan3A_54 = arith.constant 0 : i32
    %scan3A_55 = arith.constant 0 : i32
    %scan3A_56 = arith.constant 20 : i32
    %scan3A_57 = arith.addi %scan3A_55, %scan3A_56 : i32
    %scan3A_58 = arith.constant 1 : i32
    scf.for %scan3A_73 = %scan3A_55 to %scan3A_57 step %scan3A_58  : i32 {
      %mul3A_74 = arith.constant 2 : i32
      %mul3A_75 = arith.muli %mul3A_74, %scan3A_73 : i32
      %add3A_76 = arith.constant 0 : i32
      %add3A_77 = arith.addi %mul3A_75, %add3A_76 : i32
      %dma_wait3A_78 = arith.constant 0 : i32
      %dma_wait3A_79 = arith.constant 0 : i32
      %dma_wait3A_80 = tpu.memref_slice %arg2[%dma_wait3A_78, %dma_wait3A_79] : memref<10000x128xf32, #tpu.memory_space<hbm>> -> memref<128x128xf32, #tpu.memory_space<hbm>>
      %dma_wait3A_81 = arith.constant 0 : i32
      %dma_wait3A_82 = arith.constant 0 : i32
      %dma_wait3A_83 = tpu.memref_slice %arg2[%dma_wait3A_81, %dma_wait3A_82] : memref<10000x128xf32, #tpu.memory_space<hbm>> -> memref<128x128xf32, #tpu.memory_space<hbm>>
      tpu.wait_dma2 semaphore(%arg11 : memref<!tpu.dma_semaphore, #tpu.memory_space<semaphore_mem>>) src(%dma_wait3A_83 : memref<128x128xf32, #tpu.memory_space<hbm>>) dst(%arg9 : memref<128x128xf32, #tpu.memory_space<vmem>>)
      %dma_start3A_84 = arith.constant 0 : i32
      %dma_start3A_85 = tpu.memref_slice %arg8[%add3A_77, %dma_start3A_84] : memref<40x128xi32, #tpu.memory_space<vmem>> -> memref<1x128xi32, #tpu.memory_space<vmem>>
      %dma_start3A_86 = tpu.memref_squeeze %dma_start3A_85 : memref<1x128xi32, #tpu.memory_space<vmem>> -> memref<128xi32, #tpu.memory_space<vmem>>
      %dma_start3A_87 = arith.constant 0 : i32
      %dma_start3A_88 = arith.constant 0 : i32
      %dma_start3A_89 = tpu.memref_slice %arg15[%dma_start3A_87, %dma_start3A_88] : memref<10112x128xf32, #tpu.memory_space<vmem_shared>> -> memref<10112x128xf32, #tpu.memory_space<vmem_shared>>
      tpu.enqueue_indirect_dma source(%arg9 : memref<128x128xf32, #tpu.memory_space<vmem>>) target(%dma_start3A_89 : memref<10112x128xf32, #tpu.memory_space<vmem_shared>>) offsets(%dma_start3A_86 : memref<128xi32, #tpu.memory_space<vmem>>) semaphore(%arg13 : memref<!tpu.dma_semaphore, #tpu.memory_space<semaphore_mem>>) {add = true}
      %mul3A_90 = arith.constant 2 : i32
      %mul3A_91 = arith.muli %mul3A_90, %scan3A_73 : i32
      %add3A_92 = arith.constant 1 : i32
      %add3A_93 = arith.addi %mul3A_91, %add3A_92 : i32
      %dma_wait3A_94 = arith.constant 0 : i32
      %dma_wait3A_95 = arith.constant 0 : i32
      %dma_wait3A_96 = tpu.memref_slice %arg2[%dma_wait3A_94, %dma_wait3A_95] : memref<10000x128xf32, #tpu.memory_space<hbm>> -> memref<128x128xf32, #tpu.memory_space<hbm>>
      %dma_wait3A_97 = arith.constant 0 : i32
      %dma_wait3A_98 = arith.constant 0 : i32
      %dma_wait3A_99 = tpu.memref_slice %arg2[%dma_wait3A_97, %dma_wait3A_98] : memref<10000x128xf32, #tpu.memory_space<hbm>> -> memref<128x128xf32, #tpu.memory_space<hbm>>
      tpu.wait_dma2 semaphore(%arg12 : memref<!tpu.dma_semaphore, #tpu.memory_space<semaphore_mem>>) src(%dma_wait3A_99 : memref<128x128xf32, #tpu.memory_space<hbm>>) dst(%arg9 : memref<128x128xf32, #tpu.memory_space<vmem>>)
      %dma_start3A_100 = arith.constant 0 : i32
      %dma_start3A_101 = tpu.memref_slice %arg8[%add3A_93, %dma_start3A_100] : memref<40x128xi32, #tpu.memory_space<vmem>> -> memref<1x128xi32, #tpu.memory_space<vmem>>
      %dma_start3A_102 = tpu.memref_squeeze %dma_start3A_101 : memref<1x128xi32, #tpu.memory_space<vmem>> -> memref<128xi32, #tpu.memory_space<vmem>>
      %dma_start3A_103 = arith.constant 0 : i32
      %dma_start3A_104 = arith.constant 0 : i32
      %dma_start3A_105 = tpu.memref_slice %arg15[%dma_start3A_103, %dma_start3A_104] : memref<10112x128xf32, #tpu.memory_space<vmem_shared>> -> memref<10112x128xf32, #tpu.memory_space<vmem_shared>>
      tpu.enqueue_indirect_dma source(%arg10 : memref<128x128xf32, #tpu.memory_space<vmem>>) target(%dma_start3A_105 : memref<10112x128xf32, #tpu.memory_space<vmem_shared>>) offsets(%dma_start3A_102 : memref<128xi32, #tpu.memory_space<vmem>>) semaphore(%arg14 : memref<!tpu.dma_semaphore, #tpu.memory_space<semaphore_mem>>) {add = true}
      %mul3A_106 = arith.constant 2 : i32
      %mul3A_107 = arith.muli %mul3A_106, %scan3A_73 : i32
      %add3A_108 = arith.constant 2 : i32
      %add3A_109 = arith.addi %mul3A_107, %add3A_108 : i32
      %add3A_110 = arith.constant 0 : i32
      %add3A_111 = arith.addi %add3A_109, %add3A_110 : i32
      %lt3A = arith.constant 40 : i32
      %lt3A_112 = arith.cmpi slt, %add3A_111, %lt3A : i32
      %convert_element_type3A = arith.extui %lt3A_112 : i1 to i32
      %cond3A = arith.constant 0 : i32
      %cond3A_113 = arith.cmpi ne, %convert_element_type3A, %cond3A : i32
      scf.if %cond3A_113 {
        %dma_wait3A_125 = arith.constant 0 : i32
        %dma_wait3A_126 = arith.constant 0 : i32
        %dma_wait3A_127 = tpu.memref_slice %arg2[%dma_wait3A_125, %dma_wait3A_126] : memref<10000x128xf32, #tpu.memory_space<hbm>> -> memref<128x128xf32, #tpu.memory_space<hbm>>
        %dma_wait3A_128 = arith.constant 0 : i32
        %dma_wait3A_129 = arith.constant 0 : i32
        %dma_wait3A_130 = tpu.memref_slice %arg2[%dma_wait3A_128, %dma_wait3A_129] : memref<10000x128xf32, #tpu.memory_space<hbm>> -> memref<128x128xf32, #tpu.memory_space<hbm>>
        tpu.wait_dma2 semaphore(%arg13 : memref<!tpu.dma_semaphore, #tpu.memory_space<semaphore_mem>>) src(%dma_wait3A_130 : memref<128x128xf32, #tpu.memory_space<hbm>>) dst(%arg9 : memref<128x128xf32, #tpu.memory_space<vmem>>)
        %dma_start3A_131 = arith.constant 0 : i32
        %dma_start3A_132 = tpu.memref_slice %arg7[%add3A_111, %dma_start3A_131] : memref<40x128xi32, #tpu.memory_space<vmem>> -> memref<1x128xi32, #tpu.memory_space<vmem>>
        %dma_start3A_133 = tpu.memref_squeeze %dma_start3A_132 : memref<1x128xi32, #tpu.memory_space<vmem>> -> memref<128xi32, #tpu.memory_space<vmem>>
        %dma_start3A_134 = arith.constant 0 : i32
        %dma_start3A_135 = arith.constant 0 : i32
        %dma_start3A_136 = tpu.memref_slice %arg2[%dma_start3A_134, %dma_start3A_135] : memref<10000x128xf32, #tpu.memory_space<hbm>> -> memref<10000x128xf32, #tpu.memory_space<hbm>>
        tpu.enqueue_indirect_dma source(%dma_start3A_136 : memref<10000x128xf32, #tpu.memory_space<hbm>>) target(%arg9 : memref<128x128xf32, #tpu.memory_space<vmem>>) offsets(%dma_start3A_133 : memref<128xi32, #tpu.memory_space<vmem>>) semaphore(%arg11 : memref<!tpu.dma_semaphore, #tpu.memory_space<semaphore_mem>>)
      } else {
      }
      %mul3A_114 = arith.constant 2 : i32
      %mul3A_115 = arith.muli %mul3A_114, %scan3A_73 : i32
      %add3A_116 = arith.constant 2 : i32
      %add3A_117 = arith.addi %mul3A_115, %add3A_116 : i32
      %add3A_118 = arith.constant 1 : i32
      %add3A_119 = arith.addi %add3A_117, %add3A_118 : i32
      %lt3A_120 = arith.constant 40 : i32
      %lt3A_121 = arith.cmpi slt, %add3A_119, %lt3A_120 : i32
      %convert_element_type3A_122 = arith.extui %lt3A_121 : i1 to i32
      %cond3A_123 = arith.constant 0 : i32
      %cond3A_124 = arith.cmpi ne, %convert_element_type3A_122, %cond3A_123 : i32
      scf.if %cond3A_124 {
        %dma_wait3A_125 = arith.constant 0 : i32
        %dma_wait3A_126 = arith.constant 0 : i32
        %dma_wait3A_127 = tpu.memref_slice %arg2[%dma_wait3A_125, %dma_wait3A_126] : memref<10000x128xf32, #tpu.memory_space<hbm>> -> memref<128x128xf32, #tpu.memory_space<hbm>>
        %dma_wait3A_128 = arith.constant 0 : i32
        %dma_wait3A_129 = arith.constant 0 : i32
        %dma_wait3A_130 = tpu.memref_slice %arg2[%dma_wait3A_128, %dma_wait3A_129] : memref<10000x128xf32, #tpu.memory_space<hbm>> -> memref<128x128xf32, #tpu.memory_space<hbm>>
        tpu.wait_dma2 semaphore(%arg14 : memref<!tpu.dma_semaphore, #tpu.memory_space<semaphore_mem>>) src(%dma_wait3A_130 : memref<128x128xf32, #tpu.memory_space<hbm>>) dst(%arg9 : memref<128x128xf32, #tpu.memory_space<vmem>>)
        %dma_start3A_131 = arith.constant 0 : i32
        %dma_start3A_132 = tpu.memref_slice %arg7[%add3A_119, %dma_start3A_131] : memref<40x128xi32, #tpu.memory_space<vmem>> -> memref<1x128xi32, #tpu.memory_space<vmem>>
        %dma_start3A_133 = tpu.memref_squeeze %dma_start3A_132 : memref<1x128xi32, #tpu.memory_space<vmem>> -> memref<128xi32, #tpu.memory_space<vmem>>
        %dma_start3A_134 = arith.constant 0 : i32
        %dma_start3A_135 = arith.constant 0 : i32
        %dma_start3A_136 = tpu.memref_slice %arg2[%dma_start3A_134, %dma_start3A_135] : memref<10000x128xf32, #tpu.memory_space<hbm>> -> memref<10000x128xf32, #tpu.memory_space<hbm>>
        tpu.enqueue_indirect_dma source(%dma_start3A_136 : memref<10000x128xf32, #tpu.memory_space<hbm>>) target(%arg10 : memref<128x128xf32, #tpu.memory_space<vmem>>) offsets(%dma_start3A_133 : memref<128xi32, #tpu.memory_space<vmem>>) semaphore(%arg12 : memref<!tpu.dma_semaphore, #tpu.memory_space<semaphore_mem>>)
      } else {
      }
    }
    %scan3A_59 = arith.constant 20 : i32
    %dma_wait3A_60 = arith.constant 0 : i32
    %dma_wait3A_61 = arith.constant 0 : i32
    %dma_wait3A_62 = tpu.memref_slice %arg2[%dma_wait3A_60, %dma_wait3A_61] : memref<10000x128xf32, #tpu.memory_space<hbm>> -> memref<128x128xf32, #tpu.memory_space<hbm>>
    %dma_wait3A_63 = arith.constant 0 : i32
    %dma_wait3A_64 = arith.constant 0 : i32
    %dma_wait3A_65 = tpu.memref_slice %arg2[%dma_wait3A_63, %dma_wait3A_64] : memref<10000x128xf32, #tpu.memory_space<hbm>> -> memref<128x128xf32, #tpu.memory_space<hbm>>
    tpu.wait_dma2 semaphore(%arg13 : memref<!tpu.dma_semaphore, #tpu.memory_space<semaphore_mem>>) src(%dma_wait3A_65 : memref<128x128xf32, #tpu.memory_space<hbm>>) dst(%arg9 : memref<128x128xf32, #tpu.memory_space<vmem>>)
    %dma_wait3A_66 = arith.constant 0 : i32
    %dma_wait3A_67 = arith.constant 0 : i32
    %dma_wait3A_68 = tpu.memref_slice %arg2[%dma_wait3A_66, %dma_wait3A_67] : memref<10000x128xf32, #tpu.memory_space<hbm>> -> memref<128x128xf32, #tpu.memory_space<hbm>>
    %dma_wait3A_69 = arith.constant 0 : i32
    %dma_wait3A_70 = arith.constant 0 : i32
    %dma_wait3A_71 = tpu.memref_slice %arg2[%dma_wait3A_69, %dma_wait3A_70] : memref<10000x128xf32, #tpu.memory_space<hbm>> -> memref<128x128xf32, #tpu.memory_space<hbm>>
    tpu.wait_dma2 semaphore(%arg14 : memref<!tpu.dma_semaphore, #tpu.memory_space<semaphore_mem>>) src(%dma_wait3A_71 : memref<128x128xf32, #tpu.memory_space<hbm>>) dst(%arg9 : memref<128x128xf32, #tpu.memory_space<vmem>>)
    %barrier3A_72 = arith.constant 0 : index
    tpu.barrier barrier_id(%barrier3A_72)
    "tpu.region"() ({
      %run_scoped3A = tpu.sem_alloc : memref<!tpu.dma_semaphore, #tpu.memory_space<semaphore_mem>>
      %dma_start3A_73 = arith.constant 0 : i32
      %dma_start3A_74 = tpu.memref_slice %arg6[%arg0, %mul3A_2, %dma_start3A_73] : memref<2x10112x128xf32, #tpu.memory_space<hbm>> -> memref<1x632x128xf32, #tpu.memory_space<hbm>>
      %dma_start3A_75 = tpu.memref_squeeze %dma_start3A_74 : memref<1x632x128xf32, #tpu.memory_space<hbm>> -> memref<632x128xf32, #tpu.memory_space<hbm>>
      %dma_start3A_76 = arith.constant 0 : i32
      %dma_start3A_77 = tpu.memref_slice %arg15[%mul3A_2, %dma_start3A_76] : memref<10112x128xf32, #tpu.memory_space<vmem_shared>> -> memref<632x128xf32, #tpu.memory_space<vmem_shared>>
      tpu.enqueue_dma source(%dma_start3A_77 : memref<632x128xf32, #tpu.memory_space<vmem_shared>>) target(%dma_start3A_75 : memref<632x128xf32, #tpu.memory_space<hbm>>) target_semaphore(%run_scoped3A : memref<!tpu.dma_semaphore, #tpu.memory_space<semaphore_mem>>)
      %dma_wait3A_78 = arith.constant 0 : i32
      %dma_wait3A_79 = tpu.memref_slice %arg6[%arg0, %mul3A_2, %dma_wait3A_78] : memref<2x10112x128xf32, #tpu.memory_space<hbm>> -> memref<1x632x128xf32, #tpu.memory_space<hbm>>
      %dma_wait3A_80 = tpu.memref_squeeze %dma_wait3A_79 : memref<1x632x128xf32, #tpu.memory_space<hbm>> -> memref<632x128xf32, #tpu.memory_space<hbm>>
      %dma_wait3A_81 = arith.constant 0 : i32
      %dma_wait3A_82 = tpu.memref_slice %arg15[%mul3A_2, %dma_wait3A_81] : memref<10112x128xf32, #tpu.memory_space<vmem_shared>> -> memref<632x128xf32, #tpu.memory_space<vmem_shared>>
      tpu.wait_dma2 semaphore(%run_scoped3A : memref<!tpu.dma_semaphore, #tpu.memory_space<semaphore_mem>>) src(%dma_wait3A_82 : memref<632x128xf32, #tpu.memory_space<vmem_shared>>) dst(%dma_wait3A_80 : memref<632x128xf32, #tpu.memory_space<hbm>>)
      tpu.yield
    }) : () -> ()
    return
  }
}

#map = affine_map<(d0, d1) -> (0, 0)>
#map1 = affine_map<(d0, d1) -> (0, 0, 0)>
module attributes {stable_mosaic.version = 14 : i64} {
  func.func @sc_message(%arg0: i32, %arg1: i32, %arg2: memref<10000x128xf32, #tpu.memory_space<hbm>>, %arg3: memref<2560x128xi32, #tpu.memory_space<hbm>>, %arg4: memref<2560x128xi32, #tpu.memory_space<hbm>>, %arg5: memref<10112x128xf32, #tpu.memory_space<hbm>>, %arg6: memref<2x10112x128xf32, #tpu.memory_space<hbm>>, %arg7: memref<40x128xi32, #tpu.memory_space<vmem>>, %arg8: memref<40x128xi32, #tpu.memory_space<vmem>>, %arg9: memref<128x128xf32, #tpu.memory_space<vmem>>, %arg10: memref<128x128xf32, #tpu.memory_space<vmem>>, %arg11: memref<!tpu.dma_semaphore, #tpu.memory_space<semaphore_mem>>, %arg12: memref<!tpu.dma_semaphore, #tpu.memory_space<semaphore_mem>>, %arg13: memref<!tpu.dma_semaphore, #tpu.memory_space<semaphore_mem>>, %arg14: memref<!tpu.dma_semaphore, #tpu.memory_space<semaphore_mem>>, %arg15: memref<10112x128xf32, #tpu.memory_space<vmem_shared>>) attributes {dimension_semantics = [#tpu.dimension_semantics<core_parallel>, #tpu.dimension_semantics<subcore_parallel>], iteration_bounds = array<i64: 2, 16>, scalar_prefetch = 0 : i64, scratch_operands = 9 : i64, tpu.core_type = #tpu.core_type<sc_vector_subcore>, window_params = [{transform_indices = #map}, {transform_indices = #map}, {transform_indices = #map}, {transform_indices = #map}, {transform_indices = #map1}]} {
    %mul3A = arith.constant 16 : i32
    %mul3A_0 = arith.muli %arg0, %mul3A : i32
    %add3A = arith.addi %mul3A_0, %arg1 : i32
    %mul3A_1 = arith.constant 632 : i32
    %mul3A_2 = arith.muli %arg1, %mul3A_1 : i32
    "tpu.region"() ({
      %run_scoped3A = tpu.sem_alloc : memref<!tpu.dma_semaphore, #tpu.memory_space<semaphore_mem>>
      %dma_start3A_73 = arith.constant 0 : i32
      %dma_start3A_74 = tpu.memref_slice %arg15[%mul3A_2, %dma_start3A_73] : memref<10112x128xf32, #tpu.memory_space<vmem_shared>> -> memref<632x128xf32, #tpu.memory_space<vmem_shared>>
      %dma_start3A_75 = arith.constant 0 : i32
      %dma_start3A_76 = tpu.memref_slice %arg5[%mul3A_2, %dma_start3A_75] : memref<10112x128xf32, #tpu.memory_space<hbm>> -> memref<632x128xf32, #tpu.memory_space<hbm>>
      tpu.enqueue_dma source(%dma_start3A_76 : memref<632x128xf32, #tpu.memory_space<hbm>>) target(%dma_start3A_74 : memref<632x128xf32, #tpu.memory_space<vmem_shared>>) target_semaphore(%run_scoped3A : memref<!tpu.dma_semaphore, #tpu.memory_space<semaphore_mem>>)
      %dma_wait3A_77 = arith.constant 0 : i32
      %dma_wait3A_78 = tpu.memref_slice %arg15[%mul3A_2, %dma_wait3A_77] : memref<10112x128xf32, #tpu.memory_space<vmem_shared>> -> memref<632x128xf32, #tpu.memory_space<vmem_shared>>
      %dma_wait3A_79 = arith.constant 0 : i32
      %dma_wait3A_80 = tpu.memref_slice %arg5[%mul3A_2, %dma_wait3A_79] : memref<10112x128xf32, #tpu.memory_space<hbm>> -> memref<632x128xf32, #tpu.memory_space<hbm>>
      tpu.wait_dma2 semaphore(%run_scoped3A : memref<!tpu.dma_semaphore, #tpu.memory_space<semaphore_mem>>) src(%dma_wait3A_80 : memref<632x128xf32, #tpu.memory_space<hbm>>) dst(%dma_wait3A_78 : memref<632x128xf32, #tpu.memory_space<vmem_shared>>)
      tpu.yield
    }) : () -> ()
    %barrier3A = arith.constant 0 : index
    tpu.barrier barrier_id(%barrier3A)
    %mul3A_3 = arith.constant 80 : i32
    %mul3A_4 = arith.muli %add3A, %mul3A_3 : i32
    %add3A_5 = arith.constant 0 : i32
    %add3A_6 = arith.addi %mul3A_4, %add3A_5 : i32
    "tpu.region"() ({
      %run_scoped3A = tpu.sem_alloc : memref<!tpu.dma_semaphore, #tpu.memory_space<semaphore_mem>>
      %dma_start3A_73 = arith.constant 0 : i32
      %dma_start3A_74 = tpu.memref_slice %arg3[%add3A_6, %dma_start3A_73] : memref<2560x128xi32, #tpu.memory_space<hbm>> -> memref<40x128xi32, #tpu.memory_space<hbm>>
      %dma_start3A_75 = arith.constant 0 : i32
      %dma_start3A_76 = tpu.memref_slice %arg3[%add3A_6, %dma_start3A_75] : memref<2560x128xi32, #tpu.memory_space<hbm>> -> memref<40x128xi32, #tpu.memory_space<hbm>>
      tpu.enqueue_dma source(%dma_start3A_76 : memref<40x128xi32, #tpu.memory_space<hbm>>) target(%arg7 : memref<40x128xi32, #tpu.memory_space<vmem>>) target_semaphore(%run_scoped3A : memref<!tpu.dma_semaphore, #tpu.memory_space<semaphore_mem>>)
      %dma_wait3A_77 = arith.constant 0 : i32
      %dma_wait3A_78 = tpu.memref_slice %arg3[%add3A_6, %dma_wait3A_77] : memref<2560x128xi32, #tpu.memory_space<hbm>> -> memref<40x128xi32, #tpu.memory_space<hbm>>
      %dma_wait3A_79 = arith.constant 0 : i32
      %dma_wait3A_80 = tpu.memref_slice %arg3[%add3A_6, %dma_wait3A_79] : memref<2560x128xi32, #tpu.memory_space<hbm>> -> memref<40x128xi32, #tpu.memory_space<hbm>>
      tpu.wait_dma2 semaphore(%run_scoped3A : memref<!tpu.dma_semaphore, #tpu.memory_space<semaphore_mem>>) src(%dma_wait3A_80 : memref<40x128xi32, #tpu.memory_space<hbm>>) dst(%arg7 : memref<40x128xi32, #tpu.memory_space<vmem>>)
      tpu.yield
    }) : () -> ()
    "tpu.region"() ({
      %run_scoped3A = tpu.sem_alloc : memref<!tpu.dma_semaphore, #tpu.memory_space<semaphore_mem>>
      %dma_start3A_73 = arith.constant 0 : i32
      %dma_start3A_74 = tpu.memref_slice %arg4[%add3A_6, %dma_start3A_73] : memref<2560x128xi32, #tpu.memory_space<hbm>> -> memref<40x128xi32, #tpu.memory_space<hbm>>
      %dma_start3A_75 = arith.constant 0 : i32
      %dma_start3A_76 = tpu.memref_slice %arg4[%add3A_6, %dma_start3A_75] : memref<2560x128xi32, #tpu.memory_space<hbm>> -> memref<40x128xi32, #tpu.memory_space<hbm>>
      tpu.enqueue_dma source(%dma_start3A_76 : memref<40x128xi32, #tpu.memory_space<hbm>>) target(%arg8 : memref<40x128xi32, #tpu.memory_space<vmem>>) target_semaphore(%run_scoped3A : memref<!tpu.dma_semaphore, #tpu.memory_space<semaphore_mem>>)
      %dma_wait3A_77 = arith.constant 0 : i32
      %dma_wait3A_78 = tpu.memref_slice %arg4[%add3A_6, %dma_wait3A_77] : memref<2560x128xi32, #tpu.memory_space<hbm>> -> memref<40x128xi32, #tpu.memory_space<hbm>>
      %dma_wait3A_79 = arith.constant 0 : i32
      %dma_wait3A_80 = tpu.memref_slice %arg4[%add3A_6, %dma_wait3A_79] : memref<2560x128xi32, #tpu.memory_space<hbm>> -> memref<40x128xi32, #tpu.memory_space<hbm>>
      tpu.wait_dma2 semaphore(%run_scoped3A : memref<!tpu.dma_semaphore, #tpu.memory_space<semaphore_mem>>) src(%dma_wait3A_80 : memref<40x128xi32, #tpu.memory_space<hbm>>) dst(%arg8 : memref<40x128xi32, #tpu.memory_space<vmem>>)
      tpu.yield
    }) : () -> ()
    %dma_start3A = arith.constant 0 : i32
    %dma_start3A_7 = arith.constant 0 : i32
    %dma_start3A_8 = tpu.memref_slice %arg7[%dma_start3A, %dma_start3A_7] : memref<40x128xi32, #tpu.memory_space<vmem>> -> memref<1x128xi32, #tpu.memory_space<vmem>>
    %dma_start3A_9 = tpu.memref_squeeze %dma_start3A_8 : memref<1x128xi32, #tpu.memory_space<vmem>> -> memref<128xi32, #tpu.memory_space<vmem>>
    %dma_start3A_10 = arith.constant 0 : i32
    %dma_start3A_11 = arith.constant 0 : i32
    %dma_start3A_12 = tpu.memref_slice %arg2[%dma_start3A_10, %dma_start3A_11] : memref<10000x128xf32, #tpu.memory_space<hbm>> -> memref<10000x128xf32, #tpu.memory_space<hbm>>
    tpu.enqueue_indirect_dma source(%dma_start3A_12 : memref<10000x128xf32, #tpu.memory_space<hbm>>) target(%arg9 : memref<128x128xf32, #tpu.memory_space<vmem>>) offsets(%dma_start3A_9 : memref<128xi32, #tpu.memory_space<vmem>>) semaphore(%arg11 : memref<!tpu.dma_semaphore, #tpu.memory_space<semaphore_mem>>)
    %dma_start3A_13 = arith.constant 1 : i32
    %dma_start3A_14 = arith.constant 0 : i32
    %dma_start3A_15 = tpu.memref_slice %arg7[%dma_start3A_13, %dma_start3A_14] : memref<40x128xi32, #tpu.memory_space<vmem>> -> memref<1x128xi32, #tpu.memory_space<vmem>>
    %dma_start3A_16 = tpu.memref_squeeze %dma_start3A_15 : memref<1x128xi32, #tpu.memory_space<vmem>> -> memref<128xi32, #tpu.memory_space<vmem>>
    %dma_start3A_17 = arith.constant 0 : i32
    %dma_start3A_18 = arith.constant 0 : i32
    %dma_start3A_19 = tpu.memref_slice %arg2[%dma_start3A_17, %dma_start3A_18] : memref<10000x128xf32, #tpu.memory_space<hbm>> -> memref<10000x128xf32, #tpu.memory_space<hbm>>
    tpu.enqueue_indirect_dma source(%dma_start3A_19 : memref<10000x128xf32, #tpu.memory_space<hbm>>) target(%arg10 : memref<128x128xf32, #tpu.memory_space<vmem>>) offsets(%dma_start3A_16 : memref<128xi32, #tpu.memory_space<vmem>>) semaphore(%arg12 : memref<!tpu.dma_semaphore, #tpu.memory_space<semaphore_mem>>)
    %scan3A = arith.constant 0 : i32
    %scan3A_20 = arith.constant 0 : i32
    %scan3A_21 = arith.constant 20 : i32
    %scan3A_22 = arith.addi %scan3A_20, %scan3A_21 : i32
    %scan3A_23 = arith.constant 1 : i32
    scf.for %scan3A_73 = %scan3A_20 to %scan3A_22 step %scan3A_23  : i32 {
      %mul3A_74 = arith.constant 2 : i32
      %mul3A_75 = arith.muli %mul3A_74, %scan3A_73 : i32
      %add3A_76 = arith.constant 0 : i32
      %add3A_77 = arith.addi %mul3A_75, %add3A_76 : i32
      %dma_wait3A_78 = arith.constant 0 : i32
      %dma_wait3A_79 = arith.constant 0 : i32
      %dma_wait3A_80 = tpu.memref_slice %arg2[%dma_wait3A_78, %dma_wait3A_79] : memref<10000x128xf32, #tpu.memory_space<hbm>> -> memref<128x128xf32, #tpu.memory_space<hbm>>
      %dma_wait3A_81 = arith.constant 0 : i32
      %dma_wait3A_82 = arith.constant 0 : i32
      %dma_wait3A_83 = tpu.memref_slice %arg2[%dma_wait3A_81, %dma_wait3A_82] : memref<10000x128xf32, #tpu.memory_space<hbm>> -> memref<128x128xf32, #tpu.memory_space<hbm>>
      tpu.wait_dma2 semaphore(%arg11 : memref<!tpu.dma_semaphore, #tpu.memory_space<semaphore_mem>>) src(%dma_wait3A_83 : memref<128x128xf32, #tpu.memory_space<hbm>>) dst(%arg9 : memref<128x128xf32, #tpu.memory_space<vmem>>)
      %dma_start3A_84 = arith.constant 0 : i32
      %dma_start3A_85 = tpu.memref_slice %arg8[%add3A_77, %dma_start3A_84] : memref<40x128xi32, #tpu.memory_space<vmem>> -> memref<1x128xi32, #tpu.memory_space<vmem>>
      %dma_start3A_86 = tpu.memref_squeeze %dma_start3A_85 : memref<1x128xi32, #tpu.memory_space<vmem>> -> memref<128xi32, #tpu.memory_space<vmem>>
      %dma_start3A_87 = arith.constant 0 : i32
      %dma_start3A_88 = arith.constant 0 : i32
      %dma_start3A_89 = tpu.memref_slice %arg15[%dma_start3A_87, %dma_start3A_88] : memref<10112x128xf32, #tpu.memory_space<vmem_shared>> -> memref<10112x128xf32, #tpu.memory_space<vmem_shared>>
      tpu.enqueue_indirect_dma source(%arg9 : memref<128x128xf32, #tpu.memory_space<vmem>>) target(%dma_start3A_89 : memref<10112x128xf32, #tpu.memory_space<vmem_shared>>) offsets(%dma_start3A_86 : memref<128xi32, #tpu.memory_space<vmem>>) semaphore(%arg13 : memref<!tpu.dma_semaphore, #tpu.memory_space<semaphore_mem>>) {add = true}
      %mul3A_90 = arith.constant 2 : i32
      %mul3A_91 = arith.muli %mul3A_90, %scan3A_73 : i32
      %add3A_92 = arith.constant 1 : i32
      %add3A_93 = arith.addi %mul3A_91, %add3A_92 : i32
      %dma_wait3A_94 = arith.constant 0 : i32
      %dma_wait3A_95 = arith.constant 0 : i32
      %dma_wait3A_96 = tpu.memref_slice %arg2[%dma_wait3A_94, %dma_wait3A_95] : memref<10000x128xf32, #tpu.memory_space<hbm>> -> memref<128x128xf32, #tpu.memory_space<hbm>>
      %dma_wait3A_97 = arith.constant 0 : i32
      %dma_wait3A_98 = arith.constant 0 : i32
      %dma_wait3A_99 = tpu.memref_slice %arg2[%dma_wait3A_97, %dma_wait3A_98] : memref<10000x128xf32, #tpu.memory_space<hbm>> -> memref<128x128xf32, #tpu.memory_space<hbm>>
      tpu.wait_dma2 semaphore(%arg12 : memref<!tpu.dma_semaphore, #tpu.memory_space<semaphore_mem>>) src(%dma_wait3A_99 : memref<128x128xf32, #tpu.memory_space<hbm>>) dst(%arg9 : memref<128x128xf32, #tpu.memory_space<vmem>>)
      %dma_start3A_100 = arith.constant 0 : i32
      %dma_start3A_101 = tpu.memref_slice %arg8[%add3A_93, %dma_start3A_100] : memref<40x128xi32, #tpu.memory_space<vmem>> -> memref<1x128xi32, #tpu.memory_space<vmem>>
      %dma_start3A_102 = tpu.memref_squeeze %dma_start3A_101 : memref<1x128xi32, #tpu.memory_space<vmem>> -> memref<128xi32, #tpu.memory_space<vmem>>
      %dma_start3A_103 = arith.constant 0 : i32
      %dma_start3A_104 = arith.constant 0 : i32
      %dma_start3A_105 = tpu.memref_slice %arg15[%dma_start3A_103, %dma_start3A_104] : memref<10112x128xf32, #tpu.memory_space<vmem_shared>> -> memref<10112x128xf32, #tpu.memory_space<vmem_shared>>
      tpu.enqueue_indirect_dma source(%arg10 : memref<128x128xf32, #tpu.memory_space<vmem>>) target(%dma_start3A_105 : memref<10112x128xf32, #tpu.memory_space<vmem_shared>>) offsets(%dma_start3A_102 : memref<128xi32, #tpu.memory_space<vmem>>) semaphore(%arg14 : memref<!tpu.dma_semaphore, #tpu.memory_space<semaphore_mem>>) {add = true}
      %mul3A_106 = arith.constant 2 : i32
      %mul3A_107 = arith.muli %mul3A_106, %scan3A_73 : i32
      %add3A_108 = arith.constant 2 : i32
      %add3A_109 = arith.addi %mul3A_107, %add3A_108 : i32
      %add3A_110 = arith.constant 0 : i32
      %add3A_111 = arith.addi %add3A_109, %add3A_110 : i32
      %lt3A = arith.constant 40 : i32
      %lt3A_112 = arith.cmpi slt, %add3A_111, %lt3A : i32
      %convert_element_type3A = arith.extui %lt3A_112 : i1 to i32
      %cond3A = arith.constant 0 : i32
      %cond3A_113 = arith.cmpi ne, %convert_element_type3A, %cond3A : i32
      scf.if %cond3A_113 {
        %dma_wait3A_125 = arith.constant 0 : i32
        %dma_wait3A_126 = arith.constant 0 : i32
        %dma_wait3A_127 = tpu.memref_slice %arg2[%dma_wait3A_125, %dma_wait3A_126] : memref<10000x128xf32, #tpu.memory_space<hbm>> -> memref<128x128xf32, #tpu.memory_space<hbm>>
        %dma_wait3A_128 = arith.constant 0 : i32
        %dma_wait3A_129 = arith.constant 0 : i32
        %dma_wait3A_130 = tpu.memref_slice %arg2[%dma_wait3A_128, %dma_wait3A_129] : memref<10000x128xf32, #tpu.memory_space<hbm>> -> memref<128x128xf32, #tpu.memory_space<hbm>>
        tpu.wait_dma2 semaphore(%arg13 : memref<!tpu.dma_semaphore, #tpu.memory_space<semaphore_mem>>) src(%dma_wait3A_130 : memref<128x128xf32, #tpu.memory_space<hbm>>) dst(%arg9 : memref<128x128xf32, #tpu.memory_space<vmem>>)
        %dma_start3A_131 = arith.constant 0 : i32
        %dma_start3A_132 = tpu.memref_slice %arg7[%add3A_111, %dma_start3A_131] : memref<40x128xi32, #tpu.memory_space<vmem>> -> memref<1x128xi32, #tpu.memory_space<vmem>>
        %dma_start3A_133 = tpu.memref_squeeze %dma_start3A_132 : memref<1x128xi32, #tpu.memory_space<vmem>> -> memref<128xi32, #tpu.memory_space<vmem>>
        %dma_start3A_134 = arith.constant 0 : i32
        %dma_start3A_135 = arith.constant 0 : i32
        %dma_start3A_136 = tpu.memref_slice %arg2[%dma_start3A_134, %dma_start3A_135] : memref<10000x128xf32, #tpu.memory_space<hbm>> -> memref<10000x128xf32, #tpu.memory_space<hbm>>
        tpu.enqueue_indirect_dma source(%dma_start3A_136 : memref<10000x128xf32, #tpu.memory_space<hbm>>) target(%arg9 : memref<128x128xf32, #tpu.memory_space<vmem>>) offsets(%dma_start3A_133 : memref<128xi32, #tpu.memory_space<vmem>>) semaphore(%arg11 : memref<!tpu.dma_semaphore, #tpu.memory_space<semaphore_mem>>)
      } else {
      }
      %mul3A_114 = arith.constant 2 : i32
      %mul3A_115 = arith.muli %mul3A_114, %scan3A_73 : i32
      %add3A_116 = arith.constant 2 : i32
      %add3A_117 = arith.addi %mul3A_115, %add3A_116 : i32
      %add3A_118 = arith.constant 1 : i32
      %add3A_119 = arith.addi %add3A_117, %add3A_118 : i32
      %lt3A_120 = arith.constant 40 : i32
      %lt3A_121 = arith.cmpi slt, %add3A_119, %lt3A_120 : i32
      %convert_element_type3A_122 = arith.extui %lt3A_121 : i1 to i32
      %cond3A_123 = arith.constant 0 : i32
      %cond3A_124 = arith.cmpi ne, %convert_element_type3A_122, %cond3A_123 : i32
      scf.if %cond3A_124 {
        %dma_wait3A_125 = arith.constant 0 : i32
        %dma_wait3A_126 = arith.constant 0 : i32
        %dma_wait3A_127 = tpu.memref_slice %arg2[%dma_wait3A_125, %dma_wait3A_126] : memref<10000x128xf32, #tpu.memory_space<hbm>> -> memref<128x128xf32, #tpu.memory_space<hbm>>
        %dma_wait3A_128 = arith.constant 0 : i32
        %dma_wait3A_129 = arith.constant 0 : i32
        %dma_wait3A_130 = tpu.memref_slice %arg2[%dma_wait3A_128, %dma_wait3A_129] : memref<10000x128xf32, #tpu.memory_space<hbm>> -> memref<128x128xf32, #tpu.memory_space<hbm>>
        tpu.wait_dma2 semaphore(%arg14 : memref<!tpu.dma_semaphore, #tpu.memory_space<semaphore_mem>>) src(%dma_wait3A_130 : memref<128x128xf32, #tpu.memory_space<hbm>>) dst(%arg9 : memref<128x128xf32, #tpu.memory_space<vmem>>)
        %dma_start3A_131 = arith.constant 0 : i32
        %dma_start3A_132 = tpu.memref_slice %arg7[%add3A_119, %dma_start3A_131] : memref<40x128xi32, #tpu.memory_space<vmem>> -> memref<1x128xi32, #tpu.memory_space<vmem>>
        %dma_start3A_133 = tpu.memref_squeeze %dma_start3A_132 : memref<1x128xi32, #tpu.memory_space<vmem>> -> memref<128xi32, #tpu.memory_space<vmem>>
        %dma_start3A_134 = arith.constant 0 : i32
        %dma_start3A_135 = arith.constant 0 : i32
        %dma_start3A_136 = tpu.memref_slice %arg2[%dma_start3A_134, %dma_start3A_135] : memref<10000x128xf32, #tpu.memory_space<hbm>> -> memref<10000x128xf32, #tpu.memory_space<hbm>>
        tpu.enqueue_indirect_dma source(%dma_start3A_136 : memref<10000x128xf32, #tpu.memory_space<hbm>>) target(%arg10 : memref<128x128xf32, #tpu.memory_space<vmem>>) offsets(%dma_start3A_133 : memref<128xi32, #tpu.memory_space<vmem>>) semaphore(%arg12 : memref<!tpu.dma_semaphore, #tpu.memory_space<semaphore_mem>>)
      } else {
      }
    }
    %scan3A_24 = arith.constant 20 : i32
    %dma_wait3A = arith.constant 0 : i32
    %dma_wait3A_25 = arith.constant 0 : i32
    %dma_wait3A_26 = tpu.memref_slice %arg2[%dma_wait3A, %dma_wait3A_25] : memref<10000x128xf32, #tpu.memory_space<hbm>> -> memref<128x128xf32, #tpu.memory_space<hbm>>
    %dma_wait3A_27 = arith.constant 0 : i32
    %dma_wait3A_28 = arith.constant 0 : i32
    %dma_wait3A_29 = tpu.memref_slice %arg2[%dma_wait3A_27, %dma_wait3A_28] : memref<10000x128xf32, #tpu.memory_space<hbm>> -> memref<128x128xf32, #tpu.memory_space<hbm>>
    tpu.wait_dma2 semaphore(%arg13 : memref<!tpu.dma_semaphore, #tpu.memory_space<semaphore_mem>>) src(%dma_wait3A_29 : memref<128x128xf32, #tpu.memory_space<hbm>>) dst(%arg9 : memref<128x128xf32, #tpu.memory_space<vmem>>)
    %dma_wait3A_30 = arith.constant 0 : i32
    %dma_wait3A_31 = arith.constant 0 : i32
    %dma_wait3A_32 = tpu.memref_slice %arg2[%dma_wait3A_30, %dma_wait3A_31] : memref<10000x128xf32, #tpu.memory_space<hbm>> -> memref<128x128xf32, #tpu.memory_space<hbm>>
    %dma_wait3A_33 = arith.constant 0 : i32
    %dma_wait3A_34 = arith.constant 0 : i32
    %dma_wait3A_35 = tpu.memref_slice %arg2[%dma_wait3A_33, %dma_wait3A_34] : memref<10000x128xf32, #tpu.memory_space<hbm>> -> memref<128x128xf32, #tpu.memory_space<hbm>>
    tpu.wait_dma2 semaphore(%arg14 : memref<!tpu.dma_semaphore, #tpu.memory_space<semaphore_mem>>) src(%dma_wait3A_35 : memref<128x128xf32, #tpu.memory_space<hbm>>) dst(%arg9 : memref<128x128xf32, #tpu.memory_space<vmem>>)
    %mul3A_36 = arith.constant 80 : i32
    %mul3A_37 = arith.muli %add3A, %mul3A_36 : i32
    %add3A_38 = arith.constant 40 : i32
    %add3A_39 = arith.addi %mul3A_37, %add3A_38 : i32
    "tpu.region"() ({
      %run_scoped3A = tpu.sem_alloc : memref<!tpu.dma_semaphore, #tpu.memory_space<semaphore_mem>>
      %dma_start3A_73 = arith.constant 0 : i32
      %dma_start3A_74 = tpu.memref_slice %arg3[%add3A_39, %dma_start3A_73] : memref<2560x128xi32, #tpu.memory_space<hbm>> -> memref<40x128xi32, #tpu.memory_space<hbm>>
      %dma_start3A_75 = arith.constant 0 : i32
      %dma_start3A_76 = tpu.memref_slice %arg3[%add3A_39, %dma_start3A_75] : memref<2560x128xi32, #tpu.memory_space<hbm>> -> memref<40x128xi32, #tpu.memory_space<hbm>>
      tpu.enqueue_dma source(%dma_start3A_76 : memref<40x128xi32, #tpu.memory_space<hbm>>) target(%arg7 : memref<40x128xi32, #tpu.memory_space<vmem>>) target_semaphore(%run_scoped3A : memref<!tpu.dma_semaphore, #tpu.memory_space<semaphore_mem>>)
      %dma_wait3A_77 = arith.constant 0 : i32
      %dma_wait3A_78 = tpu.memref_slice %arg3[%add3A_39, %dma_wait3A_77] : memref<2560x128xi32, #tpu.memory_space<hbm>> -> memref<40x128xi32, #tpu.memory_space<hbm>>
      %dma_wait3A_79 = arith.constant 0 : i32
      %dma_wait3A_80 = tpu.memref_slice %arg3[%add3A_39, %dma_wait3A_79] : memref<2560x128xi32, #tpu.memory_space<hbm>> -> memref<40x128xi32, #tpu.memory_space<hbm>>
      tpu.wait_dma2 semaphore(%run_scoped3A : memref<!tpu.dma_semaphore, #tpu.memory_space<semaphore_mem>>) src(%dma_wait3A_80 : memref<40x128xi32, #tpu.memory_space<hbm>>) dst(%arg7 : memref<40x128xi32, #tpu.memory_space<vmem>>)
      tpu.yield
    }) : () -> ()
    "tpu.region"() ({
      %run_scoped3A = tpu.sem_alloc : memref<!tpu.dma_semaphore, #tpu.memory_space<semaphore_mem>>
      %dma_start3A_73 = arith.constant 0 : i32
      %dma_start3A_74 = tpu.memref_slice %arg4[%add3A_39, %dma_start3A_73] : memref<2560x128xi32, #tpu.memory_space<hbm>> -> memref<40x128xi32, #tpu.memory_space<hbm>>
      %dma_start3A_75 = arith.constant 0 : i32
      %dma_start3A_76 = tpu.memref_slice %arg4[%add3A_39, %dma_start3A_75] : memref<2560x128xi32, #tpu.memory_space<hbm>> -> memref<40x128xi32, #tpu.memory_space<hbm>>
      tpu.enqueue_dma source(%dma_start3A_76 : memref<40x128xi32, #tpu.memory_space<hbm>>) target(%arg8 : memref<40x128xi32, #tpu.memory_space<vmem>>) target_semaphore(%run_scoped3A : memref<!tpu.dma_semaphore, #tpu.memory_space<semaphore_mem>>)
      %dma_wait3A_77 = arith.constant 0 : i32
      %dma_wait3A_78 = tpu.memref_slice %arg4[%add3A_39, %dma_wait3A_77] : memref<2560x128xi32, #tpu.memory_space<hbm>> -> memref<40x128xi32, #tpu.memory_space<hbm>>
      %dma_wait3A_79 = arith.constant 0 : i32
      %dma_wait3A_80 = tpu.memref_slice %arg4[%add3A_39, %dma_wait3A_79] : memref<2560x128xi32, #tpu.memory_space<hbm>> -> memref<40x128xi32, #tpu.memory_space<hbm>>
      tpu.wait_dma2 semaphore(%run_scoped3A : memref<!tpu.dma_semaphore, #tpu.memory_space<semaphore_mem>>) src(%dma_wait3A_80 : memref<40x128xi32, #tpu.memory_space<hbm>>) dst(%arg8 : memref<40x128xi32, #tpu.memory_space<vmem>>)
      tpu.yield
    }) : () -> ()
    %dma_start3A_40 = arith.constant 0 : i32
    %dma_start3A_41 = arith.constant 0 : i32
    %dma_start3A_42 = tpu.memref_slice %arg7[%dma_start3A_40, %dma_start3A_41] : memref<40x128xi32, #tpu.memory_space<vmem>> -> memref<1x128xi32, #tpu.memory_space<vmem>>
    %dma_start3A_43 = tpu.memref_squeeze %dma_start3A_42 : memref<1x128xi32, #tpu.memory_space<vmem>> -> memref<128xi32, #tpu.memory_space<vmem>>
    %dma_start3A_44 = arith.constant 0 : i32
    %dma_start3A_45 = arith.constant 0 : i32
    %dma_start3A_46 = tpu.memref_slice %arg2[%dma_start3A_44, %dma_start3A_45] : memref<10000x128xf32, #tpu.memory_space<hbm>> -> memref<10000x128xf32, #tpu.memory_space<hbm>>
    tpu.enqueue_indirect_dma source(%dma_start3A_46 : memref<10000x128xf32, #tpu.memory_space<hbm>>) target(%arg9 : memref<128x128xf32, #tpu.memory_space<vmem>>) offsets(%dma_start3A_43 : memref<128xi32, #tpu.memory_space<vmem>>) semaphore(%arg11 : memref<!tpu.dma_semaphore, #tpu.memory_space<semaphore_mem>>)
    %dma_start3A_47 = arith.constant 1 : i32
    %dma_start3A_48 = arith.constant 0 : i32
    %dma_start3A_49 = tpu.memref_slice %arg7[%dma_start3A_47, %dma_start3A_48] : memref<40x128xi32, #tpu.memory_space<vmem>> -> memref<1x128xi32, #tpu.memory_space<vmem>>
    %dma_start3A_50 = tpu.memref_squeeze %dma_start3A_49 : memref<1x128xi32, #tpu.memory_space<vmem>> -> memref<128xi32, #tpu.memory_space<vmem>>
    %dma_start3A_51 = arith.constant 0 : i32
    %dma_start3A_52 = arith.constant 0 : i32
    %dma_start3A_53 = tpu.memref_slice %arg2[%dma_start3A_51, %dma_start3A_52] : memref<10000x128xf32, #tpu.memory_space<hbm>> -> memref<10000x128xf32, #tpu.memory_space<hbm>>
    tpu.enqueue_indirect_dma source(%dma_start3A_53 : memref<10000x128xf32, #tpu.memory_space<hbm>>) target(%arg10 : memref<128x128xf32, #tpu.memory_space<vmem>>) offsets(%dma_start3A_50 : memref<128xi32, #tpu.memory_space<vmem>>) semaphore(%arg12 : memref<!tpu.dma_semaphore, #tpu.memory_space<semaphore_mem>>)
    %scan3A_54 = arith.constant 0 : i32
    %scan3A_55 = arith.constant 0 : i32
    %scan3A_56 = arith.constant 20 : i32
    %scan3A_57 = arith.addi %scan3A_55, %scan3A_56 : i32
    %scan3A_58 = arith.constant 1 : i32
    scf.for %scan3A_73 = %scan3A_55 to %scan3A_57 step %scan3A_58  : i32 {
      %mul3A_74 = arith.constant 2 : i32
      %mul3A_75 = arith.muli %mul3A_74, %scan3A_73 : i32
      %add3A_76 = arith.constant 0 : i32
      %add3A_77 = arith.addi %mul3A_75, %add3A_76 : i32
      %dma_wait3A_78 = arith.constant 0 : i32
      %dma_wait3A_79 = arith.constant 0 : i32
      %dma_wait3A_80 = tpu.memref_slice %arg2[%dma_wait3A_78, %dma_wait3A_79] : memref<10000x128xf32, #tpu.memory_space<hbm>> -> memref<128x128xf32, #tpu.memory_space<hbm>>
      %dma_wait3A_81 = arith.constant 0 : i32
      %dma_wait3A_82 = arith.constant 0 : i32
      %dma_wait3A_83 = tpu.memref_slice %arg2[%dma_wait3A_81, %dma_wait3A_82] : memref<10000x128xf32, #tpu.memory_space<hbm>> -> memref<128x128xf32, #tpu.memory_space<hbm>>
      tpu.wait_dma2 semaphore(%arg11 : memref<!tpu.dma_semaphore, #tpu.memory_space<semaphore_mem>>) src(%dma_wait3A_83 : memref<128x128xf32, #tpu.memory_space<hbm>>) dst(%arg9 : memref<128x128xf32, #tpu.memory_space<vmem>>)
      %dma_start3A_84 = arith.constant 0 : i32
      %dma_start3A_85 = tpu.memref_slice %arg8[%add3A_77, %dma_start3A_84] : memref<40x128xi32, #tpu.memory_space<vmem>> -> memref<1x128xi32, #tpu.memory_space<vmem>>
      %dma_start3A_86 = tpu.memref_squeeze %dma_start3A_85 : memref<1x128xi32, #tpu.memory_space<vmem>> -> memref<128xi32, #tpu.memory_space<vmem>>
      %dma_start3A_87 = arith.constant 0 : i32
      %dma_start3A_88 = arith.constant 0 : i32
      %dma_start3A_89 = tpu.memref_slice %arg15[%dma_start3A_87, %dma_start3A_88] : memref<10112x128xf32, #tpu.memory_space<vmem_shared>> -> memref<10112x128xf32, #tpu.memory_space<vmem_shared>>
      tpu.enqueue_indirect_dma source(%arg9 : memref<128x128xf32, #tpu.memory_space<vmem>>) target(%dma_start3A_89 : memref<10112x128xf32, #tpu.memory_space<vmem_shared>>) offsets(%dma_start3A_86 : memref<128xi32, #tpu.memory_space<vmem>>) semaphore(%arg13 : memref<!tpu.dma_semaphore, #tpu.memory_space<semaphore_mem>>) {add = true}
      %mul3A_90 = arith.constant 2 : i32
      %mul3A_91 = arith.muli %mul3A_90, %scan3A_73 : i32
      %add3A_92 = arith.constant 1 : i32
      %add3A_93 = arith.addi %mul3A_91, %add3A_92 : i32
      %dma_wait3A_94 = arith.constant 0 : i32
      %dma_wait3A_95 = arith.constant 0 : i32
      %dma_wait3A_96 = tpu.memref_slice %arg2[%dma_wait3A_94, %dma_wait3A_95] : memref<10000x128xf32, #tpu.memory_space<hbm>> -> memref<128x128xf32, #tpu.memory_space<hbm>>
      %dma_wait3A_97 = arith.constant 0 : i32
      %dma_wait3A_98 = arith.constant 0 : i32
      %dma_wait3A_99 = tpu.memref_slice %arg2[%dma_wait3A_97, %dma_wait3A_98] : memref<10000x128xf32, #tpu.memory_space<hbm>> -> memref<128x128xf32, #tpu.memory_space<hbm>>
      tpu.wait_dma2 semaphore(%arg12 : memref<!tpu.dma_semaphore, #tpu.memory_space<semaphore_mem>>) src(%dma_wait3A_99 : memref<128x128xf32, #tpu.memory_space<hbm>>) dst(%arg9 : memref<128x128xf32, #tpu.memory_space<vmem>>)
      %dma_start3A_100 = arith.constant 0 : i32
      %dma_start3A_101 = tpu.memref_slice %arg8[%add3A_93, %dma_start3A_100] : memref<40x128xi32, #tpu.memory_space<vmem>> -> memref<1x128xi32, #tpu.memory_space<vmem>>
      %dma_start3A_102 = tpu.memref_squeeze %dma_start3A_101 : memref<1x128xi32, #tpu.memory_space<vmem>> -> memref<128xi32, #tpu.memory_space<vmem>>
      %dma_start3A_103 = arith.constant 0 : i32
      %dma_start3A_104 = arith.constant 0 : i32
      %dma_start3A_105 = tpu.memref_slice %arg15[%dma_start3A_103, %dma_start3A_104] : memref<10112x128xf32, #tpu.memory_space<vmem_shared>> -> memref<10112x128xf32, #tpu.memory_space<vmem_shared>>
      tpu.enqueue_indirect_dma source(%arg10 : memref<128x128xf32, #tpu.memory_space<vmem>>) target(%dma_start3A_105 : memref<10112x128xf32, #tpu.memory_space<vmem_shared>>) offsets(%dma_start3A_102 : memref<128xi32, #tpu.memory_space<vmem>>) semaphore(%arg14 : memref<!tpu.dma_semaphore, #tpu.memory_space<semaphore_mem>>) {add = true}
      %mul3A_106 = arith.constant 2 : i32
      %mul3A_107 = arith.muli %mul3A_106, %scan3A_73 : i32
      %add3A_108 = arith.constant 2 : i32
      %add3A_109 = arith.addi %mul3A_107, %add3A_108 : i32
      %add3A_110 = arith.constant 0 : i32
      %add3A_111 = arith.addi %add3A_109, %add3A_110 : i32
      %lt3A = arith.constant 40 : i32
      %lt3A_112 = arith.cmpi slt, %add3A_111, %lt3A : i32
      %convert_element_type3A = arith.extui %lt3A_112 : i1 to i32
      %cond3A = arith.constant 0 : i32
      %cond3A_113 = arith.cmpi ne, %convert_element_type3A, %cond3A : i32
      scf.if %cond3A_113 {
        %dma_wait3A_125 = arith.constant 0 : i32
        %dma_wait3A_126 = arith.constant 0 : i32
        %dma_wait3A_127 = tpu.memref_slice %arg2[%dma_wait3A_125, %dma_wait3A_126] : memref<10000x128xf32, #tpu.memory_space<hbm>> -> memref<128x128xf32, #tpu.memory_space<hbm>>
        %dma_wait3A_128 = arith.constant 0 : i32
        %dma_wait3A_129 = arith.constant 0 : i32
        %dma_wait3A_130 = tpu.memref_slice %arg2[%dma_wait3A_128, %dma_wait3A_129] : memref<10000x128xf32, #tpu.memory_space<hbm>> -> memref<128x128xf32, #tpu.memory_space<hbm>>
        tpu.wait_dma2 semaphore(%arg13 : memref<!tpu.dma_semaphore, #tpu.memory_space<semaphore_mem>>) src(%dma_wait3A_130 : memref<128x128xf32, #tpu.memory_space<hbm>>) dst(%arg9 : memref<128x128xf32, #tpu.memory_space<vmem>>)
        %dma_start3A_131 = arith.constant 0 : i32
        %dma_start3A_132 = tpu.memref_slice %arg7[%add3A_111, %dma_start3A_131] : memref<40x128xi32, #tpu.memory_space<vmem>> -> memref<1x128xi32, #tpu.memory_space<vmem>>
        %dma_start3A_133 = tpu.memref_squeeze %dma_start3A_132 : memref<1x128xi32, #tpu.memory_space<vmem>> -> memref<128xi32, #tpu.memory_space<vmem>>
        %dma_start3A_134 = arith.constant 0 : i32
        %dma_start3A_135 = arith.constant 0 : i32
        %dma_start3A_136 = tpu.memref_slice %arg2[%dma_start3A_134, %dma_start3A_135] : memref<10000x128xf32, #tpu.memory_space<hbm>> -> memref<10000x128xf32, #tpu.memory_space<hbm>>
        tpu.enqueue_indirect_dma source(%dma_start3A_136 : memref<10000x128xf32, #tpu.memory_space<hbm>>) target(%arg9 : memref<128x128xf32, #tpu.memory_space<vmem>>) offsets(%dma_start3A_133 : memref<128xi32, #tpu.memory_space<vmem>>) semaphore(%arg11 : memref<!tpu.dma_semaphore, #tpu.memory_space<semaphore_mem>>)
      } else {
      }
      %mul3A_114 = arith.constant 2 : i32
      %mul3A_115 = arith.muli %mul3A_114, %scan3A_73 : i32
      %add3A_116 = arith.constant 2 : i32
      %add3A_117 = arith.addi %mul3A_115, %add3A_116 : i32
      %add3A_118 = arith.constant 1 : i32
      %add3A_119 = arith.addi %add3A_117, %add3A_118 : i32
      %lt3A_120 = arith.constant 40 : i32
      %lt3A_121 = arith.cmpi slt, %add3A_119, %lt3A_120 : i32
      %convert_element_type3A_122 = arith.extui %lt3A_121 : i1 to i32
      %cond3A_123 = arith.constant 0 : i32
      %cond3A_124 = arith.cmpi ne, %convert_element_type3A_122, %cond3A_123 : i32
      scf.if %cond3A_124 {
        %dma_wait3A_125 = arith.constant 0 : i32
        %dma_wait3A_126 = arith.constant 0 : i32
        %dma_wait3A_127 = tpu.memref_slice %arg2[%dma_wait3A_125, %dma_wait3A_126] : memref<10000x128xf32, #tpu.memory_space<hbm>> -> memref<128x128xf32, #tpu.memory_space<hbm>>
        %dma_wait3A_128 = arith.constant 0 : i32
        %dma_wait3A_129 = arith.constant 0 : i32
        %dma_wait3A_130 = tpu.memref_slice %arg2[%dma_wait3A_128, %dma_wait3A_129] : memref<10000x128xf32, #tpu.memory_space<hbm>> -> memref<128x128xf32, #tpu.memory_space<hbm>>
        tpu.wait_dma2 semaphore(%arg14 : memref<!tpu.dma_semaphore, #tpu.memory_space<semaphore_mem>>) src(%dma_wait3A_130 : memref<128x128xf32, #tpu.memory_space<hbm>>) dst(%arg9 : memref<128x128xf32, #tpu.memory_space<vmem>>)
        %dma_start3A_131 = arith.constant 0 : i32
        %dma_start3A_132 = tpu.memref_slice %arg7[%add3A_119, %dma_start3A_131] : memref<40x128xi32, #tpu.memory_space<vmem>> -> memref<1x128xi32, #tpu.memory_space<vmem>>
        %dma_start3A_133 = tpu.memref_squeeze %dma_start3A_132 : memref<1x128xi32, #tpu.memory_space<vmem>> -> memref<128xi32, #tpu.memory_space<vmem>>
        %dma_start3A_134 = arith.constant 0 : i32
        %dma_start3A_135 = arith.constant 0 : i32
        %dma_start3A_136 = tpu.memref_slice %arg2[%dma_start3A_134, %dma_start3A_135] : memref<10000x128xf32, #tpu.memory_space<hbm>> -> memref<10000x128xf32, #tpu.memory_space<hbm>>
        tpu.enqueue_indirect_dma source(%dma_start3A_136 : memref<10000x128xf32, #tpu.memory_space<hbm>>) target(%arg10 : memref<128x128xf32, #tpu.memory_space<vmem>>) offsets(%dma_start3A_133 : memref<128xi32, #tpu.memory_space<vmem>>) semaphore(%arg12 : memref<!tpu.dma_semaphore, #tpu.memory_space<semaphore_mem>>)
      } else {
      }
    }
    %scan3A_59 = arith.constant 20 : i32
    %dma_wait3A_60 = arith.constant 0 : i32
    %dma_wait3A_61 = arith.constant 0 : i32
    %dma_wait3A_62 = tpu.memref_slice %arg2[%dma_wait3A_60, %dma_wait3A_61] : memref<10000x128xf32, #tpu.memory_space<hbm>> -> memref<128x128xf32, #tpu.memory_space<hbm>>
    %dma_wait3A_63 = arith.constant 0 : i32
    %dma_wait3A_64 = arith.constant 0 : i32
    %dma_wait3A_65 = tpu.memref_slice %arg2[%dma_wait3A_63, %dma_wait3A_64] : memref<10000x128xf32, #tpu.memory_space<hbm>> -> memref<128x128xf32, #tpu.memory_space<hbm>>
    tpu.wait_dma2 semaphore(%arg13 : memref<!tpu.dma_semaphore, #tpu.memory_space<semaphore_mem>>) src(%dma_wait3A_65 : memref<128x128xf32, #tpu.memory_space<hbm>>) dst(%arg9 : memref<128x128xf32, #tpu.memory_space<vmem>>)
    %dma_wait3A_66 = arith.constant 0 : i32
    %dma_wait3A_67 = arith.constant 0 : i32
    %dma_wait3A_68 = tpu.memref_slice %arg2[%dma_wait3A_66, %dma_wait3A_67] : memref<10000x128xf32, #tpu.memory_space<hbm>> -> memref<128x128xf32, #tpu.memory_space<hbm>>
    %dma_wait3A_69 = arith.constant 0 : i32
    %dma_wait3A_70 = arith.constant 0 : i32
    %dma_wait3A_71 = tpu.memref_slice %arg2[%dma_wait3A_69, %dma_wait3A_70] : memref<10000x128xf32, #tpu.memory_space<hbm>> -> memref<128x128xf32, #tpu.memory_space<hbm>>
    tpu.wait_dma2 semaphore(%arg14 : memref<!tpu.dma_semaphore, #tpu.memory_space<semaphore_mem>>) src(%dma_wait3A_71 : memref<128x128xf32, #tpu.memory_space<hbm>>) dst(%arg9 : memref<128x128xf32, #tpu.memory_space<vmem>>)
    %barrier3A_72 = arith.constant 0 : index
    tpu.barrier barrier_id(%barrier3A_72)
    "tpu.region"() ({
      %run_scoped3A = tpu.sem_alloc : memref<!tpu.dma_semaphore, #tpu.memory_space<semaphore_mem>>
      %dma_start3A_73 = arith.constant 0 : i32
      %dma_start3A_74 = tpu.memref_slice %arg6[%arg0, %mul3A_2, %dma_start3A_73] : memref<2x10112x128xf32, #tpu.memory_space<hbm>> -> memref<1x632x128xf32, #tpu.memory_space<hbm>>
      %dma_start3A_75 = tpu.memref_squeeze %dma_start3A_74 : memref<1x632x128xf32, #tpu.memory_space<hbm>> -> memref<632x128xf32, #tpu.memory_space<hbm>>
      %dma_start3A_76 = arith.constant 0 : i32
      %dma_start3A_77 = tpu.memref_slice %arg15[%mul3A_2, %dma_start3A_76] : memref<10112x128xf32, #tpu.memory_space<vmem_shared>> -> memref<632x128xf32, #tpu.memory_space<vmem_shared>>
      tpu.enqueue_dma source(%dma_start3A_77 : memref<632x128xf32, #tpu.memory_space<vmem_shared>>) target(%dma_start3A_75 : memref<632x128xf32, #tpu.memory_space<hbm>>) target_semaphore(%run_scoped3A : memref<!tpu.dma_semaphore, #tpu.memory_space<semaphore_mem>>)
      %dma_wait3A_78 = arith.constant 0 : i32
      %dma_wait3A_79 = tpu.memref_slice %arg6[%arg0, %mul3A_2, %dma_wait3A_78] : memref<2x10112x128xf32, #tpu.memory_space<hbm>> -> memref<1x632x128xf32, #tpu.memory_space<hbm>>
      %dma_wait3A_80 = tpu.memref_squeeze %dma_wait3A_79 : memref<1x632x128xf32, #tpu.memory_space<hbm>> -> memref<632x128xf32, #tpu.memory_space<hbm>>
      %dma_wait3A_81 = arith.constant 0 : i32
      %dma_wait3A_82 = tpu.memref_slice %arg15[%mul3A_2, %dma_wait3A_81] : memref<10112x128xf32, #tpu.memory_space<vmem_shared>> -> memref<632x128xf32, #tpu.memory_space<vmem_shared>>
      tpu.wait_dma2 semaphore(%run_scoped3A : memref<!tpu.dma_semaphore, #tpu.memory_space<semaphore_mem>>) src(%dma_wait3A_82 : memref<632x128xf32, #tpu.memory_space<vmem_shared>>) dst(%dma_wait3A_80 : memref<632x128xf32, #tpu.memory_space<hbm>>)
      tpu.yield
    }) : () -> ()
    return
  }
}

module attributes {stable_mosaic.version = 14 : i64} {
  func.func @_tc0_body(%arg0: memref<2x10112x128xf32, #tpu.memory_space<vmem>>, %arg1: memref<10000x128xf32, #tpu.memory_space<vmem>>, %arg2: memref<128x128xf32, #tpu.memory_space<vmem>>, %arg3: memref<10000x1xf32, #tpu.memory_space<vmem>>, %arg4: memref<10000x128xf32, #tpu.memory_space<vmem>>) attributes {dimension_semantics = [], scalar_prefetch = 0 : i64, scratch_operands = 0 : i64, tpu.core_type = #tpu.core_type<tc>} {
    %get3A = arith.constant 0 : index
    %get3A_0 = arith.constant 0 : index
    %get3A_1 = arith.constant 0 : index
    %get3A_2 = vector.load %arg0[%get3A, %get3A_0, %get3A_1] : memref<2x10112x128xf32, #tpu.memory_space<vmem>>, vector<1x10000x1xf32>
    %get3A_3 = vector.shape_cast %get3A_2 : vector<1x10000x1xf32> to vector<10000x1xf32>
    %add3A = arith.constant 1.000000e+00 : f32
    %add3A_4 = vector.broadcast %add3A : f32 to vector<10000x1xf32>
    %add3A_5 = arith.addf %add3A_4, %get3A_3 : vector<10000x1xf32>
    %get3A_6 = arith.constant 1 : index
    %get3A_7 = arith.constant 0 : index
    %get3A_8 = arith.constant 0 : index
    %get3A_9 = vector.load %arg0[%get3A_6, %get3A_7, %get3A_8] : memref<2x10112x128xf32, #tpu.memory_space<vmem>>, vector<1x10000x1xf32>
    %get3A_10 = vector.shape_cast %get3A_9 : vector<1x10000x1xf32> to vector<10000x1xf32>
    %add3A_11 = arith.addf %add3A_5, %get3A_10 : vector<10000x1xf32>
    %rsqrt3A = math.rsqrt %add3A_11 : vector<10000x1xf32>
    %swap3A = arith.constant 0 : index
    %swap3A_12 = arith.constant 0 : index
    %swap3A_13 = vector.load %arg3[%swap3A, %swap3A_12] : memref<10000x1xf32, #tpu.memory_space<vmem>>, vector<10000x1xf32>
    tpu.vector_store %arg3[%swap3A, %swap3A_12], %rsqrt3A {strides = array<i32>} : memref<10000x1xf32, #tpu.memory_space<vmem>>, vector<10000x1xf32>,
    %get3A_14 = arith.constant 0 : index
    %get3A_15 = arith.constant 0 : index
    %get3A_16 = vector.load %arg1[%get3A_14, %get3A_15] : memref<10000x128xf32, #tpu.memory_space<vmem>>, vector<10000x128xf32>
    %get3A_17 = arith.constant 0 : index
    %get3A_18 = arith.constant 0 : index
    %get3A_19 = vector.load %arg2[%get3A_17, %get3A_18] : memref<128x128xf32, #tpu.memory_space<vmem>>, vector<128x128xf32>
    %dot_general3A = arith.constant dense<0.000000e+00> : vector<10000x128xf32>
    %dot_general3A_20 = tpu.matmul %get3A_16, %get3A_19, %dot_general3A {dimension_numbers = #tpu.dot_dimension_numbers<[1], [0], [0], [1], [0, 0, 1, 1], [], []>, transpose_lhs_hint = false} : vector<10000x128xf32>, vector<128x128xf32>, vector<10000x128xf32> -> vector<10000x128xf32>
    %mul3A = vector.broadcast %rsqrt3A : vector<10000x1xf32> to vector<10000x128xf32>
    %mul3A_21 = arith.mulf %mul3A, %dot_general3A_20 : vector<10000x128xf32>
    %swap3A_22 = arith.constant 0 : index
    %swap3A_23 = arith.constant 0 : index
    %swap3A_24 = vector.load %arg4[%swap3A_22, %swap3A_23] : memref<10000x128xf32, #tpu.memory_space<vmem>>, vector<10000x128xf32>
    tpu.vector_store %arg4[%swap3A_22, %swap3A_23], %mul3A_21 {strides = array<i32>} : memref<10000x128xf32, #tpu.memory_space<vmem>>, vector<10000x128xf32>,
    return
  }
}

module attributes {stable_mosaic.version = 14 : i64} {
  func.func @_tcmid_body(%arg0: memref<2x10112x128xf32, #tpu.memory_space<vmem>>, %arg1: memref<10000x128xf32, #tpu.memory_space<vmem>>, %arg2: memref<10000x1xf32, #tpu.memory_space<vmem>>, %arg3: memref<1x128xf32, #tpu.memory_space<vmem>>, %arg4: memref<128x128xf32, #tpu.memory_space<vmem>>, %arg5: memref<10000x128xf32, #tpu.memory_space<vmem>>) attributes {dimension_semantics = [], scalar_prefetch = 0 : i64, scratch_operands = 0 : i64, tpu.core_type = #tpu.core_type<tc>} {
    %get3A = arith.constant 0 : index
    %get3A_0 = arith.constant 0 : index
    %get3A_1 = vector.load %arg2[%get3A, %get3A_0] : memref<10000x1xf32, #tpu.memory_space<vmem>>, vector<10000x1xf32>
    %get3A_2 = arith.constant 0 : index
    %get3A_3 = arith.constant 0 : index
    %get3A_4 = arith.constant 0 : index
    %get3A_5 = vector.load %arg0[%get3A_2, %get3A_3, %get3A_4] : memref<2x10112x128xf32, #tpu.memory_space<vmem>>, vector<1x10000x128xf32>
    %get3A_6 = vector.shape_cast %get3A_5 : vector<1x10000x128xf32> to vector<10000x128xf32>
    %get3A_7 = arith.constant 1 : index
    %get3A_8 = arith.constant 0 : index
    %get3A_9 = arith.constant 0 : index
    %get3A_10 = vector.load %arg0[%get3A_7, %get3A_8, %get3A_9] : memref<2x10112x128xf32, #tpu.memory_space<vmem>>, vector<1x10000x128xf32>
    %get3A_11 = vector.shape_cast %get3A_10 : vector<1x10000x128xf32> to vector<10000x128xf32>
    %add3A = arith.addf %get3A_6, %get3A_11 : vector<10000x128xf32>
    %get3A_12 = arith.constant 0 : index
    %get3A_13 = arith.constant 0 : index
    %get3A_14 = vector.load %arg1[%get3A_12, %get3A_13] : memref<10000x128xf32, #tpu.memory_space<vmem>>, vector<10000x128xf32>
    %add3A_15 = arith.addf %add3A, %get3A_14 : vector<10000x128xf32>
    %mul3A = vector.broadcast %get3A_1 : vector<10000x1xf32> to vector<10000x128xf32>
    %mul3A_16 = arith.mulf %mul3A, %add3A_15 : vector<10000x128xf32>
    %get3A_17 = arith.constant 0 : index
    %get3A_18 = arith.constant 0 : index
    %get3A_19 = vector.load %arg3[%get3A_17, %get3A_18] : memref<1x128xf32, #tpu.memory_space<vmem>>, vector<1x128xf32>
    %add3A_20 = vector.broadcast %get3A_19 : vector<1x128xf32> to vector<10000x128xf32>
    %add3A_21 = arith.addf %mul3A_16, %add3A_20 : vector<10000x128xf32>
    %max3A = arith.constant 0.000000e+00 : f32
    %max3A_22 = vector.broadcast %max3A : f32 to vector<10000x128xf32>
    %max3A_23 = arith.maximumf %add3A_21, %max3A_22 : vector<10000x128xf32>
    %get3A_24 = arith.constant 0 : index
    %get3A_25 = arith.constant 0 : index
    %get3A_26 = vector.load %arg4[%get3A_24, %get3A_25] : memref<128x128xf32, #tpu.memory_space<vmem>>, vector<128x128xf32>
    %dot_general3A = arith.constant dense<0.000000e+00> : vector<10000x128xf32>
    %dot_general3A_27 = tpu.matmul %max3A_23, %get3A_26, %dot_general3A {dimension_numbers = #tpu.dot_dimension_numbers<[1], [0], [0], [1], [0, 0, 1, 1], [], []>, transpose_lhs_hint = false} : vector<10000x128xf32>, vector<128x128xf32>, vector<10000x128xf32> -> vector<10000x128xf32>
    %mul3A_28 = vector.broadcast %get3A_1 : vector<10000x1xf32> to vector<10000x128xf32>
    %mul3A_29 = arith.mulf %mul3A_28, %dot_general3A_27 : vector<10000x128xf32>
    %swap3A = arith.constant 0 : index
    %swap3A_30 = arith.constant 0 : index
    %swap3A_31 = vector.load %arg5[%swap3A, %swap3A_30] : memref<10000x128xf32, #tpu.memory_space<vmem>>, vector<10000x128xf32>
    tpu.vector_store %arg5[%swap3A, %swap3A_30], %mul3A_29 {strides = array<i32>} : memref<10000x128xf32, #tpu.memory_space<vmem>>, vector<10000x128xf32>,
    return
  }
}

module attributes {stable_mosaic.version = 14 : i64} {
  func.func @_tcfin_body(%arg0: memref<2x10112x128xf32, #tpu.memory_space<vmem>>, %arg1: memref<10000x128xf32, #tpu.memory_space<vmem>>, %arg2: memref<10000x1xf32, #tpu.memory_space<vmem>>, %arg3: memref<1x128xf32, #tpu.memory_space<vmem>>, %arg4: memref<10000x1xi32, #tpu.memory_space<vmem>>, %arg5: memref<128x10xf32, #tpu.memory_space<vmem>>, %arg6: memref<1x10xf32, #tpu.memory_space<vmem>>, %arg7: memref<128x10xf32, #tpu.memory_space<vmem>>) attributes {dimension_semantics = [], scalar_prefetch = 0 : i64, scratch_operands = 0 : i64, tpu.core_type = #tpu.core_type<tc>} {
    %get3A = arith.constant 0 : index
    %get3A_0 = arith.constant 0 : index
    %get3A_1 = vector.load %arg2[%get3A, %get3A_0] : memref<10000x1xf32, #tpu.memory_space<vmem>>, vector<10000x1xf32>
    %get3A_2 = arith.constant 0 : index
    %get3A_3 = arith.constant 0 : index
    %get3A_4 = arith.constant 0 : index
    %get3A_5 = vector.load %arg0[%get3A_2, %get3A_3, %get3A_4] : memref<2x10112x128xf32, #tpu.memory_space<vmem>>, vector<1x10000x128xf32>
    %get3A_6 = vector.shape_cast %get3A_5 : vector<1x10000x128xf32> to vector<10000x128xf32>
    %get3A_7 = arith.constant 1 : index
    %get3A_8 = arith.constant 0 : index
    %get3A_9 = arith.constant 0 : index
    %get3A_10 = vector.load %arg0[%get3A_7, %get3A_8, %get3A_9] : memref<2x10112x128xf32, #tpu.memory_space<vmem>>, vector<1x10000x128xf32>
    %get3A_11 = vector.shape_cast %get3A_10 : vector<1x10000x128xf32> to vector<10000x128xf32>
    %add3A = arith.addf %get3A_6, %get3A_11 : vector<10000x128xf32>
    %get3A_12 = arith.constant 0 : index
    %get3A_13 = arith.constant 0 : index
    %get3A_14 = vector.load %arg1[%get3A_12, %get3A_13] : memref<10000x128xf32, #tpu.memory_space<vmem>>, vector<10000x128xf32>
    %add3A_15 = arith.addf %add3A, %get3A_14 : vector<10000x128xf32>
    %mul3A = vector.broadcast %get3A_1 : vector<10000x1xf32> to vector<10000x128xf32>
    %mul3A_16 = arith.mulf %mul3A, %add3A_15 : vector<10000x128xf32>
    %get3A_17 = arith.constant 0 : index
    %get3A_18 = arith.constant 0 : index
    %get3A_19 = vector.load %arg3[%get3A_17, %get3A_18] : memref<1x128xf32, #tpu.memory_space<vmem>>, vector<1x128xf32>
    %add3A_20 = vector.broadcast %get3A_19 : vector<1x128xf32> to vector<10000x128xf32>
    %add3A_21 = arith.addf %mul3A_16, %add3A_20 : vector<10000x128xf32>
    %iota3A = tpu.iota {dimensions = array<i32: 1>} : vector<1x128xi32>
    %get3A_22 = arith.constant 0 : index
    %get3A_23 = arith.constant 0 : index
    %get3A_24 = vector.load %arg4[%get3A_22, %get3A_23] : memref<10000x1xi32, #tpu.memory_space<vmem>>, vector<10000x1xi32>
    %eq3A = vector.broadcast %get3A_24 : vector<10000x1xi32> to vector<10000x128xi32>
    %eq3A_25 = vector.broadcast %iota3A : vector<1x128xi32> to vector<10000x128xi32>
    %eq3A_26 = arith.cmpi eq, %eq3A, %eq3A_25 : vector<10000x128xi32>
    %convert_element_type3A = arith.extui %eq3A_26 : vector<10000x128xi1> to vector<10000x128xi32>
    %convert_element_type3A_27 = arith.sitofp %convert_element_type3A : vector<10000x128xi32> to vector<10000x128xf32>
    %dot_general3A = arith.constant dense<0.000000e+00> : vector<128x128xf32>
    %dot_general3A_28 = tpu.matmul %convert_element_type3A_27, %add3A_21, %dot_general3A {dimension_numbers = #tpu.dot_dimension_numbers<[0], [0], [1], [1], [0, 1, 1, 1], [], []>, transpose_lhs_hint = false} : vector<10000x128xf32>, vector<10000x128xf32>, vector<128x128xf32> -> vector<128x128xf32>
    %reduce_sum3A = arith.constant dense<0.000000e+00> : vector<128xf32>
    %reduce_sum3A_29 = vector.multi_reduction <add>, %convert_element_type3A_27, %reduce_sum3A [0] : vector<10000x128xf32> to vector<128xf32>
    %broadcast_in_dim3A = vector.shape_cast %reduce_sum3A_29 : vector<128xf32> to vector<128x1xf32>
    %max3A = arith.constant 1.000000e+00 : f32
    %max3A_30 = vector.broadcast %max3A : f32 to vector<128x1xf32>
    %max3A_31 = arith.maximumf %broadcast_in_dim3A, %max3A_30 : vector<128x1xf32>
    %div3A = vector.broadcast %max3A_31 : vector<128x1xf32> to vector<128x128xf32>
    %div3A_32 = arith.divf %dot_general3A_28, %div3A : vector<128x128xf32>
    %get3A_33 = arith.constant 0 : index
    %get3A_34 = arith.constant 0 : index
    %get3A_35 = vector.load %arg5[%get3A_33, %get3A_34] : memref<128x10xf32, #tpu.memory_space<vmem>>, vector<128x10xf32>
    %dot_general3A_36 = arith.constant dense<0.000000e+00> : vector<128x10xf32>
    %dot_general3A_37 = tpu.matmul %div3A_32, %get3A_35, %dot_general3A_36 {dimension_numbers = #tpu.dot_dimension_numbers<[1], [0], [0], [1], [0, 0, 1, 1], [], []>, transpose_lhs_hint = false} : vector<128x128xf32>, vector<128x10xf32>, vector<128x10xf32> -> vector<128x10xf32>
    %get3A_38 = arith.constant 0 : index
    %get3A_39 = arith.constant 0 : index
    %get3A_40 = vector.load %arg6[%get3A_38, %get3A_39] : memref<1x10xf32, #tpu.memory_space<vmem>>, vector<1x10xf32>
    %add3A_41 = vector.broadcast %get3A_40 : vector<1x10xf32> to vector<128x10xf32>
    %add3A_42 = arith.addf %dot_general3A_37, %add3A_41 : vector<128x10xf32>
    %swap3A = arith.constant 0 : index
    %swap3A_43 = arith.constant 0 : index
    %swap3A_44 = vector.load %arg7[%swap3A, %swap3A_43] : memref<128x10xf32, #tpu.memory_space<vmem>>, vector<128x10xf32>
    tpu.vector_store %arg7[%swap3A, %swap3A_43], %add3A_42 {strides = array<i32>} : memref<128x10xf32, #tpu.memory_space<vmem>>, vector<128x10xf32>,
    return
  }
}

</mosaic_0001>

<sc_bundles>
// kernel: sc_degree.3.cloned.1.call-start
scs
__scs_entry_jumppad:
0x0: {  	(pc) =	sbr.rel $0x88, $3  }
0x1: {  	(tag) =	ssettag $0x0;
	lr =	simm.s32 $0x1  }
0x2: {  	[smem:$0x3F96] =	sst lr;
	_ =	strace $0xD0000000  }
0x3: {  	_ = 	snop  }
0x4: {  	_ = 	snop  }
0x5: {  	_ = 	snop  }
0x6: {  	_ = 	snop  }
0x7: {  	_ = 	snop  }
__scs_overlays_trampoline_lowered:
0x8: {  	[smem:$0x3FA5] =	sst s0  }
0x9: {  	[smem:$0x3FA6] =	sst s1  }
0xa: {  	[smem:$0x3FA7] =	sst s2  }
0xb: {  	[smem:$0x3FA8] =	sst s3  }
0xc: {  	[smem:$0x3FA9] =	sst s4  }
0xd: {  	[smem:$0x3FAA] =	sst s5  }
0xe: {  	[smem:$0x3FAB] =	sst s6  }
0xf: {  	[smem:$0x3FAC] =	sst s7  }
0x10: {  	[smem:$0x3FAD] =	sst s8  }
0x11: {  	[smem:$0x3FAE] =	sst s9;
	s0 =	simm.s32 @!p0 $0x0  }
0x12: {  	s1 =	sld [smem:$0x3F94];
	s0 =	simm.s32 @p0 $0x1  }
0x13: {  	[smem:$0x3FAF] =	sst s0;
	s0 =	simm.s32 @!p1 $0x0  }
0x14: {  	s2 =	sld [smem:$0x3F93];
	s0 =	simm.s32 @p1 $0x1  }
0x15: {  	[smem:$0x3FB0] =	sst s0;
	s0 =	simm.s32 @!p2 $0x0  }
0x16: {  	s3 =	sld [smem:$0x3FDB];
	s0 =	simm.s32 @p2 $0x1  }
0x17: {  	s4 =	simm.s32 $0x1BF5;
	[smem:$0x3FB2] =	sst s0  }
0x18: {  	s0 =	sld [smem:$0x3F95];
	_ =	swait.ge [sflag:s4], $0x0  }
0x19: {  	s7 =	sld [smem:$0x3F96]  }
0x1a: {  	s8 =	sadd.s32 $0xFFFFE003, lr  }
0x1b: {  	s9 =	sadd.s32 $0xFFFFFEF7, lr;
	s5 =	simm.s32 $0xFFFFFFFF;
	p2 =	slt.u32 s8, $0xFFFFF086  }
0x1c: {  	p1 =	slt.u32 s9, $0xF7A;
	s5 =	simm.s32 @!p2 $0x0  }
0x1d: {  	s5 =	simm.s32 @p1 $0x1;
	p0 =	seq.s32 s7, s2  }
0x1e: {  	s7 =	smul.u32 @!p0 $0xF7A, s2;
	p2 =	seq.s32 @!p0 s5, $0x0  }
0x1f: {  	s9 =	smul.u32 $0xF7A, s1;
	s8 =	simm.s32 @!p0 $0x1BF5;
	p2 =	por !p2, p0  }
0x20: {  	[sflag:s8] =	ssyncset.s32 @!p0 $0xFFFFF086;
	s6 =	sadd.s32 @!p0 s3, s7;
	s7 =	simm.s32 @!p0 $0x108  }
0x21: {  	s3 =	sadd.s32 s3, s9;
	s6 =	sadd.s32 @!p0 $0x88, s6;
	s7 =	simm.s32 @p2 $0x1082  }
0x22: {  	[simem:s7], [sflag:s8] =	dma.local @!p0 [hbm:s6], $0xF7A  }
0x23: {  	s9 =	sor.u32 $0xD0000000, s2;
	s6 =	simm.s32 $0x108;
	_ =	swait.ge @!p0 [sflag:s8], $0x0  }
0x24: {  	s3 =	sadd.s32 $0x88, s3;
	s6 =	simm.s32 @!p1 $0x1082;
	[sflag:s4] =	ssyncset.s32 $0xFFFFF086  }
0x25: {  	[simem:s6], [sflag:s4] =	dma.local [hbm:s3], $0xF7A  }
0x26: {  	[smem:$0x3F96] =	sst s1;
	(tag) =	ssettag s2;
	_ =	strace s9  }
0x27: {  	s1 =	sld [smem:$0x3FA6]  }
0x28: {  	s2 =	sld [smem:$0x3FA7]  }
0x29: {  	s4 =	sld [smem:$0x3FA9]  }
0x2a: {  	p0 =	seq.s32 s5, $0x0;
	s5 =	sld [smem:$0x3FAA]  }
0x2b: {  	s6 =	sld [smem:$0x3FAB]  }
0x2c: {  	s7 =	sld [smem:$0x3FAC]  }
0x2d: {  	s3 =	simm.s32 $0x108;
	s8 =	sld [smem:$0x3FAD]  }
0x2e: {  	s3 =	simm.s32 @!p0 $0x1082;
	s9 =	sld [smem:$0x3FAE]  }
0x2f: {  	lr =	sadd.s32 s0, s3;
	s0 =	sld [smem:$0x3FA5]  }
0x30: {  	s3 =	sld [smem:$0x3FA8]  }
0x31: {  	[smem:$0x3FB1] =	sst s10  }
0x32: {  	s10 =	sld [smem:$0x3FAF];
	_ =	sdelay $0x3  }
0x33: {  	p0 =	seq.s32 s10, $0x1;
	s10 =	sld [smem:$0x3FB1];
	_ =	sdelay $0x3  }
0x34: {  	[smem:$0x3FB1] =	sst s10  }
0x35: {  	s10 =	sld [smem:$0x3FB0];
	_ =	sdelay $0x3  }
0x36: {  	p1 =	seq.s32 s10, $0x1;
	s10 =	sld [smem:$0x3FB1];
	_ =	sdelay $0x3  }
0x37: {  	[smem:$0x3FB1] =	sst s10  }
0x38: {  	s10 =	sld [smem:$0x3FB2]  }
0x39: {  	_ = 	snop;
	(pc) =	sbr.ind lr, $3  }
0x3a: {  	_ = 	snop  }
0x3b: {  	_ = 	snop  }
0x3c: {  	p2 =	seq.s32 s10, $0x1;
	s10 =	sld [smem:$0x3FB1]  }
0x3d: {  	_ =	shalt  }
0x3e: {  	_ =	shalt  }
0x3f: {  	_ =	shalt  }
0x40: {  	_ =	shalt  }
0x41: {  	_ =	shalt  }
0x42: {  	_ =	shalt  }
0x43: {  	_ =	shalt  }
0x44: {  	_ =	shalt  }
0x45: {  	_ =	shalt  }
0x46: {  	_ =	shalt  }
0x47: {  	_ =	shalt  }
0x48: {  	_ =	shalt  }
0x49: {  	_ =	shalt  }
0x4a: {  	_ =	shalt  }
0x4b: {  	_ =	shalt  }
0x4c: {  	_ =	shalt  }
0x4d: {  	_ =	shalt  }
0x4e: {  	_ =	shalt  }
0x4f: {  	_ =	shalt  }
0x50: {  	_ =	shalt  }
0x51: {  	_ =	shalt  }
0x52: {  	_ =	shalt  }
0x53: {  	_ =	shalt  }
0x54: {  	_ =	shalt  }
0x55: {  	_ =	shalt  }
0x56: {  	_ =	shalt  }
0x57: {  	_ =	shalt  }
0x58: {  	_ =	shalt  }
0x59: {  	_ =	shalt  }
0x5a: {  	_ =	shalt  }
0x5b: {  	_ =	shalt  }
0x5c: {  	_ =	shalt  }
0x5d: {  	_ =	shalt  }
0x5e: {  	_ =	shalt  }
0x5f: {  	_ =	shalt  }
0x60: {  	_ =	shalt  }
0x61: {  	_ =	shalt  }
0x62: {  	_ =	shalt  }
0x63: {  	_ =	shalt  }
0x64: {  	_ =	shalt  }
0x65: {  	_ =	shalt  }
0x66: {  	_ =	shalt  }
0x67: {  	_ =	shalt  }
0x68: {  	_ =	shalt  }
0x69: {  	_ =	shalt  }
0x6a: {  	_ =	shalt  }
0x6b: {  	_ =	shalt  }
0x6c: {  	_ =	shalt  }
0x6d: {  	_ =	shalt  }
0x6e: {  	_ =	shalt  }
0x6f: {  	_ =	shalt  }
0x70: {  	_ =	shalt  }
0x71: {  	_ =	shalt  }
0x72: {  	_ =	shalt  }
0x73: {  	_ =	shalt  }
0x74: {  	_ =	shalt  }
0x75: {  	_ =	shalt  }
0x76: {  	_ =	shalt  }
0x77: {  	_ =	shalt  }
0x78: {  	_ =	shalt  }
0x79: {  	_ =	shalt  }
0x7a: {  	_ =	shalt  }
0x7b: {  	_ =	shalt  }
0x7c: {  	_ =	shalt  }
0x7d: {  	_ =	shalt  }
0x7e: {  	_ =	shalt  }
0x7f: {  	_ =	shalt  }
0x80: {  	_ =	shalt  }
0x81: {  	_ =	shalt  }
0x82: {  	_ =	shalt  }
0x83: {  	_ =	shalt  }
0x84: {  	_ =	shalt  }
0x85: {  	_ =	shalt  }
0x86: {  	_ =	shalt  }
0x87: {  	_ =	shalt  }
.Lfunc_end0:
.L_simem_size_0:
called_computation_lowered:
.L_overlay_start_0:
0x88: {  	s2 =	sld [smem:$0x3FD9]  }
0x89: {  	s3 =	sld [smem:$0x3FFE];
	_ =	sdelay $0x1  }
0x8a: {  	s1 =	srdreg.scid  }
0x8b: {  	s0 =	sand.u32 $0x1, s1  }
0x8c: {  	s16 =	sshll.u32 s0, $0xA;
	s2 =	sadd.s32 s3, s2  }
0x8d: {  	s2 =	sadd.s32 s2, s16  }
0x8e: {  	[smem:$0x3FBD] =	sst s2  }
0x8f: {  	_ = 	snop  }
0x90: {  	(tm) =	ssettm $0x1  }
0x91: {  	s17 =	sld [smem:$0x3FFB];
	_ =	sdelay $0x3  }
0x92: {  	_ =	strace s17  }
0x93: {  	s2 =	sld [smem:$0x3FFC];
	_ =	sdelay $0x3  }
0x94: {  	_ =	strace s2  }
0x95: {  	s2 =	sld [smem:$0x3FFD];
	_ =	sdelay $0x3  }
0x96: {  	_ =	strace s2  }
0x97: {  	_ =	strace $0x8FFFFFFF  }
0x98: {  	s18 =	sld [smem:$0x3FDB];
	_ =	sdelay $0x1  }
0x99: {  	s19 =	simm.s32 $_scs_section_size  }
0x9a: {  	s4 =	simm.s32 $_size__tile_overlayer_lowered;
	s5 =	simm.s32 $_tile_overlayer_lowered  }
0x9b: {  	s22 =	simm.s32 $0x1BFF;
	s21 =	sshll.u32 s5, $0x1;
	s2 =	sadd.s32 s19, s18  }
0x9c: {  	s6 =	simm.s32 $0x0;
	s20 =	sshll.u32 s4, $0x1;
	s4 =	sadd.s32 s21, s2  }
0x9d: {  	[timem:s6], [sflag:s22] =	dma.local [hbm:s4], s20  }
0x9e: {  	_ =	swait.ge [sflag:s22], s20  }
0x9f: {  	s3 =	ssub.s32 $0x0, s20;
	[sflag:s22] =	ssyncset.done $0x0  }
0xa0: {  	[sflag:s22] =	ssyncadd.s32 s3;
	_ =	sdelay $0x1  }
0xa1: {  	s23 =	simm.s32 $0x1B8B  }
0xa2: {  	_ =	swait.ge [sflag:s23], $0x1  }
0xa3: {  	[sflag:s23] =	ssyncset.done $0x0  }
0xa4: {  	s25 =	simm.s32 $0x1B8E;
	s24 =	sld [smem:$0x3FFE];
	[sflag:s23] =	ssyncadd.s32 $0xFFFFFFFF  }
0xa5: {  	s26 =	simm.s32 $execute0_lowered;
	[smem:$0x3FD2] =	sst s25  }
0xa6: {  	s4 =	sshll.u32 s26, $0x1;
	_ =	strace $0x80000046;
	[dreg:$0x1] =	wrdreg $0xFFFFFFFF  }
0xa7: {  	s28 =	simm.s32 $_size_execute0_lowered;
	s2 =	sadd.s32 s2, s4;
	[dreg:$0x0] =	wrdreg $0x0  }
0xa8: {  	s4 =	sshll.u32 s28, $0x1;
	[dreg:$0x2] =	wrdreg s2  }
0xa9: {  	[dreg:$0x3] =	wrdreg s4  }
0xaa: {  	[dreg:$0x4] =	wrdreg $0xC0  }
0xab: {  	_ =	task [dreg:s6], $0x5FFFF  }
0xac: {  	[dreg:$0x1] =	wrdreg $0xFFFFFFFF  }
0xad: {  	[dreg:$0x0] =	wrdreg $0x60  }
0xae: {  	[dreg:$0x2] =	wrdreg s24  }
0xaf: {  	[dreg:$0x3] =	wrdreg $0x68000  }
0xb0: {  	[dreg:$0x4] =	wrdreg $0x9  }
0xb1: {  	_ =	task.clear_ibuf [dreg:s6], $0x5FFFF;
	_ =	strace $0x90000046  }
0xb2: {  	s29 =	simm.s32 $0x9;
	_ =	strace $0x80000048  }
0xb3: {  	_ =	swait.ge [sflag:s29], $0x1  }
0xb4: {  	[sflag:s29] =	ssyncadd.s32 $0xFFFFFFFF  }
0xb5: {  	_ =	strace $0x90000048  }
0xb6: {  	_ =	sfence  }
0xb7: {  	s30 =	sld [smem:$0x0];
	_ =	sdelay $0x2  }
0xb8: {  	s31 =	sshll.u32 s1, $0xD;
	s1 =	sshrl.u32 s1, $0x2  }
0xb9: {  	s3 =	sand.u32 $0x4000, s31;
	s1 =	sadd.s32 s1, s30  }
0xba: {  	s0 =	sor.u32 s3, s0;
	s1 =	sshll.u32 s1, $0x11  }
0xbb: {  	s0 =	sor.u32 s1, s0  }
0xbc: {  	s0 =	sadd.s32 $0x8F2B, s0  }
0xbd: {  	[sflag:s0] =	ssyncadd.remote.s32 $0x1  }
0xbe: {  	_ =	sfence.sel $0xFFFF  }
0xbf: {  	[dreg:$0x0] =	wrdreg $0xFFFFFFFF;
	(pc) =	sbr.abs _section_cstart, $3  }
0xc0: {  	[dreg:$0x1] =	wrdreg $0xFFFFFFFF  }
0xc1: {  	_ =	task.clear_ibuf [dreg:s6], $0x2FFFF;
	_ =	strace $0x9FFFFFFF  }
0xc2: {  	(tm) =	ssettm $0x7FFFFFFF  }
0xc3: {  	_ =	shalt  }
tec
execute0_lowered:
.L_overlay_start_1:
0x0: {  	(tag) =	ssettag $0x1  }
0x1: {  	s0 =	srdreg.scid;
	s5 =	rddreg [dreg:$0x0]  }
0x2: {  	s2 =	rddreg [dreg:$0x1];
	s3 =	simm.s32 $0x0;
	s14 =	simm.s32 $0x100  }
0x3: {  	s15 =	simm.s32 $0x180;
	s4 =	sand.u32 $0x1, s0;
	s0 =	stileid.u32  }
0x4: {  	s16 =	simm.s32 $0x1;
	s17 =	simm.s32 $0x0;
	s7 =	smul.u32 $0x13C00, s0  }
0x5: {  	[smem:$0x7FF] =	sst s3;
	s1 =	sshll.u32 s4, $0x4;
	s9 =	smul.u32 $0x13C000, s4  }
0x6: {  	s28 =	ssub.s32 $0x2, s4;
	s29 =	smul.u32 $0x4F000, s0;
	s4 =	sadd.s32 $0x3F000, s5  }
0x7: {  	s31 =	sshll.u32 s0, $0x6;
	s6 =	sor.u32 s0, s1;
	s1 =	rddreg [dreg:$0x2]  }
0x8: {  	_ =	strace $0x80000047;
	s11 =	sshrl.u32 s28, $0x1;
	s6 =	smul.u32 $0x500, s6  }
0x9: {  	s8 =	sshrl.u32 s7, $0x3;
	s7 =	sadd.s32 s7, s9;
	s11 =	ssub.s32 s28, s11  }
0xa: {  	s30 =	sshrl.u32 s29, $0x2;
	s26 =	sadd.s32 s8, s5;
	s7 =	sshrl.u32 s7, $0x3  }
0xb: {  	s13 =	sadd.s32 s30, s2;
	s9 =	smax.u32 s11, $0x1;
	s11 =	simm.s32 $0x2  }
0xc: {  	s10 =	sadd.s32 s6, s5;
	s12 =	sadd.s32 s7, s5;
	s5 =	sadd.s32 $0x17800, s26  }
0xd: {  	s6 =	sor.u32 $0x1C02, s31;
	s7 =	sadd.s32 $0xD800, s10;
	s8 =	sadd.s32 $0x3F800, s12  }
0xe: {  	s10 =	sshrl.u32 s13, $0x3;
	s12 =	simm.s32 $0x2800;
	s13 =	simm.s32 $0x80  }
.LBB2_1:
0xf: {  	[spmem:s10], [sflag:s6] =	dma.local [hbm:s5], $0x2780  }
0x10: {  	_ =	swait.ge [sflag:s11], $0x2780  }
0x11: {  	[sflag:s11] =	ssyncset.done $0x0  }
0x12: {  	[sflag:s11] =	ssyncadd.s32 $0xFFFFD880  }
0x13: {  	[tilespmem:s12], [sflag:$0x2] =	stream.linear.gather [hbm4b:s4+s3], $0x4000, $0x38;
	[tilespmem:$0x1A400] =	vst v63  }
0x14: {  	_ =	swait.ge [sflag:s11], $0x4000  }
0x15: {  	[sflag:s11] =	ssyncset.done $0x0  }
0x16: {  	[sflag:s11] =	ssyncadd.s32 $0xFFFFC000  }
0x17: {  	[tilespmem:s3], [sflag:$0x2] =	stream.linear.gather [hbm4b:s7+s3], $0x2800, $0x38;
	[tilespmem:$0x1A400] =	vst v63  }
0x18: {  	_ =	swait.ge [sflag:s11], $0x2800  }
0x19: {  	[sflag:s11] =	ssyncset.done $0x0  }
0x1a: {  	[sflag:s11] =	ssyncadd.s32 $0xFFFFD800  }
0x1b: {  	[bflag:$0x0] =	sbarrier.arrive $0xFFFF  }
0x1c: {  	[spmem:s2] =	stream.indirect.scatter.add.f32 [tilespmem:s12], [sflag:$0x1], $0x80, s3, s13, $0xb8;
	[tilespmem:$0x1A400] =	vst v63  }
0x1d: {  	_ = 	snop  }
0x1e: {  	[spmem:s2] =	stream.indirect.scatter.add.f32 [tilespmem:s12], [sflag:$0x1], $0x80, s13, s13, $0xb8;
	[tilespmem:$0x1A400] =	vst v63  }
0x1f: {  	_ = 	snop  }
0x20: {  	[spmem:s2] =	stream.indirect.scatter.add.f32 [tilespmem:s12], [sflag:$0x1], $0x80, s14, s13, $0xb8;
	[tilespmem:$0x1A400] =	vst v63  }
0x21: {  	_ = 	snop  }
0x22: {  	[spmem:s2] =	stream.indirect.scatter.add.f32 [tilespmem:s12], [sflag:$0x1], $0x80, s15, s13, $0xb8;
	[tilespmem:$0x1A400] =	vst v63  }
0x23: {  	_ =	swait.ge [sflag:s16], $0x4000  }
0x24: {  	[sflag:s16] =	ssyncset.done $0x0  }
0x25: {  	[sflag:s16] =	ssyncadd.s32 $0xFFFFC000  }
0x26: {  	_ =	swait.ge [sflag:s16], $0x4000  }
0x27: {  	[sflag:s16] =	ssyncset.done $0x0  }
0x28: {  	[sflag:s16] =	ssyncadd.s32 $0xFFFFC000  }
0x29: {  	_ =	swait.ge [sflag:s16], $0x4000  }
0x2a: {  	[sflag:s16] =	ssyncset.done $0x0  }
0x2b: {  	[sflag:s16] =	ssyncadd.s32 $0xFFFFC000  }
0x2c: {  	_ =	swait.ge [sflag:s16], $0x4000  }
0x2d: {  	[sflag:s16] =	ssyncset.done $0x0  }
0x2e: {  	s18 =	simm.s32 $0x200;
	[sflag:s16] =	ssyncadd.s32 $0xFFFFC000  }
0x2f: {  	[spmem:s2] =	stream.indirect.scatter.add.f32 [tilespmem:s12], [sflag:$0x1], $0x80, s18, s13, $0xb8;
	[tilespmem:$0x1A400] =	vst v63  }
0x30: {  	s30 =	simm.s32 $0x280  }
0x31: {  	[spmem:s2] =	stream.indirect.scatter.add.f32 [tilespmem:s12], [sflag:$0x1], $0x80, s30, s13, $0xb8;
	[tilespmem:$0x1A400] =	vst v63  }
0x32: {  	s31 =	simm.s32 $0x300;
	s19 =	simm.s32 $0x380;
	s18 =	simm.s32 $0xFFFF7000  }
0x33: {  	[spmem:s2] =	stream.indirect.scatter.add.f32 [tilespmem:s12], [sflag:$0x1], $0x80, s31, s13, $0xb8;
	[tilespmem:$0x1A400] =	vst v63  }
.LBB2_2:
0x34: {  	[spmem:s2] =	stream.indirect.scatter.add.f32 [tilespmem:s12], [sflag:$0x1], $0x80, s19, s13, $0xb8;
	[tilespmem:$0x1A400] =	vst v63  }
0x35: {  	s19 =	smov.u32 s18  }
0x36: {  	p0 =	sne.s32 s18, $0xFFFFF800;
	s18 =	sadd.s32 $0x800, s18;
	_ =	swait.ge [sflag:s16], $0x4000  }
0x37: {  	[sflag:s16] =	ssyncset.done $0x0  }
0x38: {  	[sflag:s16] =	ssyncadd.s32 $0xFFFFC000  }
0x39: {  	_ =	swait.ge [sflag:s16], $0x4000  }
0x3a: {  	[sflag:s16] =	ssyncset.done $0x0  }
0x3b: {  	[sflag:s16] =	ssyncadd.s32 $0xFFFFC000  }
0x3c: {  	_ =	swait.ge [sflag:s16], $0x4000  }
0x3d: {  	[sflag:s16] =	ssyncset.done $0x0  }
0x3e: {  	[sflag:s16] =	ssyncadd.s32 $0xFFFFC000  }
0x3f: {  	_ =	swait.ge [sflag:s16], $0x4000  }
0x40: {  	s19 =	sshra.s32 s19, $0x2;
	[sflag:s16] =	ssyncset.done $0x0  }
0x41: {  	s20 =	sadd.s32 $0x2800, s19;
	[sflag:s16] =	ssyncadd.s32 $0xFFFFC000  }
0x42: {  	[spmem:s2] =	stream.indirect.scatter.add.f32 [tilespmem:s12], [sflag:$0x1], $0x80, s20, s13, $0xb8;
	[tilespmem:$0x1A400] =	vst v63  }
.Ltmp0:
0x43: {  	s20 =	sadd.s32 $0x2880, s19;
	(pc) =	sbr.rel @p0 .LBB2_2-.Ltmp0, $4  }
0x44: {  	[spmem:s2] =	stream.indirect.scatter.add.f32 [tilespmem:s12], [sflag:$0x1], $0x80, s20, s13, $0xb8;
	[tilespmem:$0x1A400] =	vst v63  }
0x45: {  	s20 =	sadd.s32 $0x2900, s19  }
0x46: {  	[spmem:s2] =	stream.indirect.scatter.add.f32 [tilespmem:s12], [sflag:$0x1], $0x80, s20, s13, $0xb8;
	[tilespmem:$0x1A400] =	vst v63  }
0x47: {  	s19 =	sadd.s32 $0x2980, s19  }
0x48: {  	[spmem:s2] =	stream.indirect.scatter.add.f32 [tilespmem:s12], [sflag:$0x1], $0x80, s19, s13, $0xb8;
	[tilespmem:$0x1A400] =	vst v63  }
0x49: {  	_ =	swait.ge [sflag:s16], $0x4000  }
0x4a: {  	[sflag:s16] =	ssyncset.done $0x0  }
0x4b: {  	[sflag:s16] =	ssyncadd.s32 $0xFFFFC000  }
0x4c: {  	_ =	swait.ge [sflag:s16], $0x4000  }
0x4d: {  	[sflag:s16] =	ssyncset.done $0x0  }
0x4e: {  	[sflag:s16] =	ssyncadd.s32 $0xFFFFC000  }
0x4f: {  	_ =	swait.ge [sflag:s16], $0x4000  }
0x50: {  	[sflag:s16] =	ssyncset.done $0x0  }
0x51: {  	[sflag:s16] =	ssyncadd.s32 $0xFFFFC000  }
0x52: {  	_ =	swait.ge [sflag:s16], $0x4000  }
0x53: {  	s17 =	sadd.s32 $0x1, s17;
	[sflag:s16] =	ssyncset.done $0x0  }
0x54: {  	p0 =	sne.s32 s17, s9;
	[sflag:s16] =	ssyncadd.s32 $0xFFFFC000  }
.Ltmp1:
0x55: {  	[bflag:$0x0] =	sbarrier.arrive $0xFFFF;
	(pc) =	sbr.rel @p0 .LBB2_1-.Ltmp1, $4  }
0x56: {  	[hbm:s8], [sflag:s6] =	dma.local [spmem:s10], $0x2780  }
0x57: {  	_ =	swait.ge [sflag:s11], $0x2780  }
0x58: {  	[sflag:s11] =	ssyncset.done $0x0  }
0x59: {  	[sflag:s11] =	ssyncadd.s32 $0xFFFFD880  }
0x5a: {  	_ =	sfence.sel $0x180000  }
0x5b: {  	[bflag:$0x0] =	sbarrier.arrive $0xFFFF  }
0x5c: {  	p0 =	sne.s32 s0, $0x0;
	_ =	strace $0x90000047  }
0x5d: {  	s0 =	sadd.s32 @!p0 $0x100000, s1;
	[bflag:$0x2] =	sbarrier.arrive $0xFFFF  }
0x5e: {  	[sflag:s0] =	ssyncadd.tile.s32 @!p0 $0x1;
	_ =	shalt  }
.Lfunc_end2:
_tile_overlayer_lowered:
.L_overlay_start_2:
0x5f: {  	(tag) =	ssettag $0x2  }
0x60: {  	s0 =	rddreg [dreg:$0x0];
	s2 =	stileid.u32  }
0x61: {  	s1 =	rddreg [dreg:$0x1];
	p0 =	sne.s32 s2, $0x0  }
0x62: {  	s3 =	rddreg [dreg:$0x2];
	[bflag:$0x3] =	sbarrier.arrive $0xFFFF;
	s2 =	simm.s32 @!p0 $0x1C02  }
0x63: {  	[timem:s3], [sflag:s2] =	dma.local @!p0 [hbm:s0], s1  }
0x64: {  	s0 =	simm.s32 @!p0 $0x2  }
0x65: {  	_ =	swait.ge @!p0 [sflag:s0], s1  }
0x66: {  	s1 =	ssub.s32 @!p0 $0x0, s1;
	[sflag:s0] =	ssyncset.done @!p0 $0x0  }
0x67: {  	[sflag:s0] =	ssyncadd.s32 @!p0 s1  }
0x68: {  	[bflag:$0x3] =	sbarrier.arrive $0xFFFF  }
0x69: {  	_ =	shalt  }

// kernel: sc_message.11.cloned.1.call-start
scs
__scs_entry_jumppad:
0x0: {  	(pc) =	sbr.rel $0x88, $3  }
0x1: {  	(tag) =	ssettag $0x0;
	lr =	simm.s32 $0x1  }
0x2: {  	[smem:$0x3F96] =	sst lr;
	_ =	strace $0xD0000000  }
0x3: {  	_ = 	snop  }
0x4: {  	_ = 	snop  }
0x5: {  	_ = 	snop  }
0x6: {  	_ = 	snop  }
0x7: {  	_ = 	snop  }
__scs_overlays_trampoline_lowered:
0x8: {  	[smem:$0x3FA5] =	sst s0  }
0x9: {  	[smem:$0x3FA6] =	sst s1  }
0xa: {  	[smem:$0x3FA7] =	sst s2  }
0xb: {  	[smem:$0x3FA8] =	sst s3  }
0xc: {  	[smem:$0x3FA9] =	sst s4  }
0xd: {  	[smem:$0x3FAA] =	sst s5  }
0xe: {  	[smem:$0x3FAB] =	sst s6  }
0xf: {  	[smem:$0x3FAC] =	sst s7  }
0x10: {  	[smem:$0x3FAD] =	sst s8  }
0x11: {  	[smem:$0x3FAE] =	sst s9;
	s0 =	simm.s32 @!p0 $0x0  }
0x12: {  	s1 =	sld [smem:$0x3F94];
	s0 =	simm.s32 @p0 $0x1  }
0x13: {  	[smem:$0x3FAF] =	sst s0;
	s0 =	simm.s32 @!p1 $0x0  }
0x14: {  	s2 =	sld [smem:$0x3F93];
	s0 =	simm.s32 @p1 $0x1  }
0x15: {  	[smem:$0x3FB0] =	sst s0;
	s0 =	simm.s32 @!p2 $0x0  }
0x16: {  	s3 =	sld [smem:$0x3FDB];
	s0 =	simm.s32 @p2 $0x1  }
0x17: {  	s4 =	simm.s32 $0x1BF5;
	[smem:$0x3FB2] =	sst s0  }
0x18: {  	s0 =	sld [smem:$0x3F95];
	_ =	swait.ge [sflag:s4], $0x0  }
0x19: {  	s7 =	sld [smem:$0x3F96]  }
0x1a: {  	s8 =	sadd.s32 $0xFFFFE003, lr  }
0x1b: {  	s9 =	sadd.s32 $0xFFFFFEF7, lr;
	s5 =	simm.s32 $0xFFFFFFFF;
	p2 =	slt.u32 s8, $0xFFFFF086  }
0x1c: {  	p1 =	slt.u32 s9, $0xF7A;
	s5 =	simm.s32 @!p2 $0x0  }
0x1d: {  	s5 =	simm.s32 @p1 $0x1;
	p0 =	seq.s32 s7, s2  }
0x1e: {  	s7 =	smul.u32 @!p0 $0xF7A, s2;
	p2 =	seq.s32 @!p0 s5, $0x0  }
0x1f: {  	s9 =	smul.u32 $0xF7A, s1;
	s8 =	simm.s32 @!p0 $0x1BF5;
	p2 =	por !p2, p0  }
0x20: {  	[sflag:s8] =	ssyncset.s32 @!p0 $0xFFFFF086;
	s6 =	sadd.s32 @!p0 s3, s7;
	s7 =	simm.s32 @!p0 $0x108  }
0x21: {  	s3 =	sadd.s32 s3, s9;
	s6 =	sadd.s32 @!p0 $0x88, s6;
	s7 =	simm.s32 @p2 $0x1082  }
0x22: {  	[simem:s7], [sflag:s8] =	dma.local @!p0 [hbm:s6], $0xF7A  }
0x23: {  	s9 =	sor.u32 $0xD0000000, s2;
	s6 =	simm.s32 $0x108;
	_ =	swait.ge @!p0 [sflag:s8], $0x0  }
0x24: {  	s3 =	sadd.s32 $0x88, s3;
	s6 =	simm.s32 @!p1 $0x1082;
	[sflag:s4] =	ssyncset.s32 $0xFFFFF086  }
0x25: {  	[simem:s6], [sflag:s4] =	dma.local [hbm:s3], $0xF7A  }
0x26: {  	[smem:$0x3F96] =	sst s1;
	(tag) =	ssettag s2;
	_ =	strace s9  }
0x27: {  	s1 =	sld [smem:$0x3FA6]  }
0x28: {  	s2 =	sld [smem:$0x3FA7]  }
0x29: {  	s4 =	sld [smem:$0x3FA9]  }
0x2a: {  	p0 =	seq.s32 s5, $0x0;
	s5 =	sld [smem:$0x3FAA]  }
0x2b: {  	s6 =	sld [smem:$0x3FAB]  }
0x2c: {  	s7 =	sld [smem:$0x3FAC]  }
0x2d: {  	s3 =	simm.s32 $0x108;
	s8 =	sld [smem:$0x3FAD]  }
0x2e: {  	s3 =	simm.s32 @!p0 $0x1082;
	s9 =	sld [smem:$0x3FAE]  }
0x2f: {  	lr =	sadd.s32 s0, s3;
	s0 =	sld [smem:$0x3FA5]  }
0x30: {  	s3 =	sld [smem:$0x3FA8]  }
0x31: {  	[smem:$0x3FB1] =	sst s10  }
0x32: {  	s10 =	sld [smem:$0x3FAF];
	_ =	sdelay $0x3  }
0x33: {  	p0 =	seq.s32 s10, $0x1;
	s10 =	sld [smem:$0x3FB1];
	_ =	sdelay $0x3  }
0x34: {  	[smem:$0x3FB1] =	sst s10  }
0x35: {  	s10 =	sld [smem:$0x3FB0];
	_ =	sdelay $0x3  }
0x36: {  	p1 =	seq.s32 s10, $0x1;
	s10 =	sld [smem:$0x3FB1];
	_ =	sdelay $0x3  }
0x37: {  	[smem:$0x3FB1] =	sst s10  }
0x38: {  	s10 =	sld [smem:$0x3FB2]  }
0x39: {  	_ = 	snop;
	(pc) =	sbr.ind lr, $3  }
0x3a: {  	_ = 	snop  }
0x3b: {  	_ = 	snop  }
0x3c: {  	p2 =	seq.s32 s10, $0x1;
	s10 =	sld [smem:$0x3FB1]  }
0x3d: {  	_ =	shalt  }
0x3e: {  	_ =	shalt  }
0x3f: {  	_ =	shalt  }
0x40: {  	_ =	shalt  }
0x41: {  	_ =	shalt  }
0x42: {  	_ =	shalt  }
0x43: {  	_ =	shalt  }
0x44: {  	_ =	shalt  }
0x45: {  	_ =	shalt  }
0x46: {  	_ =	shalt  }
0x47: {  	_ =	shalt  }
0x48: {  	_ =	shalt  }
0x49: {  	_ =	shalt  }
0x4a: {  	_ =	shalt  }
0x4b: {  	_ =	shalt  }
0x4c: {  	_ =	shalt  }
0x4d: {  	_ =	shalt  }
0x4e: {  	_ =	shalt  }
0x4f: {  	_ =	shalt  }
0x50: {  	_ =	shalt  }
0x51: {  	_ =	shalt  }
0x52: {  	_ =	shalt  }
0x53: {  	_ =	shalt  }
0x54: {  	_ =	shalt  }
0x55: {  	_ =	shalt  }
0x56: {  	_ =	shalt  }
0x57: {  	_ =	shalt  }
0x58: {  	_ =	shalt  }
0x59: {  	_ =	shalt  }
0x5a: {  	_ =	shalt  }
0x5b: {  	_ =	shalt  }
0x5c: {  	_ =	shalt  }
0x5d: {  	_ =	shalt  }
0x5e: {  	_ =	shalt  }
0x5f: {  	_ =	shalt  }
0x60: {  	_ =	shalt  }
0x61: {  	_ =	shalt  }
0x62: {  	_ =	shalt  }
0x63: {  	_ =	shalt  }
0x64: {  	_ =	shalt  }
0x65: {  	_ =	shalt  }
0x66: {  	_ =	shalt  }
0x67: {  	_ =	shalt  }
0x68: {  	_ =	shalt  }
0x69: {  	_ =	shalt  }
0x6a: {  	_ =	shalt  }
0x6b: {  	_ =	shalt  }
0x6c: {  	_ =	shalt  }
0x6d: {  	_ =	shalt  }
0x6e: {  	_ =	shalt  }
0x6f: {  	_ =	shalt  }
0x70: {  	_ =	shalt  }
0x71: {  	_ =	shalt  }
0x72: {  	_ =	shalt  }
0x73: {  	_ =	shalt  }
0x74: {  	_ =	shalt  }
0x75: {  	_ =	shalt  }
0x76: {  	_ =	shalt  }
0x77: {  	_ =	shalt  }
0x78: {  	_ =	shalt  }
0x79: {  	_ =	shalt  }
0x7a: {  	_ =	shalt  }
0x7b: {  	_ =	shalt  }
0x7c: {  	_ =	shalt  }
0x7d: {  	_ =	shalt  }
0x7e: {  	_ =	shalt  }
0x7f: {  	_ =	shalt  }
0x80: {  	_ =	shalt  }
0x81: {  	_ =	shalt  }
0x82: {  	_ =	shalt  }
0x83: {  	_ =	shalt  }
0x84: {  	_ =	shalt  }
0x85: {  	_ =	shalt  }
0x86: {  	_ =	shalt  }
0x87: {  	_ =	shalt  }
.Lfunc_end0:
.L_simem_size_0:
called_computation.3_lowered:
.L_overlay_start_0:
0x88: {  	s2 =	sld [smem:$0x3FD9]  }
0x89: {  	s3 =	sld [smem:$0x3FFE];
	_ =	sdelay $0x1  }
0x8a: {  	s1 =	srdreg.scid  }
0x8b: {  	s0 =	sand.u32 $0x1, s1  }
0x8c: {  	s16 =	sshll.u32 s0, $0xA;
	s2 =	sadd.s32 s3, s2  }
0x8d: {  	s2 =	sadd.s32 s2, s16  }
0x8e: {  	[smem:$0x3FBD] =	sst s2  }
0x8f: {  	_ = 	snop  }
0x90: {  	(tm) =	ssettm $0x1  }
0x91: {  	s17 =	sld [smem:$0x3FFB];
	_ =	sdelay $0x3  }
0x92: {  	_ =	strace s17  }
0x93: {  	s2 =	sld [smem:$0x3FFC];
	_ =	sdelay $0x3  }
0x94: {  	_ =	strace s2  }
0x95: {  	s2 =	sld [smem:$0x3FFD];
	_ =	sdelay $0x3  }
0x96: {  	_ =	strace s2  }
0x97: {  	_ =	strace $0x8FFFFFFF  }
0x98: {  	s18 =	sld [smem:$0x3FDB];
	_ =	sdelay $0x1  }
0x99: {  	s19 =	simm.s32 $_scs_section_size  }
0x9a: {  	s4 =	simm.s32 $_size__tile_overlayer_lowered;
	s5 =	simm.s32 $_tile_overlayer_lowered  }
0x9b: {  	s22 =	simm.s32 $0x1BFF;
	s21 =	sshll.u32 s5, $0x1;
	s2 =	sadd.s32 s19, s18  }
0x9c: {  	s6 =	simm.s32 $0x0;
	s20 =	sshll.u32 s4, $0x1;
	s4 =	sadd.s32 s21, s2  }
0x9d: {  	[timem:s6], [sflag:s22] =	dma.local [hbm:s4], s20  }
0x9e: {  	_ =	swait.ge [sflag:s22], s20  }
0x9f: {  	s3 =	ssub.s32 $0x0, s20;
	[sflag:s22] =	ssyncset.done $0x0  }
0xa0: {  	[sflag:s22] =	ssyncadd.s32 s3;
	_ =	sdelay $0x1  }
0xa1: {  	s23 =	simm.s32 $0x1B8B  }
0xa2: {  	_ =	swait.ge [sflag:s23], $0x1  }
0xa3: {  	[sflag:s23] =	ssyncset.done $0x0  }
0xa4: {  	s25 =	simm.s32 $0x1B8E;
	s24 =	sld [smem:$0x3FFE];
	[sflag:s23] =	ssyncadd.s32 $0xFFFFFFFF  }
0xa5: {  	s26 =	simm.s32 $execute0_lowered;
	[smem:$0x3FD2] =	sst s25  }
0xa6: {  	s4 =	sshll.u32 s26, $0x1;
	_ =	strace $0x8000004F;
	[dreg:$0x1] =	wrdreg $0xFFFFFFFF  }
0xa7: {  	s28 =	simm.s32 $_size_execute0_lowered;
	s2 =	sadd.s32 s2, s4;
	[dreg:$0x0] =	wrdreg $0x0  }
0xa8: {  	s4 =	sshll.u32 s28, $0x1;
	[dreg:$0x2] =	wrdreg s2  }
0xa9: {  	[dreg:$0x3] =	wrdreg s4  }
0xaa: {  	[dreg:$0x4] =	wrdreg $0xC0  }
0xab: {  	_ =	task [dreg:s6], $0x5FFFF  }
0xac: {  	[dreg:$0x1] =	wrdreg $0xFFFFFFFF  }
0xad: {  	[dreg:$0x0] =	wrdreg $0x60  }
0xae: {  	[dreg:$0x2] =	wrdreg s24  }
0xaf: {  	[dreg:$0x3] =	wrdreg $0xA8000  }
0xb0: {  	[dreg:$0x4] =	wrdreg $0x9  }
0xb1: {  	_ =	task.clear_ibuf [dreg:s6], $0x5FFFF;
	_ =	strace $0x9000004F  }
0xb2: {  	s29 =	simm.s32 $0x9;
	_ =	strace $0x80000051  }
0xb3: {  	_ =	swait.ge [sflag:s29], $0x1  }
0xb4: {  	[sflag:s29] =	ssyncadd.s32 $0xFFFFFFFF  }
0xb5: {  	_ =	strace $0x90000051  }
0xb6: {  	_ =	sfence  }
0xb7: {  	s30 =	sld [smem:$0x0];
	_ =	sdelay $0x2  }
0xb8: {  	s31 =	sshll.u32 s1, $0xD;
	s1 =	sshrl.u32 s1, $0x2  }
0xb9: {  	s3 =	sand.u32 $0x4000, s31;
	s1 =	sadd.s32 s1, s30  }
0xba: {  	s0 =	sor.u32 s3, s0;
	s1 =	sshll.u32 s1, $0x11  }
0xbb: {  	s0 =	sor.u32 s1, s0  }
0xbc: {  	s0 =	sadd.s32 $0x8F2B, s0  }
0xbd: {  	[sflag:s0] =	ssyncadd.remote.s32 $0x1  }
0xbe: {  	_ =	sfence.sel $0xFFFF  }
0xbf: {  	[dreg:$0x0] =	wrdreg $0xFFFFFFFF;
	(pc) =	sbr.abs _section_cstart, $3  }
0xc0: {  	[dreg:$0x1] =	wrdreg $0xFFFFFFFF  }
0xc1: {  	_ =	task.clear_ibuf [dreg:s6], $0x2FFFF;
	_ =	strace $0x9FFFFFFF  }
0xc2: {  	(tm) =	ssettm $0x7FFFFFFF  }
0xc3: {  	_ =	shalt  }
tec
execute0_lowered:
.L_overlay_start_1:
0x0: {  	(tag) =	ssettag $0x1  }
0x1: {  	s5 =	rddreg [dreg:$0x0]  }
0x2: {  	s2 =	rddreg [dreg:$0x1]  }
0x3: {  	s0 =	rddreg [dreg:$0x2];
	s3 =	simm.s32 $0x0;
	s1 =	stileid.u32  }
0x4: {  	s4 =	srdreg.scid;
	s16 =	simm.s32 $0x80;
	s17 =	simm.s32 $0x2800  }
0x5: {  	s18 =	simm.s32 $0x6800;
	s19 =	simm.s32 $0x1;
	s20 =	simm.s32 $0x2  }
0x6: {  	s21 =	simm.s32 $0x3;
	s22 =	simm.s32 $0x4;
	[smem:$0x7FF] =	sst s3  }
0x7: {  	s6 =	smul.u32 $0x13C00, s1;
	s7 =	sand.u32 $0x1, s4;
	s4 =	sadd.s32 $0x3F000, s5  }
0x8: {  	s9 =	sadd.s32 $0x3800, s5;
	s11 =	sadd.s32 $0xD800, s5;
	s12 =	smul.u32 $0x4F000, s1  }
0x9: {  	s30 =	sshll.u32 s1, $0x6;
	_ =	strace $0x80000050;
	s8 =	smul.u32 $0x13C000, s7  }
0xa: {  	s23 =	sshll.u32 s7, $0x4;
	s24 =	ssub.s32 $0x2, s7;
	s10 =	sshrl.u32 s6, $0x3  }
0xb: {  	s25 =	sor.u32 s1, s23;
	s7 =	sshrl.u32 s24, $0x1;
	s26 =	sshrl.u32 s12, $0x2  }
0xc: {  	s23 =	simm.s32 $0x2700;
	s10 =	sadd.s32 s10, s5;
	s6 =	sadd.s32 s6, s8  }
0xd: {  	s28 =	smul.u32 $0x2800, s25;
	s14 =	ssub.s32 s24, s7;
	s15 =	sadd.s32 s26, s2  }
0xe: {  	s29 =	smul.u32 $0x500, s25;
	s24 =	simm.s32 $0x2780;
	s25 =	simm.s32 $0x0  }
0xf: {  	s6 =	sshrl.u32 s6, $0x3;
	s12 =	smax.u32 s14, $0x1;
	s14 =	simm.s32 $0x5  }
0x10: {  	s13 =	sadd.s32 s6, s5;
	s5 =	sadd.s32 $0x17800, s10;
	s31 =	sshrl.u32 s28, $0x3  }
0x11: {  	s6 =	sor.u32 $0x1C05, s30;
	s7 =	sadd.s32 s9, s29;
	s10 =	sadd.s32 $0x280, s31  }
0x12: {  	s8 =	sadd.s32 s11, s29;
	s9 =	sadd.s32 s9, s10;
	s10 =	sadd.s32 s11, s10  }
0x13: {  	s11 =	sadd.s32 $0x66200, s13;
	s13 =	sshrl.u32 s15, $0x3;
	s15 =	simm.s32 $0x1400  }
.LBB2_1:
0x14: {  	[spmem:s13], [sflag:s6] =	dma.local [hbm:s5], $0x2780  }
0x15: {  	_ =	swait.ge [sflag:s14], $0x2780  }
0x16: {  	[sflag:s14] =	ssyncset.done $0x0  }
0x17: {  	[sflag:s14] =	ssyncadd.s32 $0xFFFFD880  }
0x18: {  	[bflag:$0x0] =	sbarrier.arrive $0xFFFF  }
0x19: {  	[tilespmem:s3], [sflag:$0x5] =	stream.linear.gather [hbm4b:s7+s3], $0x1400, $0x38;
	[tilespmem:$0x1E400] =	vst v63  }
0x1a: {  	_ =	swait.ge [sflag:s14], $0x1400  }
0x1b: {  	[sflag:s14] =	ssyncset.done $0x0  }
0x1c: {  	[sflag:s14] =	ssyncadd.s32 $0xFFFFEC00  }
0x1d: {  	[tilespmem:s15], [sflag:$0x5] =	stream.linear.gather [hbm4b:s8+s3], $0x1400, $0x38;
	[tilespmem:$0x1E400] =	vst v63  }
0x1e: {  	_ =	swait.ge [sflag:s14], $0x1400  }
0x1f: {  	[sflag:s14] =	ssyncset.done $0x0  }
0x20: {  	[sflag:s14] =	ssyncadd.s32 $0xFFFFEC00  }
0x21: {  	[tilespmem:s17], [sflag:$0x1] =	stream.indirect.gather [hbm4b:s4+s16], $0x80, s3, s16, $0xb8;
	[tilespmem:$0x1E400] =	vst v63  }
0x22: {  	_ = 	snop  }
0x23: {  	[tilespmem:s18], [sflag:$0x2] =	stream.indirect.gather [hbm4b:s4+s16], $0x80, s16, s16, $0xb8;
	[tilespmem:$0x1E400] =	vst v63  }
0x24: {  	_ =	swait.ge [sflag:s19], $0x4000  }
0x25: {  	[sflag:s19] =	ssyncset.done $0x0  }
0x26: {  	s26 =	simm.s32 $0x1400;
	[sflag:s19] =	ssyncadd.s32 $0xFFFFC000  }
0x27: {  	[spmem:s2] =	stream.indirect.scatter.add.f32 [tilespmem:s17], [sflag:$0x3], $0x80, s26, s16, $0xb8;
	[tilespmem:$0x1E400] =	vst v63  }
0x28: {  	_ =	swait.ge [sflag:s20], $0x4000  }
0x29: {  	[sflag:s20] =	ssyncset.done $0x0  }
0x2a: {  	s30 =	simm.s32 $0x1480;
	[sflag:s20] =	ssyncadd.s32 $0xFFFFC000  }
0x2b: {  	[spmem:s2] =	stream.indirect.scatter.add.f32 [tilespmem:s18], [sflag:$0x4], $0x80, s30, s16, $0xb8;
	[tilespmem:$0x1E400] =	vst v63  }
0x2c: {  	_ =	swait.ge [sflag:s21], $0x4000  }
0x2d: {  	[sflag:s21] =	ssyncset.done $0x0  }
0x2e: {  	s31 =	simm.s32 $0x100;
	[sflag:s21] =	ssyncadd.s32 $0xFFFFC000  }
0x2f: {  	[tilespmem:s17], [sflag:$0x1] =	stream.indirect.gather [hbm4b:s4+s16], $0x80, s31, s16, $0xb8;
	[tilespmem:$0x1E400] =	vst v63  }
0x30: {  	_ =	swait.ge [sflag:s22], $0x4000  }
0x31: {  	[sflag:s22] =	ssyncset.done $0x0  }
0x32: {  	s28 =	simm.s32 $0x180;
	s26 =	simm.s32 $0x400;
	[sflag:s22] =	ssyncadd.s32 $0xFFFFC000  }
.LBB2_2:
0x33: {  	[tilespmem:s18], [sflag:$0x2] =	stream.indirect.gather [hbm4b:s4+s16], $0x80, s28, s16, $0xb8;
	[tilespmem:$0x1E400] =	vst v63  }
0x34: {  	s28 =	smov.u32 s26  }
0x35: {  	p0 =	sne.s32 s26, $0x4800;
	s26 =	sadd.s32 $0x400, s26;
	_ =	swait.ge [sflag:s19], $0x4000  }
0x36: {  	s28 =	sshra.s32 s28, $0x2;
	[sflag:s19] =	ssyncset.done $0x0  }
0x37: {  	s29 =	sadd.s32 $0x1400, s28;
	[sflag:s19] =	ssyncadd.s32 $0xFFFFC000  }
0x38: {  	[spmem:s2] =	stream.indirect.scatter.add.f32 [tilespmem:s17], [sflag:$0x3], $0x80, s29, s16, $0xb8;
	[tilespmem:$0x1E400] =	vst v63  }
0x39: {  	_ =	swait.ge [sflag:s20], $0x4000  }
0x3a: {  	[sflag:s20] =	ssyncset.done $0x0  }
0x3b: {  	s29 =	sadd.s32 $0x1480, s28;
	[sflag:s20] =	ssyncadd.s32 $0xFFFFC000  }
0x3c: {  	[spmem:s2] =	stream.indirect.scatter.add.f32 [tilespmem:s18], [sflag:$0x4], $0x80, s29, s16, $0xb8;
	[tilespmem:$0x1E400] =	vst v63  }
0x3d: {  	_ =	swait.ge [sflag:s21], $0x4000  }
0x3e: {  	[sflag:s21] =	ssyncset.done $0x0  }
.Ltmp0:
0x3f: {  	s29 =	sadd.s32 $0x100, s28;
	[sflag:s21] =	ssyncadd.s32 $0xFFFFC000;
	(pc) =	sbr.rel @p0 .LBB2_2-.Ltmp0, $4  }
0x40: {  	[tilespmem:s17], [sflag:$0x1] =	stream.indirect.gather [hbm4b:s4+s16], $0x80, s29, s16, $0xb8;
	[tilespmem:$0x1E400] =	vst v63  }
0x41: {  	_ =	swait.ge [sflag:s22], $0x4000  }
0x42: {  	[sflag:s22] =	ssyncset.done $0x0  }
0x43: {  	s28 =	sadd.s32 $0x180, s28;
	[sflag:s22] =	ssyncadd.s32 $0xFFFFC000  }
0x44: {  	[tilespmem:s18], [sflag:$0x2] =	stream.indirect.gather [hbm4b:s4+s16], $0x80, s28, s16, $0xb8;
	[tilespmem:$0x1E400] =	vst v63  }
0x45: {  	_ =	swait.ge [sflag:s19], $0x4000  }
0x46: {  	[sflag:s19] =	ssyncset.done $0x0  }
0x47: {  	[sflag:s19] =	ssyncadd.s32 $0xFFFFC000  }
0x48: {  	[spmem:s2] =	stream.indirect.scatter.add.f32 [tilespmem:s17], [sflag:$0x3], $0x80, s23, s16, $0xb8;
	[tilespmem:$0x1E400] =	vst v63  }
0x49: {  	_ =	swait.ge [sflag:s20], $0x4000  }
0x4a: {  	[sflag:s20] =	ssyncset.done $0x0  }
0x4b: {  	[sflag:s20] =	ssyncadd.s32 $0xFFFFC000  }
0x4c: {  	[spmem:s2] =	stream.indirect.scatter.add.f32 [tilespmem:s18], [sflag:$0x4], $0x80, s24, s16, $0xb8;
	[tilespmem:$0x1E400] =	vst v63  }
0x4d: {  	_ =	swait.ge [sflag:s21], $0x4000  }
0x4e: {  	[sflag:s21] =	ssyncset.done $0x0  }
0x4f: {  	[sflag:s21] =	ssyncadd.s32 $0xFFFFC000  }
0x50: {  	_ =	swait.ge [sflag:s22], $0x4000  }
0x51: {  	[sflag:s22] =	ssyncset.done $0x0  }
0x52: {  	s26 =	simm.s32 $0x0;
	[sflag:s22] =	ssyncadd.s32 $0xFFFFC000  }
0x53: {  	[tilespmem:s26], [sflag:$0x5] =	stream.linear.gather [hbm4b:s9+s26], $0x1400, $0x38;
	[tilespmem:$0x1E400] =	vst v63  }
0x54: {  	_ =	swait.ge [sflag:s14], $0x1400  }
0x55: {  	[sflag:s14] =	ssyncset.done $0x0  }
0x56: {  	[sflag:s14] =	ssyncadd.s32 $0xFFFFEC00  }
0x57: {  	[tilespmem:s15], [sflag:$0x5] =	stream.linear.gather [hbm4b:s10+s26], $0x1400, $0x38;
	[tilespmem:$0x1E400] =	vst v63  }
0x58: {  	_ =	swait.ge [sflag:s14], $0x1400  }
0x59: {  	[sflag:s14] =	ssyncset.done $0x0  }
0x5a: {  	[sflag:s14] =	ssyncadd.s32 $0xFFFFEC00  }
0x5b: {  	[tilespmem:s17], [sflag:$0x1] =	stream.indirect.gather [hbm4b:s4+s16], $0x80, s26, s16, $0xb8;
	[tilespmem:$0x1E400] =	vst v63  }
0x5c: {  	_ = 	snop  }
0x5d: {  	[tilespmem:s18], [sflag:$0x2] =	stream.indirect.gather [hbm4b:s4+s16], $0x80, s16, s16, $0xb8;
	[tilespmem:$0x1E400] =	vst v63  }
0x5e: {  	_ =	swait.ge [sflag:s19], $0x4000  }
0x5f: {  	[sflag:s19] =	ssyncset.done $0x0  }
0x60: {  	s29 =	simm.s32 $0x1400;
	[sflag:s19] =	ssyncadd.s32 $0xFFFFC000  }
0x61: {  	[spmem:s2] =	stream.indirect.scatter.add.f32 [tilespmem:s17], [sflag:$0x3], $0x80, s29, s16, $0xb8;
	[tilespmem:$0x1E400] =	vst v63  }
0x62: {  	_ =	swait.ge [sflag:s20], $0x4000  }
0x63: {  	[sflag:s20] =	ssyncset.done $0x0  }
0x64: {  	s30 =	simm.s32 $0x1480;
	[sflag:s20] =	ssyncadd.s32 $0xFFFFC000  }
0x65: {  	[spmem:s2] =	stream.indirect.scatter.add.f32 [tilespmem:s18], [sflag:$0x4], $0x80, s30, s16, $0xb8;
	[tilespmem:$0x1E400] =	vst v63  }
0x66: {  	_ =	swait.ge [sflag:s21], $0x4000  }
0x67: {  	[sflag:s21] =	ssyncset.done $0x0  }
0x68: {  	s31 =	simm.s32 $0x100;
	[sflag:s21] =	ssyncadd.s32 $0xFFFFC000  }
0x69: {  	[tilespmem:s17], [sflag:$0x1] =	stream.indirect.gather [hbm4b:s4+s16], $0x80, s31, s16, $0xb8;
	[tilespmem:$0x1E400] =	vst v63  }
0x6a: {  	_ =	swait.ge [sflag:s22], $0x4000  }
0x6b: {  	[sflag:s22] =	ssyncset.done $0x0  }
0x6c: {  	s28 =	simm.s32 $0x180;
	s26 =	simm.s32 $0x400;
	[sflag:s22] =	ssyncadd.s32 $0xFFFFC000  }
.LBB2_4:
0x6d: {  	[tilespmem:s18], [sflag:$0x2] =	stream.indirect.gather [hbm4b:s4+s16], $0x80, s28, s16, $0xb8;
	[tilespmem:$0x1E400] =	vst v63  }
0x6e: {  	s28 =	smov.u32 s26  }
0x6f: {  	p0 =	sne.s32 s26, $0x4800;
	s26 =	sadd.s32 $0x400, s26;
	_ =	swait.ge [sflag:s19], $0x4000  }
0x70: {  	s28 =	sshra.s32 s28, $0x2;
	[sflag:s19] =	ssyncset.done $0x0  }
0x71: {  	s29 =	sadd.s32 $0x1400, s28;
	[sflag:s19] =	ssyncadd.s32 $0xFFFFC000  }
0x72: {  	[spmem:s2] =	stream.indirect.scatter.add.f32 [tilespmem:s17], [sflag:$0x3], $0x80, s29, s16, $0xb8;
	[tilespmem:$0x1E400] =	vst v63  }
0x73: {  	_ =	swait.ge [sflag:s20], $0x4000  }
0x74: {  	[sflag:s20] =	ssyncset.done $0x0  }
0x75: {  	s29 =	sadd.s32 $0x1480, s28;
	[sflag:s20] =	ssyncadd.s32 $0xFFFFC000  }
0x76: {  	[spmem:s2] =	stream.indirect.scatter.add.f32 [tilespmem:s18], [sflag:$0x4], $0x80, s29, s16, $0xb8;
	[tilespmem:$0x1E400] =	vst v63  }
0x77: {  	_ =	swait.ge [sflag:s21], $0x4000  }
0x78: {  	[sflag:s21] =	ssyncset.done $0x0  }
.Ltmp1:
0x79: {  	s29 =	sadd.s32 $0x100, s28;
	[sflag:s21] =	ssyncadd.s32 $0xFFFFC000;
	(pc) =	sbr.rel @p0 .LBB2_4-.Ltmp1, $4  }
0x7a: {  	[tilespmem:s17], [sflag:$0x1] =	stream.indirect.gather [hbm4b:s4+s16], $0x80, s29, s16, $0xb8;
	[tilespmem:$0x1E400] =	vst v63  }
0x7b: {  	_ =	swait.ge [sflag:s22], $0x4000  }
0x7c: {  	[sflag:s22] =	ssyncset.done $0x0  }
0x7d: {  	s28 =	sadd.s32 $0x180, s28;
	[sflag:s22] =	ssyncadd.s32 $0xFFFFC000  }
0x7e: {  	[tilespmem:s18], [sflag:$0x2] =	stream.indirect.gather [hbm4b:s4+s16], $0x80, s28, s16, $0xb8;
	[tilespmem:$0x1E400] =	vst v63  }
0x7f: {  	_ =	swait.ge [sflag:s19], $0x4000  }
0x80: {  	[sflag:s19] =	ssyncset.done $0x0  }
0x81: {  	[sflag:s19] =	ssyncadd.s32 $0xFFFFC000  }
0x82: {  	[spmem:s2] =	stream.indirect.scatter.add.f32 [tilespmem:s17], [sflag:$0x3], $0x80, s23, s16, $0xb8;
	[tilespmem:$0x1E400] =	vst v63  }
0x83: {  	_ =	swait.ge [sflag:s20], $0x4000  }
0x84: {  	[sflag:s20] =	ssyncset.done $0x0  }
0x85: {  	[sflag:s20] =	ssyncadd.s32 $0xFFFFC000  }
0x86: {  	[spmem:s2] =	stream.indirect.scatter.add.f32 [tilespmem:s18], [sflag:$0x4], $0x80, s24, s16, $0xb8;
	[tilespmem:$0x1E400] =	vst v63  }
0x87: {  	_ =	swait.ge [sflag:s21], $0x4000  }
0x88: {  	[sflag:s21] =	ssyncset.done $0x0  }
0x89: {  	[sflag:s21] =	ssyncadd.s32 $0xFFFFC000  }
0x8a: {  	_ =	swait.ge [sflag:s22], $0x4000  }
0x8b: {  	s25 =	sadd.s32 $0x1, s25;
	[sflag:s22] =	ssyncset.done $0x0  }
0x8c: {  	p0 =	sne.s32 s25, s12;
	[sflag:s22] =	ssyncadd.s32 $0xFFFFC000  }
.Ltmp2:
0x8d: {  	[bflag:$0x0] =	sbarrier.arrive $0xFFFF;
	(pc) =	sbr.rel @p0 .LBB2_1-.Ltmp2, $4  }
0x8e: {  	[hbm:s11], [sflag:s6] =	dma.local [spmem:s13], $0x2780  }
0x8f: {  	_ =	swait.ge [sflag:s14], $0x2780  }
0x90: {  	[sflag:s14] =	ssyncset.done $0x0  }
0x91: {  	[sflag:s14] =	ssyncadd.s32 $0xFFFFD880  }
0x92: {  	_ =	sfence.sel $0x180000  }
0x93: {  	[bflag:$0x0] =	sbarrier.arrive $0xFFFF  }
0x94: {  	p0 =	sne.s32 s1, $0x0;
	_ =	strace $0x90000050  }
0x95: {  	s0 =	sadd.s32 @!p0 $0x100000, s0;
	[bflag:$0x2] =	sbarrier.arrive $0xFFFF  }
0x96: {  	[sflag:s0] =	ssyncadd.tile.s32 @!p0 $0x1;
	_ =	shalt  }
.Lfunc_end2:
_tile_overlayer_lowered:
.L_overlay_start_2:
0x97: {  	(tag) =	ssettag $0x2  }
0x98: {  	s0 =	rddreg [dreg:$0x0];
	s2 =	stileid.u32  }
0x99: {  	s1 =	rddreg [dreg:$0x1];
	p0 =	sne.s32 s2, $0x0  }
0x9a: {  	s3 =	rddreg [dreg:$0x2];
	[bflag:$0x3] =	sbarrier.arrive $0xFFFF;
	s2 =	simm.s32 @!p0 $0x1C05  }
0x9b: {  	[timem:s3], [sflag:s2] =	dma.local @!p0 [hbm:s0], s1  }
0x9c: {  	s0 =	simm.s32 @!p0 $0x5  }
0x9d: {  	_ =	swait.ge @!p0 [sflag:s0], s1  }
0x9e: {  	s1 =	ssub.s32 @!p0 $0x0, s1;
	[sflag:s0] =	ssyncset.done @!p0 $0x0  }
0x9f: {  	[sflag:s0] =	ssyncadd.s32 @!p0 s1  }
0xa0: {  	[bflag:$0x3] =	sbarrier.arrive $0xFFFF  }
0xa1: {  	_ =	shalt  }

// kernel: sc_message.5.cloned.1.call-start
scs
__scs_entry_jumppad:
0x0: {  	(pc) =	sbr.rel $0x88, $3  }
0x1: {  	(tag) =	ssettag $0x0;
	lr =	simm.s32 $0x1  }
0x2: {  	[smem:$0x3F96] =	sst lr;
	_ =	strace $0xD0000000  }
0x3: {  	_ = 	snop  }
0x4: {  	_ = 	snop  }
0x5: {  	_ = 	snop  }
0x6: {  	_ = 	snop  }
0x7: {  	_ = 	snop  }
__scs_overlays_trampoline_lowered:
0x8: {  	[smem:$0x3FA5] =	sst s0  }
0x9: {  	[smem:$0x3FA6] =	sst s1  }
0xa: {  	[smem:$0x3FA7] =	sst s2  }
0xb: {  	[smem:$0x3FA8] =	sst s3  }
0xc: {  	[smem:$0x3FA9] =	sst s4  }
0xd: {  	[smem:$0x3FAA] =	sst s5  }
0xe: {  	[smem:$0x3FAB] =	sst s6  }
0xf: {  	[smem:$0x3FAC] =	sst s7  }
0x10: {  	[smem:$0x3FAD] =	sst s8  }
0x11: {  	[smem:$0x3FAE] =	sst s9;
	s0 =	simm.s32 @!p0 $0x0  }
0x12: {  	s1 =	sld [smem:$0x3F94];
	s0 =	simm.s32 @p0 $0x1  }
0x13: {  	[smem:$0x3FAF] =	sst s0;
	s0 =	simm.s32 @!p1 $0x0  }
0x14: {  	s2 =	sld [smem:$0x3F93];
	s0 =	simm.s32 @p1 $0x1  }
0x15: {  	[smem:$0x3FB0] =	sst s0;
	s0 =	simm.s32 @!p2 $0x0  }
0x16: {  	s3 =	sld [smem:$0x3FDB];
	s0 =	simm.s32 @p2 $0x1  }
0x17: {  	s4 =	simm.s32 $0x1BF5;
	[smem:$0x3FB2] =	sst s0  }
0x18: {  	s0 =	sld [smem:$0x3F95];
	_ =	swait.ge [sflag:s4], $0x0  }
0x19: {  	s7 =	sld [smem:$0x3F96]  }
0x1a: {  	s8 =	sadd.s32 $0xFFFFE003, lr  }
0x1b: {  	s9 =	sadd.s32 $0xFFFFFEF7, lr;
	s5 =	simm.s32 $0xFFFFFFFF;
	p2 =	slt.u32 s8, $0xFFFFF086  }
0x1c: {  	p1 =	slt.u32 s9, $0xF7A;
	s5 =	simm.s32 @!p2 $0x0  }
0x1d: {  	s5 =	simm.s32 @p1 $0x1;
	p0 =	seq.s32 s7, s2  }
0x1e: {  	s7 =	smul.u32 @!p0 $0xF7A, s2;
	p2 =	seq.s32 @!p0 s5, $0x0  }
0x1f: {  	s9 =	smul.u32 $0xF7A, s1;
	s8 =	simm.s32 @!p0 $0x1BF5;
	p2 =	por !p2, p0  }
0x20: {  	[sflag:s8] =	ssyncset.s32 @!p0 $0xFFFFF086;
	s6 =	sadd.s32 @!p0 s3, s7;
	s7 =	simm.s32 @!p0 $0x108  }
0x21: {  	s3 =	sadd.s32 s3, s9;
	s6 =	sadd.s32 @!p0 $0x88, s6;
	s7 =	simm.s32 @p2 $0x1082  }
0x22: {  	[simem:s7], [sflag:s8] =	dma.local @!p0 [hbm:s6], $0xF7A  }
0x23: {  	s9 =	sor.u32 $0xD0000000, s2;
	s6 =	simm.s32 $0x108;
	_ =	swait.ge @!p0 [sflag:s8], $0x0  }
0x24: {  	s3 =	sadd.s32 $0x88, s3;
	s6 =	simm.s32 @!p1 $0x1082;
	[sflag:s4] =	ssyncset.s32 $0xFFFFF086  }
0x25: {  	[simem:s6], [sflag:s4] =	dma.local [hbm:s3], $0xF7A  }
0x26: {  	[smem:$0x3F96] =	sst s1;
	(tag) =	ssettag s2;
	_ =	strace s9  }
0x27: {  	s1 =	sld [smem:$0x3FA6]  }
0x28: {  	s2 =	sld [smem:$0x3FA7]  }
0x29: {  	s4 =	sld [smem:$0x3FA9]  }
0x2a: {  	p0 =	seq.s32 s5, $0x0;
	s5 =	sld [smem:$0x3FAA]  }
0x2b: {  	s6 =	sld [smem:$0x3FAB]  }
0x2c: {  	s7 =	sld [smem:$0x3FAC]  }
0x2d: {  	s3 =	simm.s32 $0x108;
	s8 =	sld [smem:$0x3FAD]  }
0x2e: {  	s3 =	simm.s32 @!p0 $0x1082;
	s9 =	sld [smem:$0x3FAE]  }
0x2f: {  	lr =	sadd.s32 s0, s3;
	s0 =	sld [smem:$0x3FA5]  }
0x30: {  	s3 =	sld [smem:$0x3FA8]  }
0x31: {  	[smem:$0x3FB1] =	sst s10  }
0x32: {  	s10 =	sld [smem:$0x3FAF];
	_ =	sdelay $0x3  }
0x33: {  	p0 =	seq.s32 s10, $0x1;
	s10 =	sld [smem:$0x3FB1];
	_ =	sdelay $0x3  }
0x34: {  	[smem:$0x3FB1] =	sst s10  }
0x35: {  	s10 =	sld [smem:$0x3FB0];
	_ =	sdelay $0x3  }
0x36: {  	p1 =	seq.s32 s10, $0x1;
	s10 =	sld [smem:$0x3FB1];
	_ =	sdelay $0x3  }
0x37: {  	[smem:$0x3FB1] =	sst s10  }
0x38: {  	s10 =	sld [smem:$0x3FB2]  }
0x39: {  	_ = 	snop;
	(pc) =	sbr.ind lr, $3  }
0x3a: {  	_ = 	snop  }
0x3b: {  	_ = 	snop  }
0x3c: {  	p2 =	seq.s32 s10, $0x1;
	s10 =	sld [smem:$0x3FB1]  }
0x3d: {  	_ =	shalt  }
0x3e: {  	_ =	shalt  }
0x3f: {  	_ =	shalt  }
0x40: {  	_ =	shalt  }
0x41: {  	_ =	shalt  }
0x42: {  	_ =	shalt  }
0x43: {  	_ =	shalt  }
0x44: {  	_ =	shalt  }
0x45: {  	_ =	shalt  }
0x46: {  	_ =	shalt  }
0x47: {  	_ =	shalt  }
0x48: {  	_ =	shalt  }
0x49: {  	_ =	shalt  }
0x4a: {  	_ =	shalt  }
0x4b: {  	_ =	shalt  }
0x4c: {  	_ =	shalt  }
0x4d: {  	_ =	shalt  }
0x4e: {  	_ =	shalt  }
0x4f: {  	_ =	shalt  }
0x50: {  	_ =	shalt  }
0x51: {  	_ =	shalt  }
0x52: {  	_ =	shalt  }
0x53: {  	_ =	shalt  }
0x54: {  	_ =	shalt  }
0x55: {  	_ =	shalt  }
0x56: {  	_ =	shalt  }
0x57: {  	_ =	shalt  }
0x58: {  	_ =	shalt  }
0x59: {  	_ =	shalt  }
0x5a: {  	_ =	shalt  }
0x5b: {  	_ =	shalt  }
0x5c: {  	_ =	shalt  }
0x5d: {  	_ =	shalt  }
0x5e: {  	_ =	shalt  }
0x5f: {  	_ =	shalt  }
0x60: {  	_ =	shalt  }
0x61: {  	_ =	shalt  }
0x62: {  	_ =	shalt  }
0x63: {  	_ =	shalt  }
0x64: {  	_ =	shalt  }
0x65: {  	_ =	shalt  }
0x66: {  	_ =	shalt  }
0x67: {  	_ =	shalt  }
0x68: {  	_ =	shalt  }
0x69: {  	_ =	shalt  }
0x6a: {  	_ =	shalt  }
0x6b: {  	_ =	shalt  }
0x6c: {  	_ =	shalt  }
0x6d: {  	_ =	shalt  }
0x6e: {  	_ =	shalt  }
0x6f: {  	_ =	shalt  }
0x70: {  	_ =	shalt  }
0x71: {  	_ =	shalt  }
0x72: {  	_ =	shalt  }
0x73: {  	_ =	shalt  }
0x74: {  	_ =	shalt  }
0x75: {  	_ =	shalt  }
0x76: {  	_ =	shalt  }
0x77: {  	_ =	shalt  }
0x78: {  	_ =	shalt  }
0x79: {  	_ =	shalt  }
0x7a: {  	_ =	shalt  }
0x7b: {  	_ =	shalt  }
0x7c: {  	_ =	shalt  }
0x7d: {  	_ =	shalt  }
0x7e: {  	_ =	shalt  }
0x7f: {  	_ =	shalt  }
0x80: {  	_ =	shalt  }
0x81: {  	_ =	shalt  }
0x82: {  	_ =	shalt  }
0x83: {  	_ =	shalt  }
0x84: {  	_ =	shalt  }
0x85: {  	_ =	shalt  }
0x86: {  	_ =	shalt  }
0x87: {  	_ =	shalt  }
.Lfunc_end0:
.L_simem_size_0:
called_computation.1_lowered:
.L_overlay_start_0:
0x88: {  	s2 =	sld [smem:$0x3FD9]  }
0x89: {  	s3 =	sld [smem:$0x3FFE];
	_ =	sdelay $0x1  }
0x8a: {  	s1 =	srdreg.scid  }
0x8b: {  	s0 =	sand.u32 $0x1, s1  }
0x8c: {  	s16 =	sshll.u32 s0, $0xA;
	s2 =	sadd.s32 s3, s2  }
0x8d: {  	s2 =	sadd.s32 s2, s16  }
0x8e: {  	[smem:$0x3FBD] =	sst s2  }
0x8f: {  	_ = 	snop  }
0x90: {  	(tm) =	ssettm $0x1  }
0x91: {  	s17 =	sld [smem:$0x3FFB];
	_ =	sdelay $0x3  }
0x92: {  	_ =	strace s17  }
0x93: {  	s2 =	sld [smem:$0x3FFC];
	_ =	sdelay $0x3  }
0x94: {  	_ =	strace s2  }
0x95: {  	s2 =	sld [smem:$0x3FFD];
	_ =	sdelay $0x3  }
0x96: {  	_ =	strace s2  }
0x97: {  	_ =	strace $0x8FFFFFFF  }
0x98: {  	s18 =	sld [smem:$0x3FDB];
	_ =	sdelay $0x1  }
0x99: {  	s19 =	simm.s32 $_scs_section_size  }
0x9a: {  	s4 =	simm.s32 $_size__tile_overlayer_lowered;
	s5 =	simm.s32 $_tile_overlayer_lowered  }
0x9b: {  	s22 =	simm.s32 $0x1BFF;
	s21 =	sshll.u32 s5, $0x1;
	s2 =	sadd.s32 s19, s18  }
0x9c: {  	s6 =	simm.s32 $0x0;
	s20 =	sshll.u32 s4, $0x1;
	s4 =	sadd.s32 s21, s2  }
0x9d: {  	[timem:s6], [sflag:s22] =	dma.local [hbm:s4], s20  }
0x9e: {  	_ =	swait.ge [sflag:s22], s20  }
0x9f: {  	s3 =	ssub.s32 $0x0, s20;
	[sflag:s22] =	ssyncset.done $0x0  }
0xa0: {  	[sflag:s22] =	ssyncadd.s32 s3;
	_ =	sdelay $0x1  }
0xa1: {  	s23 =	simm.s32 $0x1B8B  }
0xa2: {  	_ =	swait.ge [sflag:s23], $0x1  }
0xa3: {  	[sflag:s23] =	ssyncset.done $0x0  }
0xa4: {  	s25 =	simm.s32 $0x1B8E;
	s24 =	sld [smem:$0x3FFE];
	[sflag:s23] =	ssyncadd.s32 $0xFFFFFFFF  }
0xa5: {  	s26 =	simm.s32 $execute0_lowered;
	[smem:$0x3FD2] =	sst s25  }
0xa6: {  	s4 =	sshll.u32 s26, $0x1;
	_ =	strace $0x80000049;
	[dreg:$0x1] =	wrdreg $0xFFFFFFFF  }
0xa7: {  	s28 =	simm.s32 $_size_execute0_lowered;
	s2 =	sadd.s32 s2, s4;
	[dreg:$0x0] =	wrdreg $0x0  }
0xa8: {  	s4 =	sshll.u32 s28, $0x1;
	[dreg:$0x2] =	wrdreg s2  }
0xa9: {  	[dreg:$0x3] =	wrdreg s4  }
0xaa: {  	[dreg:$0x4] =	wrdreg $0xC0  }
0xab: {  	_ =	task [dreg:s6], $0x5FFFF  }
0xac: {  	[dreg:$0x1] =	wrdreg $0xFFFFFFFF  }
0xad: {  	[dreg:$0x0] =	wrdreg $0x60  }
0xae: {  	[dreg:$0x2] =	wrdreg s24  }
0xaf: {  	[dreg:$0x3] =	wrdreg $0xA8000  }
0xb0: {  	[dreg:$0x4] =	wrdreg $0x9  }
0xb1: {  	_ =	task.clear_ibuf [dreg:s6], $0x5FFFF;
	_ =	strace $0x90000049  }
0xb2: {  	s29 =	simm.s32 $0x9;
	_ =	strace $0x8000004B  }
0xb3: {  	_ =	swait.ge [sflag:s29], $0x1  }
0xb4: {  	[sflag:s29] =	ssyncadd.s32 $0xFFFFFFFF  }
0xb5: {  	_ =	strace $0x9000004B  }
0xb6: {  	_ =	sfence  }
0xb7: {  	s30 =	sld [smem:$0x0];
	_ =	sdelay $0x2  }
0xb8: {  	s31 =	sshll.u32 s1, $0xD;
	s1 =	sshrl.u32 s1, $0x2  }
0xb9: {  	s3 =	sand.u32 $0x4000, s31;
	s1 =	sadd.s32 s1, s30  }
0xba: {  	s0 =	sor.u32 s3, s0;
	s1 =	sshll.u32 s1, $0x11  }
0xbb: {  	s0 =	sor.u32 s1, s0  }
0xbc: {  	s0 =	sadd.s32 $0x8F2B, s0  }
0xbd: {  	[sflag:s0] =	ssyncadd.remote.s32 $0x1  }
0xbe: {  	_ =	sfence.sel $0xFFFF  }
0xbf: {  	[dreg:$0x0] =	wrdreg $0xFFFFFFFF;
	(pc) =	sbr.abs _section_cstart, $3  }
0xc0: {  	[dreg:$0x1] =	wrdreg $0xFFFFFFFF  }
0xc1: {  	_ =	task.clear_ibuf [dreg:s6], $0x2FFFF;
	_ =	strace $0x9FFFFFFF  }
0xc2: {  	(tm) =	ssettm $0x7FFFFFFF  }
0xc3: {  	_ =	shalt  }
tec
execute0_lowered:
.L_overlay_start_1:
0x0: {  	(tag) =	ssettag $0x1  }
0x1: {  	s5 =	rddreg [dreg:$0x0]  }
0x2: {  	s2 =	rddreg [dreg:$0x1]  }
0x3: {  	s0 =	rddreg [dreg:$0x2];
	s3 =	simm.s32 $0x0;
	s1 =	stileid.u32  }
0x4: {  	s4 =	srdreg.scid;
	s16 =	simm.s32 $0x80;
	s17 =	simm.s32 $0x2800  }
0x5: {  	s18 =	simm.s32 $0x6800;
	s19 =	simm.s32 $0x1;
	s20 =	simm.s32 $0x2  }
0x6: {  	s21 =	simm.s32 $0x3;
	s22 =	simm.s32 $0x4;
	[smem:$0x7FF] =	sst s3  }
0x7: {  	s6 =	smul.u32 $0x13C00, s1;
	s7 =	sand.u32 $0x1, s4;
	s4 =	sadd.s32 $0x3F000, s5  }
0x8: {  	s9 =	sadd.s32 $0x3800, s5;
	s11 =	sadd.s32 $0xD800, s5;
	s12 =	smul.u32 $0x4F000, s1  }
0x9: {  	s30 =	sshll.u32 s1, $0x6;
	_ =	strace $0x8000004A;
	s8 =	smul.u32 $0x13C000, s7  }
0xa: {  	s23 =	sshll.u32 s7, $0x4;
	s24 =	ssub.s32 $0x2, s7;
	s10 =	sshrl.u32 s6, $0x3  }
0xb: {  	s25 =	sor.u32 s1, s23;
	s7 =	sshrl.u32 s24, $0x1;
	s26 =	sshrl.u32 s12, $0x2  }
0xc: {  	s23 =	simm.s32 $0x2700;
	s10 =	sadd.s32 s10, s5;
	s6 =	sadd.s32 s6, s8  }
0xd: {  	s28 =	smul.u32 $0x2800, s25;
	s14 =	ssub.s32 s24, s7;
	s15 =	sadd.s32 s26, s2  }
0xe: {  	s29 =	smul.u32 $0x500, s25;
	s24 =	simm.s32 $0x2780;
	s25 =	simm.s32 $0x0  }
0xf: {  	s6 =	sshrl.u32 s6, $0x3;
	s12 =	smax.u32 s14, $0x1;
	s14 =	simm.s32 $0x5  }
0x10: {  	s13 =	sadd.s32 s6, s5;
	s5 =	sadd.s32 $0x17800, s10;
	s31 =	sshrl.u32 s28, $0x3  }
0x11: {  	s6 =	sor.u32 $0x1C05, s30;
	s7 =	sadd.s32 s9, s29;
	s10 =	sadd.s32 $0x280, s31  }
0x12: {  	s8 =	sadd.s32 s11, s29;
	s9 =	sadd.s32 s9, s10;
	s10 =	sadd.s32 s11, s10  }
0x13: {  	s11 =	sadd.s32 $0x66200, s13;
	s13 =	sshrl.u32 s15, $0x3;
	s15 =	simm.s32 $0x1400  }
.LBB2_1:
0x14: {  	[spmem:s13], [sflag:s6] =	dma.local [hbm:s5], $0x2780  }
0x15: {  	_ =	swait.ge [sflag:s14], $0x2780  }
0x16: {  	[sflag:s14] =	ssyncset.done $0x0  }
0x17: {  	[sflag:s14] =	ssyncadd.s32 $0xFFFFD880  }
0x18: {  	[bflag:$0x0] =	sbarrier.arrive $0xFFFF  }
0x19: {  	[tilespmem:s3], [sflag:$0x5] =	stream.linear.gather [hbm4b:s7+s3], $0x1400, $0x38;
	[tilespmem:$0x1E400] =	vst v63  }
0x1a: {  	_ =	swait.ge [sflag:s14], $0x1400  }
0x1b: {  	[sflag:s14] =	ssyncset.done $0x0  }
0x1c: {  	[sflag:s14] =	ssyncadd.s32 $0xFFFFEC00  }
0x1d: {  	[tilespmem:s15], [sflag:$0x5] =	stream.linear.gather [hbm4b:s8+s3], $0x1400, $0x38;
	[tilespmem:$0x1E400] =	vst v63  }
0x1e: {  	_ =	swait.ge [sflag:s14], $0x1400  }
0x1f: {  	[sflag:s14] =	ssyncset.done $0x0  }
0x20: {  	[sflag:s14] =	ssyncadd.s32 $0xFFFFEC00  }
0x21: {  	[tilespmem:s17], [sflag:$0x1] =	stream.indirect.gather [hbm4b:s4+s16], $0x80, s3, s16, $0xb8;
	[tilespmem:$0x1E400] =	vst v63  }
0x22: {  	_ = 	snop  }
0x23: {  	[tilespmem:s18], [sflag:$0x2] =	stream.indirect.gather [hbm4b:s4+s16], $0x80, s16, s16, $0xb8;
	[tilespmem:$0x1E400] =	vst v63  }
0x24: {  	_ =	swait.ge [sflag:s19], $0x4000  }
0x25: {  	[sflag:s19] =	ssyncset.done $0x0  }
0x26: {  	s26 =	simm.s32 $0x1400;
	[sflag:s19] =	ssyncadd.s32 $0xFFFFC000  }
0x27: {  	[spmem:s2] =	stream.indirect.scatter.add.f32 [tilespmem:s17], [sflag:$0x3], $0x80, s26, s16, $0xb8;
	[tilespmem:$0x1E400] =	vst v63  }
0x28: {  	_ =	swait.ge [sflag:s20], $0x4000  }
0x29: {  	[sflag:s20] =	ssyncset.done $0x0  }
0x2a: {  	s30 =	simm.s32 $0x1480;
	[sflag:s20] =	ssyncadd.s32 $0xFFFFC000  }
0x2b: {  	[spmem:s2] =	stream.indirect.scatter.add.f32 [tilespmem:s18], [sflag:$0x4], $0x80, s30, s16, $0xb8;
	[tilespmem:$0x1E400] =	vst v63  }
0x2c: {  	_ =	swait.ge [sflag:s21], $0x4000  }
0x2d: {  	[sflag:s21] =	ssyncset.done $0x0  }
0x2e: {  	s31 =	simm.s32 $0x100;
	[sflag:s21] =	ssyncadd.s32 $0xFFFFC000  }
0x2f: {  	[tilespmem:s17], [sflag:$0x1] =	stream.indirect.gather [hbm4b:s4+s16], $0x80, s31, s16, $0xb8;
	[tilespmem:$0x1E400] =	vst v63  }
0x30: {  	_ =	swait.ge [sflag:s22], $0x4000  }
0x31: {  	[sflag:s22] =	ssyncset.done $0x0  }
0x32: {  	s28 =	simm.s32 $0x180;
	s26 =	simm.s32 $0x400;
	[sflag:s22] =	ssyncadd.s32 $0xFFFFC000  }
.LBB2_2:
0x33: {  	[tilespmem:s18], [sflag:$0x2] =	stream.indirect.gather [hbm4b:s4+s16], $0x80, s28, s16, $0xb8;
	[tilespmem:$0x1E400] =	vst v63  }
0x34: {  	s28 =	smov.u32 s26  }
0x35: {  	p0 =	sne.s32 s26, $0x4800;
	s26 =	sadd.s32 $0x400, s26;
	_ =	swait.ge [sflag:s19], $0x4000  }
0x36: {  	s28 =	sshra.s32 s28, $0x2;
	[sflag:s19] =	ssyncset.done $0x0  }
0x37: {  	s29 =	sadd.s32 $0x1400, s28;
	[sflag:s19] =	ssyncadd.s32 $0xFFFFC000  }
0x38: {  	[spmem:s2] =	stream.indirect.scatter.add.f32 [tilespmem:s17], [sflag:$0x3], $0x80, s29, s16, $0xb8;
	[tilespmem:$0x1E400] =	vst v63  }
0x39: {  	_ =	swait.ge [sflag:s20], $0x4000  }
0x3a: {  	[sflag:s20] =	ssyncset.done $0x0  }
0x3b: {  	s29 =	sadd.s32 $0x1480, s28;
	[sflag:s20] =	ssyncadd.s32 $0xFFFFC000  }
0x3c: {  	[spmem:s2] =	stream.indirect.scatter.add.f32 [tilespmem:s18], [sflag:$0x4], $0x80, s29, s16, $0xb8;
	[tilespmem:$0x1E400] =	vst v63  }
0x3d: {  	_ =	swait.ge [sflag:s21], $0x4000  }
0x3e: {  	[sflag:s21] =	ssyncset.done $0x0  }
.Ltmp0:
0x3f: {  	s29 =	sadd.s32 $0x100, s28;
	[sflag:s21] =	ssyncadd.s32 $0xFFFFC000;
	(pc) =	sbr.rel @p0 .LBB2_2-.Ltmp0, $4  }
0x40: {  	[tilespmem:s17], [sflag:$0x1] =	stream.indirect.gather [hbm4b:s4+s16], $0x80, s29, s16, $0xb8;
	[tilespmem:$0x1E400] =	vst v63  }
0x41: {  	_ =	swait.ge [sflag:s22], $0x4000  }
0x42: {  	[sflag:s22] =	ssyncset.done $0x0  }
0x43: {  	s28 =	sadd.s32 $0x180, s28;
	[sflag:s22] =	ssyncadd.s32 $0xFFFFC000  }
0x44: {  	[tilespmem:s18], [sflag:$0x2] =	stream.indirect.gather [hbm4b:s4+s16], $0x80, s28, s16, $0xb8;
	[tilespmem:$0x1E400] =	vst v63  }
0x45: {  	_ =	swait.ge [sflag:s19], $0x4000  }
0x46: {  	[sflag:s19] =	ssyncset.done $0x0  }
0x47: {  	[sflag:s19] =	ssyncadd.s32 $0xFFFFC000  }
0x48: {  	[spmem:s2] =	stream.indirect.scatter.add.f32 [tilespmem:s17], [sflag:$0x3], $0x80, s23, s16, $0xb8;
	[tilespmem:$0x1E400] =	vst v63  }
0x49: {  	_ =	swait.ge [sflag:s20], $0x4000  }
0x4a: {  	[sflag:s20] =	ssyncset.done $0x0  }
0x4b: {  	[sflag:s20] =	ssyncadd.s32 $0xFFFFC000  }
0x4c: {  	[spmem:s2] =	stream.indirect.scatter.add.f32 [tilespmem:s18], [sflag:$0x4], $0x80, s24, s16, $0xb8;
	[tilespmem:$0x1E400] =	vst v63  }
0x4d: {  	_ =	swait.ge [sflag:s21], $0x4000  }
0x4e: {  	[sflag:s21] =	ssyncset.done $0x0  }
0x4f: {  	[sflag:s21] =	ssyncadd.s32 $0xFFFFC000  }
0x50: {  	_ =	swait.ge [sflag:s22], $0x4000  }
0x51: {  	[sflag:s22] =	ssyncset.done $0x0  }
0x52: {  	s26 =	simm.s32 $0x0;
	[sflag:s22] =	ssyncadd.s32 $0xFFFFC000  }
0x53: {  	[tilespmem:s26], [sflag:$0x5] =	stream.linear.gather [hbm4b:s9+s26], $0x1400, $0x38;
	[tilespmem:$0x1E400] =	vst v63  }
0x54: {  	_ =	swait.ge [sflag:s14], $0x1400  }
0x55: {  	[sflag:s14] =	ssyncset.done $0x0  }
0x56: {  	[sflag:s14] =	ssyncadd.s32 $0xFFFFEC00  }
0x57: {  	[tilespmem:s15], [sflag:$0x5] =	stream.linear.gather [hbm4b:s10+s26], $0x1400, $0x38;
	[tilespmem:$0x1E400] =	vst v63  }
0x58: {  	_ =	swait.ge [sflag:s14], $0x1400  }
0x59: {  	[sflag:s14] =	ssyncset.done $0x0  }
0x5a: {  	[sflag:s14] =	ssyncadd.s32 $0xFFFFEC00  }
0x5b: {  	[tilespmem:s17], [sflag:$0x1] =	stream.indirect.gather [hbm4b:s4+s16], $0x80, s26, s16, $0xb8;
	[tilespmem:$0x1E400] =	vst v63  }
0x5c: {  	_ = 	snop  }
0x5d: {  	[tilespmem:s18], [sflag:$0x2] =	stream.indirect.gather [hbm4b:s4+s16], $0x80, s16, s16, $0xb8;
	[tilespmem:$0x1E400] =	vst v63  }
0x5e: {  	_ =	swait.ge [sflag:s19], $0x4000  }
0x5f: {  	[sflag:s19] =	ssyncset.done $0x0  }
0x60: {  	s29 =	simm.s32 $0x1400;
	[sflag:s19] =	ssyncadd.s32 $0xFFFFC000  }
0x61: {  	[spmem:s2] =	stream.indirect.scatter.add.f32 [tilespmem:s17], [sflag:$0x3], $0x80, s29, s16, $0xb8;
	[tilespmem:$0x1E400] =	vst v63  }
0x62: {  	_ =	swait.ge [sflag:s20], $0x4000  }
0x63: {  	[sflag:s20] =	ssyncset.done $0x0  }
0x64: {  	s30 =	simm.s32 $0x1480;
	[sflag:s20] =	ssyncadd.s32 $0xFFFFC000  }
0x65: {  	[spmem:s2] =	stream.indirect.scatter.add.f32 [tilespmem:s18], [sflag:$0x4], $0x80, s30, s16, $0xb8;
	[tilespmem:$0x1E400] =	vst v63  }
0x66: {  	_ =	swait.ge [sflag:s21], $0x4000  }
0x67: {  	[sflag:s21] =	ssyncset.done $0x0  }
0x68: {  	s31 =	simm.s32 $0x100;
	[sflag:s21] =	ssyncadd.s32 $0xFFFFC000  }
0x69: {  	[tilespmem:s17], [sflag:$0x1] =	stream.indirect.gather [hbm4b:s4+s16], $0x80, s31, s16, $0xb8;
	[tilespmem:$0x1E400] =	vst v63  }
0x6a: {  	_ =	swait.ge [sflag:s22], $0x4000  }
0x6b: {  	[sflag:s22] =	ssyncset.done $0x0  }
0x6c: {  	s28 =	simm.s32 $0x180;
	s26 =	simm.s32 $0x400;
	[sflag:s22] =	ssyncadd.s32 $0xFFFFC000  }
.LBB2_4:
0x6d: {  	[tilespmem:s18], [sflag:$0x2] =	stream.indirect.gather [hbm4b:s4+s16], $0x80, s28, s16, $0xb8;
	[tilespmem:$0x1E400] =	vst v63  }
0x6e: {  	s28 =	smov.u32 s26  }
0x6f: {  	p0 =	sne.s32 s26, $0x4800;
	s26 =	sadd.s32 $0x400, s26;
	_ =	swait.ge [sflag:s19], $0x4000  }
0x70: {  	s28 =	sshra.s32 s28, $0x2;
	[sflag:s19] =	ssyncset.done $0x0  }
0x71: {  	s29 =	sadd.s32 $0x1400, s28;
	[sflag:s19] =	ssyncadd.s32 $0xFFFFC000  }
0x72: {  	[spmem:s2] =	stream.indirect.scatter.add.f32 [tilespmem:s17], [sflag:$0x3], $0x80, s29, s16, $0xb8;
	[tilespmem:$0x1E400] =	vst v63  }
0x73: {  	_ =	swait.ge [sflag:s20], $0x4000  }
0x74: {  	[sflag:s20] =	ssyncset.done $0x0  }
0x75: {  	s29 =	sadd.s32 $0x1480, s28;
	[sflag:s20] =	ssyncadd.s32 $0xFFFFC000  }
0x76: {  	[spmem:s2] =	stream.indirect.scatter.add.f32 [tilespmem:s18], [sflag:$0x4], $0x80, s29, s16, $0xb8;
	[tilespmem:$0x1E400] =	vst v63  }
0x77: {  	_ =	swait.ge [sflag:s21], $0x4000  }
0x78: {  	[sflag:s21] =	ssyncset.done $0x0  }
.Ltmp1:
0x79: {  	s29 =	sadd.s32 $0x100, s28;
	[sflag:s21] =	ssyncadd.s32 $0xFFFFC000;
	(pc) =	sbr.rel @p0 .LBB2_4-.Ltmp1, $4  }
0x7a: {  	[tilespmem:s17], [sflag:$0x1] =	stream.indirect.gather [hbm4b:s4+s16], $0x80, s29, s16, $0xb8;
	[tilespmem:$0x1E400] =	vst v63  }
0x7b: {  	_ =	swait.ge [sflag:s22], $0x4000  }
0x7c: {  	[sflag:s22] =	ssyncset.done $0x0  }
0x7d: {  	s28 =	sadd.s32 $0x180, s28;
	[sflag:s22] =	ssyncadd.s32 $0xFFFFC000  }
0x7e: {  	[tilespmem:s18], [sflag:$0x2] =	stream.indirect.gather [hbm4b:s4+s16], $0x80, s28, s16, $0xb8;
	[tilespmem:$0x1E400] =	vst v63  }
0x7f: {  	_ =	swait.ge [sflag:s19], $0x4000  }
0x80: {  	[sflag:s19] =	ssyncset.done $0x0  }
0x81: {  	[sflag:s19] =	ssyncadd.s32 $0xFFFFC000  }
0x82: {  	[spmem:s2] =	stream.indirect.scatter.add.f32 [tilespmem:s17], [sflag:$0x3], $0x80, s23, s16, $0xb8;
	[tilespmem:$0x1E400] =	vst v63  }
0x83: {  	_ =	swait.ge [sflag:s20], $0x4000  }
0x84: {  	[sflag:s20] =	ssyncset.done $0x0  }
0x85: {  	[sflag:s20] =	ssyncadd.s32 $0xFFFFC000  }
0x86: {  	[spmem:s2] =	stream.indirect.scatter.add.f32 [tilespmem:s18], [sflag:$0x4], $0x80, s24, s16, $0xb8;
	[tilespmem:$0x1E400] =	vst v63  }
0x87: {  	_ =	swait.ge [sflag:s21], $0x4000  }
0x88: {  	[sflag:s21] =	ssyncset.done $0x0  }
0x89: {  	[sflag:s21] =	ssyncadd.s32 $0xFFFFC000  }
0x8a: {  	_ =	swait.ge [sflag:s22], $0x4000  }
0x8b: {  	s25 =	sadd.s32 $0x1, s25;
	[sflag:s22] =	ssyncset.done $0x0  }
0x8c: {  	p0 =	sne.s32 s25, s12;
	[sflag:s22] =	ssyncadd.s32 $0xFFFFC000  }
.Ltmp2:
0x8d: {  	[bflag:$0x0] =	sbarrier.arrive $0xFFFF;
	(pc) =	sbr.rel @p0 .LBB2_1-.Ltmp2, $4  }
0x8e: {  	[hbm:s11], [sflag:s6] =	dma.local [spmem:s13], $0x2780  }
0x8f: {  	_ =	swait.ge [sflag:s14], $0x2780  }
0x90: {  	[sflag:s14] =	ssyncset.done $0x0  }
0x91: {  	[sflag:s14] =	ssyncadd.s32 $0xFFFFD880  }
0x92: {  	_ =	sfence.sel $0x180000  }
0x93: {  	[bflag:$0x0] =	sbarrier.arrive $0xFFFF  }
0x94: {  	p0 =	sne.s32 s1, $0x0;
	_ =	strace $0x9000004A  }
0x95: {  	s0 =	sadd.s32 @!p0 $0x100000, s0;
	[bflag:$0x2] =	sbarrier.arrive $0xFFFF  }
0x96: {  	[sflag:s0] =	ssyncadd.tile.s32 @!p0 $0x1;
	_ =	shalt  }
.Lfunc_end2:
_tile_overlayer_lowered:
.L_overlay_start_2:
0x97: {  	(tag) =	ssettag $0x2  }
0x98: {  	s0 =	rddreg [dreg:$0x0];
	s2 =	stileid.u32  }
0x99: {  	s1 =	rddreg [dreg:$0x1];
	p0 =	sne.s32 s2, $0x0  }
0x9a: {  	s3 =	rddreg [dreg:$0x2];
	[bflag:$0x3] =	sbarrier.arrive $0xFFFF;
	s2 =	simm.s32 @!p0 $0x1C05  }
0x9b: {  	[timem:s3], [sflag:s2] =	dma.local @!p0 [hbm:s0], s1  }
0x9c: {  	s0 =	simm.s32 @!p0 $0x5  }
0x9d: {  	_ =	swait.ge @!p0 [sflag:s0], s1  }
0x9e: {  	s1 =	ssub.s32 @!p0 $0x0, s1;
	[sflag:s0] =	ssyncset.done @!p0 $0x0  }
0x9f: {  	[sflag:s0] =	ssyncadd.s32 @!p0 s1  }
0xa0: {  	[bflag:$0x3] =	sbarrier.arrive $0xFFFF  }
0xa1: {  	_ =	shalt  }

// kernel: sc_message.8.cloned.1.call-start
scs
__scs_entry_jumppad:
0x0: {  	(pc) =	sbr.rel $0x88, $3  }
0x1: {  	(tag) =	ssettag $0x0;
	lr =	simm.s32 $0x1  }
0x2: {  	[smem:$0x3F96] =	sst lr;
	_ =	strace $0xD0000000  }
0x3: {  	_ = 	snop  }
0x4: {  	_ = 	snop  }
0x5: {  	_ = 	snop  }
0x6: {  	_ = 	snop  }
0x7: {  	_ = 	snop  }
__scs_overlays_trampoline_lowered:
0x8: {  	[smem:$0x3FA5] =	sst s0  }
0x9: {  	[smem:$0x3FA6] =	sst s1  }
0xa: {  	[smem:$0x3FA7] =	sst s2  }
0xb: {  	[smem:$0x3FA8] =	sst s3  }
0xc: {  	[smem:$0x3FA9] =	sst s4  }
0xd: {  	[smem:$0x3FAA] =	sst s5  }
0xe: {  	[smem:$0x3FAB] =	sst s6  }
0xf: {  	[smem:$0x3FAC] =	sst s7  }
0x10: {  	[smem:$0x3FAD] =	sst s8  }
0x11: {  	[smem:$0x3FAE] =	sst s9;
	s0 =	simm.s32 @!p0 $0x0  }
0x12: {  	s1 =	sld [smem:$0x3F94];
	s0 =	simm.s32 @p0 $0x1  }
0x13: {  	[smem:$0x3FAF] =	sst s0;
	s0 =	simm.s32 @!p1 $0x0  }
0x14: {  	s2 =	sld [smem:$0x3F93];
	s0 =	simm.s32 @p1 $0x1  }
0x15: {  	[smem:$0x3FB0] =	sst s0;
	s0 =	simm.s32 @!p2 $0x0  }
0x16: {  	s3 =	sld [smem:$0x3FDB];
	s0 =	simm.s32 @p2 $0x1  }
0x17: {  	s4 =	simm.s32 $0x1BF5;
	[smem:$0x3FB2] =	sst s0  }
0x18: {  	s0 =	sld [smem:$0x3F95];
	_ =	swait.ge [sflag:s4], $0x0  }
0x19: {  	s7 =	sld [smem:$0x3F96]  }
0x1a: {  	s8 =	sadd.s32 $0xFFFFE003, lr  }
0x1b: {  	s9 =	sadd.s32 $0xFFFFFEF7, lr;
	s5 =	simm.s32 $0xFFFFFFFF;
	p2 =	slt.u32 s8, $0xFFFFF086  }
0x1c: {  	p1 =	slt.u32 s9, $0xF7A;
	s5 =	simm.s32 @!p2 $0x0  }
0x1d: {  	s5 =	simm.s32 @p1 $0x1;
	p0 =	seq.s32 s7, s2  }
0x1e: {  	s7 =	smul.u32 @!p0 $0xF7A, s2;
	p2 =	seq.s32 @!p0 s5, $0x0  }
0x1f: {  	s9 =	smul.u32 $0xF7A, s1;
	s8 =	simm.s32 @!p0 $0x1BF5;
	p2 =	por !p2, p0  }
0x20: {  	[sflag:s8] =	ssyncset.s32 @!p0 $0xFFFFF086;
	s6 =	sadd.s32 @!p0 s3, s7;
	s7 =	simm.s32 @!p0 $0x108  }
0x21: {  	s3 =	sadd.s32 s3, s9;
	s6 =	sadd.s32 @!p0 $0x88, s6;
	s7 =	simm.s32 @p2 $0x1082  }
0x22: {  	[simem:s7], [sflag:s8] =	dma.local @!p0 [hbm:s6], $0xF7A  }
0x23: {  	s9 =	sor.u32 $0xD0000000, s2;
	s6 =	simm.s32 $0x108;
	_ =	swait.ge @!p0 [sflag:s8], $0x0  }
0x24: {  	s3 =	sadd.s32 $0x88, s3;
	s6 =	simm.s32 @!p1 $0x1082;
	[sflag:s4] =	ssyncset.s32 $0xFFFFF086  }
0x25: {  	[simem:s6], [sflag:s4] =	dma.local [hbm:s3], $0xF7A  }
0x26: {  	[smem:$0x3F96] =	sst s1;
	(tag) =	ssettag s2;
	_ =	strace s9  }
0x27: {  	s1 =	sld [smem:$0x3FA6]  }
0x28: {  	s2 =	sld [smem:$0x3FA7]  }
0x29: {  	s4 =	sld [smem:$0x3FA9]  }
0x2a: {  	p0 =	seq.s32 s5, $0x0;
	s5 =	sld [smem:$0x3FAA]  }
0x2b: {  	s6 =	sld [smem:$0x3FAB]  }
0x2c: {  	s7 =	sld [smem:$0x3FAC]  }
0x2d: {  	s3 =	simm.s32 $0x108;
	s8 =	sld [smem:$0x3FAD]  }
0x2e: {  	s3 =	simm.s32 @!p0 $0x1082;
	s9 =	sld [smem:$0x3FAE]  }
0x2f: {  	lr =	sadd.s32 s0, s3;
	s0 =	sld [smem:$0x3FA5]  }
0x30: {  	s3 =	sld [smem:$0x3FA8]  }
0x31: {  	[smem:$0x3FB1] =	sst s10  }
0x32: {  	s10 =	sld [smem:$0x3FAF];
	_ =	sdelay $0x3  }
0x33: {  	p0 =	seq.s32 s10, $0x1;
	s10 =	sld [smem:$0x3FB1];
	_ =	sdelay $0x3  }
0x34: {  	[smem:$0x3FB1] =	sst s10  }
0x35: {  	s10 =	sld [smem:$0x3FB0];
	_ =	sdelay $0x3  }
0x36: {  	p1 =	seq.s32 s10, $0x1;
	s10 =	sld [smem:$0x3FB1];
	_ =	sdelay $0x3  }
0x37: {  	[smem:$0x3FB1] =	sst s10  }
0x38: {  	s10 =	sld [smem:$0x3FB2]  }
0x39: {  	_ = 	snop;
	(pc) =	sbr.ind lr, $3  }
0x3a: {  	_ = 	snop  }
0x3b: {  	_ = 	snop  }
0x3c: {  	p2 =	seq.s32 s10, $0x1;
	s10 =	sld [smem:$0x3FB1]  }
0x3d: {  	_ =	shalt  }
0x3e: {  	_ =	shalt  }
0x3f: {  	_ =	shalt  }
0x40: {  	_ =	shalt  }
0x41: {  	_ =	shalt  }
0x42: {  	_ =	shalt  }
0x43: {  	_ =	shalt  }
0x44: {  	_ =	shalt  }
0x45: {  	_ =	shalt  }
0x46: {  	_ =	shalt  }
0x47: {  	_ =	shalt  }
0x48: {  	_ =	shalt  }
0x49: {  	_ =	shalt  }
0x4a: {  	_ =	shalt  }
0x4b: {  	_ =	shalt  }
0x4c: {  	_ =	shalt  }
0x4d: {  	_ =	shalt  }
0x4e: {  	_ =	shalt  }
0x4f: {  	_ =	shalt  }
0x50: {  	_ =	shalt  }
0x51: {  	_ =	shalt  }
0x52: {  	_ =	shalt  }
0x53: {  	_ =	shalt  }
0x54: {  	_ =	shalt  }
0x55: {  	_ =	shalt  }
0x56: {  	_ =	shalt  }
0x57: {  	_ =	shalt  }
0x58: {  	_ =	shalt  }
0x59: {  	_ =	shalt  }
0x5a: {  	_ =	shalt  }
0x5b: {  	_ =	shalt  }
0x5c: {  	_ =	shalt  }
0x5d: {  	_ =	shalt  }
0x5e: {  	_ =	shalt  }
0x5f: {  	_ =	shalt  }
0x60: {  	_ =	shalt  }
0x61: {  	_ =	shalt  }
0x62: {  	_ =	shalt  }
0x63: {  	_ =	shalt  }
0x64: {  	_ =	shalt  }
0x65: {  	_ =	shalt  }
0x66: {  	_ =	shalt  }
0x67: {  	_ =	shalt  }
0x68: {  	_ =	shalt  }
0x69: {  	_ =	shalt  }
0x6a: {  	_ =	shalt  }
0x6b: {  	_ =	shalt  }
0x6c: {  	_ =	shalt  }
0x6d: {  	_ =	shalt  }
0x6e: {  	_ =	shalt  }
0x6f: {  	_ =	shalt  }
0x70: {  	_ =	shalt  }
0x71: {  	_ =	shalt  }
0x72: {  	_ =	shalt  }
0x73: {  	_ =	shalt  }
0x74: {  	_ =	shalt  }
0x75: {  	_ =	shalt  }
0x76: {  	_ =	shalt  }
0x77: {  	_ =	shalt  }
0x78: {  	_ =	shalt  }
0x79: {  	_ =	shalt  }
0x7a: {  	_ =	shalt  }
0x7b: {  	_ =	shalt  }
0x7c: {  	_ =	shalt  }
0x7d: {  	_ =	shalt  }
0x7e: {  	_ =	shalt  }
0x7f: {  	_ =	shalt  }
0x80: {  	_ =	shalt  }
0x81: {  	_ =	shalt  }
0x82: {  	_ =	shalt  }
0x83: {  	_ =	shalt  }
0x84: {  	_ =	shalt  }
0x85: {  	_ =	shalt  }
0x86: {  	_ =	shalt  }
0x87: {  	_ =	shalt  }
.Lfunc_end0:
.L_simem_size_0:
called_computation.2_lowered:
.L_overlay_start_0:
0x88: {  	s2 =	sld [smem:$0x3FD9]  }
0x89: {  	s3 =	sld [smem:$0x3FFE];
	_ =	sdelay $0x1  }
0x8a: {  	s1 =	srdreg.scid  }
0x8b: {  	s0 =	sand.u32 $0x1, s1  }
0x8c: {  	s16 =	sshll.u32 s0, $0xA;
	s2 =	sadd.s32 s3, s2  }
0x8d: {  	s2 =	sadd.s32 s2, s16  }
0x8e: {  	[smem:$0x3FBD] =	sst s2  }
0x8f: {  	_ = 	snop  }
0x90: {  	(tm) =	ssettm $0x1  }
0x91: {  	s17 =	sld [smem:$0x3FFB];
	_ =	sdelay $0x3  }
0x92: {  	_ =	strace s17  }
0x93: {  	s2 =	sld [smem:$0x3FFC];
	_ =	sdelay $0x3  }
0x94: {  	_ =	strace s2  }
0x95: {  	s2 =	sld [smem:$0x3FFD];
	_ =	sdelay $0x3  }
0x96: {  	_ =	strace s2  }
0x97: {  	_ =	strace $0x8FFFFFFF  }
0x98: {  	s18 =	sld [smem:$0x3FDB];
	_ =	sdelay $0x1  }
0x99: {  	s19 =	simm.s32 $_scs_section_size  }
0x9a: {  	s4 =	simm.s32 $_size__tile_overlayer_lowered;
	s5 =	simm.s32 $_tile_overlayer_lowered  }
0x9b: {  	s22 =	simm.s32 $0x1BFF;
	s21 =	sshll.u32 s5, $0x1;
	s2 =	sadd.s32 s19, s18  }
0x9c: {  	s6 =	simm.s32 $0x0;
	s20 =	sshll.u32 s4, $0x1;
	s4 =	sadd.s32 s21, s2  }
0x9d: {  	[timem:s6], [sflag:s22] =	dma.local [hbm:s4], s20  }
0x9e: {  	_ =	swait.ge [sflag:s22], s20  }
0x9f: {  	s3 =	ssub.s32 $0x0, s20;
	[sflag:s22] =	ssyncset.done $0x0  }
0xa0: {  	[sflag:s22] =	ssyncadd.s32 s3;
	_ =	sdelay $0x1  }
0xa1: {  	s23 =	simm.s32 $0x1B8B  }
0xa2: {  	_ =	swait.ge [sflag:s23], $0x1  }
0xa3: {  	[sflag:s23] =	ssyncset.done $0x0  }
0xa4: {  	s25 =	simm.s32 $0x1B8E;
	s24 =	sld [smem:$0x3FFE];
	[sflag:s23] =	ssyncadd.s32 $0xFFFFFFFF  }
0xa5: {  	s26 =	simm.s32 $execute0_lowered;
	[smem:$0x3FD2] =	sst s25  }
0xa6: {  	s4 =	sshll.u32 s26, $0x1;
	_ =	strace $0x8000004C;
	[dreg:$0x1] =	wrdreg $0xFFFFFFFF  }
0xa7: {  	s28 =	simm.s32 $_size_execute0_lowered;
	s2 =	sadd.s32 s2, s4;
	[dreg:$0x0] =	wrdreg $0x0  }
0xa8: {  	s4 =	sshll.u32 s28, $0x1;
	[dreg:$0x2] =	wrdreg s2  }
0xa9: {  	[dreg:$0x3] =	wrdreg s4  }
0xaa: {  	[dreg:$0x4] =	wrdreg $0xC0  }
0xab: {  	_ =	task [dreg:s6], $0x5FFFF  }
0xac: {  	[dreg:$0x1] =	wrdreg $0xFFFFFFFF  }
0xad: {  	[dreg:$0x0] =	wrdreg $0x60  }
0xae: {  	[dreg:$0x2] =	wrdreg s24  }
0xaf: {  	[dreg:$0x3] =	wrdreg $0xA8000  }
0xb0: {  	[dreg:$0x4] =	wrdreg $0x9  }
0xb1: {  	_ =	task.clear_ibuf [dreg:s6], $0x5FFFF;
	_ =	strace $0x9000004C  }
0xb2: {  	s29 =	simm.s32 $0x9;
	_ =	strace $0x8000004E  }
0xb3: {  	_ =	swait.ge [sflag:s29], $0x1  }
0xb4: {  	[sflag:s29] =	ssyncadd.s32 $0xFFFFFFFF  }
0xb5: {  	_ =	strace $0x9000004E  }
0xb6: {  	_ =	sfence  }
0xb7: {  	s30 =	sld [smem:$0x0];
	_ =	sdelay $0x2  }
0xb8: {  	s31 =	sshll.u32 s1, $0xD;
	s1 =	sshrl.u32 s1, $0x2  }
0xb9: {  	s3 =	sand.u32 $0x4000, s31;
	s1 =	sadd.s32 s1, s30  }
0xba: {  	s0 =	sor.u32 s3, s0;
	s1 =	sshll.u32 s1, $0x11  }
0xbb: {  	s0 =	sor.u32 s1, s0  }
0xbc: {  	s0 =	sadd.s32 $0x8F2B, s0  }
0xbd: {  	[sflag:s0] =	ssyncadd.remote.s32 $0x1  }
0xbe: {  	_ =	sfence.sel $0xFFFF  }
0xbf: {  	[dreg:$0x0] =	wrdreg $0xFFFFFFFF;
	(pc) =	sbr.abs _section_cstart, $3  }
0xc0: {  	[dreg:$0x1] =	wrdreg $0xFFFFFFFF  }
0xc1: {  	_ =	task.clear_ibuf [dreg:s6], $0x2FFFF;
	_ =	strace $0x9FFFFFFF  }
0xc2: {  	(tm) =	ssettm $0x7FFFFFFF  }
0xc3: {  	_ =	shalt  }
tec
execute0_lowered:
.L_overlay_start_1:
0x0: {  	(tag) =	ssettag $0x1  }
0x1: {  	s5 =	rddreg [dreg:$0x0]  }
0x2: {  	s2 =	rddreg [dreg:$0x1]  }
0x3: {  	s0 =	rddreg [dreg:$0x2];
	s3 =	simm.s32 $0x0;
	s1 =	stileid.u32  }
0x4: {  	s4 =	srdreg.scid;
	s16 =	simm.s32 $0x80;
	s17 =	simm.s32 $0x2800  }
0x5: {  	s18 =	simm.s32 $0x6800;
	s19 =	simm.s32 $0x1;
	s20 =	simm.s32 $0x2  }
0x6: {  	s21 =	simm.s32 $0x3;
	s22 =	simm.s32 $0x4;
	[smem:$0x7FF] =	sst s3  }
0x7: {  	s6 =	smul.u32 $0x13C00, s1;
	s7 =	sand.u32 $0x1, s4;
	s4 =	sadd.s32 $0x3F000, s5  }
0x8: {  	s9 =	sadd.s32 $0x3800, s5;
	s11 =	sadd.s32 $0xD800, s5;
	s12 =	smul.u32 $0x4F000, s1  }
0x9: {  	s30 =	sshll.u32 s1, $0x6;
	_ =	strace $0x8000004D;
	s8 =	smul.u32 $0x13C000, s7  }
0xa: {  	s23 =	sshll.u32 s7, $0x4;
	s24 =	ssub.s32 $0x2, s7;
	s10 =	sshrl.u32 s6, $0x3  }
0xb: {  	s25 =	sor.u32 s1, s23;
	s7 =	sshrl.u32 s24, $0x1;
	s26 =	sshrl.u32 s12, $0x2  }
0xc: {  	s23 =	simm.s32 $0x2700;
	s10 =	sadd.s32 s10, s5;
	s6 =	sadd.s32 s6, s8  }
0xd: {  	s28 =	smul.u32 $0x2800, s25;
	s14 =	ssub.s32 s24, s7;
	s15 =	sadd.s32 s26, s2  }
0xe: {  	s29 =	smul.u32 $0x500, s25;
	s24 =	simm.s32 $0x2780;
	s25 =	simm.s32 $0x0  }
0xf: {  	s6 =	sshrl.u32 s6, $0x3;
	s12 =	smax.u32 s14, $0x1;
	s14 =	simm.s32 $0x5  }
0x10: {  	s13 =	sadd.s32 s6, s5;
	s5 =	sadd.s32 $0x17800, s10;
	s31 =	sshrl.u32 s28, $0x3  }
0x11: {  	s6 =	sor.u32 $0x1C05, s30;
	s7 =	sadd.s32 s9, s29;
	s10 =	sadd.s32 $0x280, s31  }
0x12: {  	s8 =	sadd.s32 s11, s29;
	s9 =	sadd.s32 s9, s10;
	s10 =	sadd.s32 s11, s10  }
0x13: {  	s11 =	sadd.s32 $0x66200, s13;
	s13 =	sshrl.u32 s15, $0x3;
	s15 =	simm.s32 $0x1400  }
.LBB2_1:
0x14: {  	[spmem:s13], [sflag:s6] =	dma.local [hbm:s5], $0x2780  }
0x15: {  	_ =	swait.ge [sflag:s14], $0x2780  }
0x16: {  	[sflag:s14] =	ssyncset.done $0x0  }
0x17: {  	[sflag:s14] =	ssyncadd.s32 $0xFFFFD880  }
0x18: {  	[bflag:$0x0] =	sbarrier.arrive $0xFFFF  }
0x19: {  	[tilespmem:s3], [sflag:$0x5] =	stream.linear.gather [hbm4b:s7+s3], $0x1400, $0x38;
	[tilespmem:$0x1E400] =	vst v63  }
0x1a: {  	_ =	swait.ge [sflag:s14], $0x1400  }
0x1b: {  	[sflag:s14] =	ssyncset.done $0x0  }
0x1c: {  	[sflag:s14] =	ssyncadd.s32 $0xFFFFEC00  }
0x1d: {  	[tilespmem:s15], [sflag:$0x5] =	stream.linear.gather [hbm4b:s8+s3], $0x1400, $0x38;
	[tilespmem:$0x1E400] =	vst v63  }
0x1e: {  	_ =	swait.ge [sflag:s14], $0x1400  }
0x1f: {  	[sflag:s14] =	ssyncset.done $0x0  }
0x20: {  	[sflag:s14] =	ssyncadd.s32 $0xFFFFEC00  }
0x21: {  	[tilespmem:s17], [sflag:$0x1] =	stream.indirect.gather [hbm4b:s4+s16], $0x80, s3, s16, $0xb8;
	[tilespmem:$0x1E400] =	vst v63  }
0x22: {  	_ = 	snop  }
0x23: {  	[tilespmem:s18], [sflag:$0x2] =	stream.indirect.gather [hbm4b:s4+s16], $0x80, s16, s16, $0xb8;
	[tilespmem:$0x1E400] =	vst v63  }
0x24: {  	_ =	swait.ge [sflag:s19], $0x4000  }
0x25: {  	[sflag:s19] =	ssyncset.done $0x0  }
0x26: {  	s26 =	simm.s32 $0x1400;
	[sflag:s19] =	ssyncadd.s32 $0xFFFFC000  }
0x27: {  	[spmem:s2] =	stream.indirect.scatter.add.f32 [tilespmem:s17], [sflag:$0x3], $0x80, s26, s16, $0xb8;
	[tilespmem:$0x1E400] =	vst v63  }
0x28: {  	_ =	swait.ge [sflag:s20], $0x4000  }
0x29: {  	[sflag:s20] =	ssyncset.done $0x0  }
0x2a: {  	s30 =	simm.s32 $0x1480;
	[sflag:s20] =	ssyncadd.s32 $0xFFFFC000  }
0x2b: {  	[spmem:s2] =	stream.indirect.scatter.add.f32 [tilespmem:s18], [sflag:$0x4], $0x80, s30, s16, $0xb8;
	[tilespmem:$0x1E400] =	vst v63  }
0x2c: {  	_ =	swait.ge [sflag:s21], $0x4000  }
0x2d: {  	[sflag:s21] =	ssyncset.done $0x0  }
0x2e: {  	s31 =	simm.s32 $0x100;
	[sflag:s21] =	ssyncadd.s32 $0xFFFFC000  }
0x2f: {  	[tilespmem:s17], [sflag:$0x1] =	stream.indirect.gather [hbm4b:s4+s16], $0x80, s31, s16, $0xb8;
	[tilespmem:$0x1E400] =	vst v63  }
0x30: {  	_ =	swait.ge [sflag:s22], $0x4000  }
0x31: {  	[sflag:s22] =	ssyncset.done $0x0  }
0x32: {  	s28 =	simm.s32 $0x180;
	s26 =	simm.s32 $0x400;
	[sflag:s22] =	ssyncadd.s32 $0xFFFFC000  }
.LBB2_2:
0x33: {  	[tilespmem:s18], [sflag:$0x2] =	stream.indirect.gather [hbm4b:s4+s16], $0x80, s28, s16, $0xb8;
	[tilespmem:$0x1E400] =	vst v63  }
0x34: {  	s28 =	smov.u32 s26  }
0x35: {  	p0 =	sne.s32 s26, $0x4800;
	s26 =	sadd.s32 $0x400, s26;
	_ =	swait.ge [sflag:s19], $0x4000  }
0x36: {  	s28 =	sshra.s32 s28, $0x2;
	[sflag:s19] =	ssyncset.done $0x0  }
0x37: {  	s29 =	sadd.s32 $0x1400, s28;
	[sflag:s19] =	ssyncadd.s32 $0xFFFFC000  }
0x38: {  	[spmem:s2] =	stream.indirect.scatter.add.f32 [tilespmem:s17], [sflag:$0x3], $0x80, s29, s16, $0xb8;
	[tilespmem:$0x1E400] =	vst v63  }
0x39: {  	_ =	swait.ge [sflag:s20], $0x4000  }
0x3a: {  	[sflag:s20] =	ssyncset.done $0x0  }
0x3b: {  	s29 =	sadd.s32 $0x1480, s28;
	[sflag:s20] =	ssyncadd.s32 $0xFFFFC000  }
0x3c: {  	[spmem:s2] =	stream.indirect.scatter.add.f32 [tilespmem:s18], [sflag:$0x4], $0x80, s29, s16, $0xb8;
	[tilespmem:$0x1E400] =	vst v63  }
0x3d: {  	_ =	swait.ge [sflag:s21], $0x4000  }
0x3e: {  	[sflag:s21] =	ssyncset.done $0x0  }
.Ltmp0:
0x3f: {  	s29 =	sadd.s32 $0x100, s28;
	[sflag:s21] =	ssyncadd.s32 $0xFFFFC000;
	(pc) =	sbr.rel @p0 .LBB2_2-.Ltmp0, $4  }
0x40: {  	[tilespmem:s17], [sflag:$0x1] =	stream.indirect.gather [hbm4b:s4+s16], $0x80, s29, s16, $0xb8;
	[tilespmem:$0x1E400] =	vst v63  }
0x41: {  	_ =	swait.ge [sflag:s22], $0x4000  }
0x42: {  	[sflag:s22] =	ssyncset.done $0x0  }
0x43: {  	s28 =	sadd.s32 $0x180, s28;
	[sflag:s22] =	ssyncadd.s32 $0xFFFFC000  }
0x44: {  	[tilespmem:s18], [sflag:$0x2] =	stream.indirect.gather [hbm4b:s4+s16], $0x80, s28, s16, $0xb8;
	[tilespmem:$0x1E400] =	vst v63  }
0x45: {  	_ =	swait.ge [sflag:s19], $0x4000  }
0x46: {  	[sflag:s19] =	ssyncset.done $0x0  }
0x47: {  	[sflag:s19] =	ssyncadd.s32 $0xFFFFC000  }
0x48: {  	[spmem:s2] =	stream.indirect.scatter.add.f32 [tilespmem:s17], [sflag:$0x3], $0x80, s23, s16, $0xb8;
	[tilespmem:$0x1E400] =	vst v63  }
0x49: {  	_ =	swait.ge [sflag:s20], $0x4000  }
0x4a: {  	[sflag:s20] =	ssyncset.done $0x0  }
0x4b: {  	[sflag:s20] =	ssyncadd.s32 $0xFFFFC000  }
0x4c: {  	[spmem:s2] =	stream.indirect.scatter.add.f32 [tilespmem:s18], [sflag:$0x4], $0x80, s24, s16, $0xb8;
	[tilespmem:$0x1E400] =	vst v63  }
0x4d: {  	_ =	swait.ge [sflag:s21], $0x4000  }
0x4e: {  	[sflag:s21] =	ssyncset.done $0x0  }
0x4f: {  	[sflag:s21] =	ssyncadd.s32 $0xFFFFC000  }
0x50: {  	_ =	swait.ge [sflag:s22], $0x4000  }
0x51: {  	[sflag:s22] =	ssyncset.done $0x0  }
0x52: {  	s26 =	simm.s32 $0x0;
	[sflag:s22] =	ssyncadd.s32 $0xFFFFC000  }
0x53: {  	[tilespmem:s26], [sflag:$0x5] =	stream.linear.gather [hbm4b:s9+s26], $0x1400, $0x38;
	[tilespmem:$0x1E400] =	vst v63  }
0x54: {  	_ =	swait.ge [sflag:s14], $0x1400  }
0x55: {  	[sflag:s14] =	ssyncset.done $0x0  }
0x56: {  	[sflag:s14] =	ssyncadd.s32 $0xFFFFEC00  }
0x57: {  	[tilespmem:s15], [sflag:$0x5] =	stream.linear.gather [hbm4b:s10+s26], $0x1400, $0x38;
	[tilespmem:$0x1E400] =	vst v63  }
0x58: {  	_ =	swait.ge [sflag:s14], $0x1400  }
0x59: {  	[sflag:s14] =	ssyncset.done $0x0  }
0x5a: {  	[sflag:s14] =	ssyncadd.s32 $0xFFFFEC00  }
0x5b: {  	[tilespmem:s17], [sflag:$0x1] =	stream.indirect.gather [hbm4b:s4+s16], $0x80, s26, s16, $0xb8;
	[tilespmem:$0x1E400] =	vst v63  }
0x5c: {  	_ = 	snop  }
0x5d: {  	[tilespmem:s18], [sflag:$0x2] =	stream.indirect.gather [hbm4b:s4+s16], $0x80, s16, s16, $0xb8;
	[tilespmem:$0x1E400] =	vst v63  }
0x5e: {  	_ =	swait.ge [sflag:s19], $0x4000  }
0x5f: {  	[sflag:s19] =	ssyncset.done $0x0  }
0x60: {  	s29 =	simm.s32 $0x1400;
	[sflag:s19] =	ssyncadd.s32 $0xFFFFC000  }
0x61: {  	[spmem:s2] =	stream.indirect.scatter.add.f32 [tilespmem:s17], [sflag:$0x3], $0x80, s29, s16, $0xb8;
	[tilespmem:$0x1E400] =	vst v63  }
0x62: {  	_ =	swait.ge [sflag:s20], $0x4000  }
0x63: {  	[sflag:s20] =	ssyncset.done $0x0  }
0x64: {  	s30 =	simm.s32 $0x1480;
	[sflag:s20] =	ssyncadd.s32 $0xFFFFC000  }
0x65: {  	[spmem:s2] =	stream.indirect.scatter.add.f32 [tilespmem:s18], [sflag:$0x4], $0x80, s30, s16, $0xb8;
	[tilespmem:$0x1E400] =	vst v63  }
0x66: {  	_ =	swait.ge [sflag:s21], $0x4000  }
0x67: {  	[sflag:s21] =	ssyncset.done $0x0  }
0x68: {  	s31 =	simm.s32 $0x100;
	[sflag:s21] =	ssyncadd.s32 $0xFFFFC000  }
0x69: {  	[tilespmem:s17], [sflag:$0x1] =	stream.indirect.gather [hbm4b:s4+s16], $0x80, s31, s16, $0xb8;
	[tilespmem:$0x1E400] =	vst v63  }
0x6a: {  	_ =	swait.ge [sflag:s22], $0x4000  }
0x6b: {  	[sflag:s22] =	ssyncset.done $0x0  }
0x6c: {  	s28 =	simm.s32 $0x180;
	s26 =	simm.s32 $0x400;
	[sflag:s22] =	ssyncadd.s32 $0xFFFFC000  }
.LBB2_4:
0x6d: {  	[tilespmem:s18], [sflag:$0x2] =	stream.indirect.gather [hbm4b:s4+s16], $0x80, s28, s16, $0xb8;
	[tilespmem:$0x1E400] =	vst v63  }
0x6e: {  	s28 =	smov.u32 s26  }
0x6f: {  	p0 =	sne.s32 s26, $0x4800;
	s26 =	sadd.s32 $0x400, s26;
	_ =	swait.ge [sflag:s19], $0x4000  }
0x70: {  	s28 =	sshra.s32 s28, $0x2;
	[sflag:s19] =	ssyncset.done $0x0  }
0x71: {  	s29 =	sadd.s32 $0x1400, s28;
	[sflag:s19] =	ssyncadd.s32 $0xFFFFC000  }
0x72: {  	[spmem:s2] =	stream.indirect.scatter.add.f32 [tilespmem:s17], [sflag:$0x3], $0x80, s29, s16, $0xb8;
	[tilespmem:$0x1E400] =	vst v63  }
0x73: {  	_ =	swait.ge [sflag:s20], $0x4000  }
0x74: {  	[sflag:s20] =	ssyncset.done $0x0  }
0x75: {  	s29 =	sadd.s32 $0x1480, s28;
	[sflag:s20] =	ssyncadd.s32 $0xFFFFC000  }
0x76: {  	[spmem:s2] =	stream.indirect.scatter.add.f32 [tilespmem:s18], [sflag:$0x4], $0x80, s29, s16, $0xb8;
	[tilespmem:$0x1E400] =	vst v63  }
0x77: {  	_ =	swait.ge [sflag:s21], $0x4000  }
0x78: {  	[sflag:s21] =	ssyncset.done $0x0  }
.Ltmp1:
0x79: {  	s29 =	sadd.s32 $0x100, s28;
	[sflag:s21] =	ssyncadd.s32 $0xFFFFC000;
	(pc) =	sbr.rel @p0 .LBB2_4-.Ltmp1, $4  }
0x7a: {  	[tilespmem:s17], [sflag:$0x1] =	stream.indirect.gather [hbm4b:s4+s16], $0x80, s29, s16, $0xb8;
	[tilespmem:$0x1E400] =	vst v63  }
0x7b: {  	_ =	swait.ge [sflag:s22], $0x4000  }
0x7c: {  	[sflag:s22] =	ssyncset.done $0x0  }
0x7d: {  	s28 =	sadd.s32 $0x180, s28;
	[sflag:s22] =	ssyncadd.s32 $0xFFFFC000  }
0x7e: {  	[tilespmem:s18], [sflag:$0x2] =	stream.indirect.gather [hbm4b:s4+s16], $0x80, s28, s16, $0xb8;
	[tilespmem:$0x1E400] =	vst v63  }
0x7f: {  	_ =	swait.ge [sflag:s19], $0x4000  }
0x80: {  	[sflag:s19] =	ssyncset.done $0x0  }
0x81: {  	[sflag:s19] =	ssyncadd.s32 $0xFFFFC000  }
0x82: {  	[spmem:s2] =	stream.indirect.scatter.add.f32 [tilespmem:s17], [sflag:$0x3], $0x80, s23, s16, $0xb8;
	[tilespmem:$0x1E400] =	vst v63  }
0x83: {  	_ =	swait.ge [sflag:s20], $0x4000  }
0x84: {  	[sflag:s20] =	ssyncset.done $0x0  }
0x85: {  	[sflag:s20] =	ssyncadd.s32 $0xFFFFC000  }
0x86: {  	[spmem:s2] =	stream.indirect.scatter.add.f32 [tilespmem:s18], [sflag:$0x4], $0x80, s24, s16, $0xb8;
	[tilespmem:$0x1E400] =	vst v63  }
0x87: {  	_ =	swait.ge [sflag:s21], $0x4000  }
0x88: {  	[sflag:s21] =	ssyncset.done $0x0  }
0x89: {  	[sflag:s21] =	ssyncadd.s32 $0xFFFFC000  }
0x8a: {  	_ =	swait.ge [sflag:s22], $0x4000  }
0x8b: {  	s25 =	sadd.s32 $0x1, s25;
	[sflag:s22] =	ssyncset.done $0x0  }
0x8c: {  	p0 =	sne.s32 s25, s12;
	[sflag:s22] =	ssyncadd.s32 $0xFFFFC000  }
.Ltmp2:
0x8d: {  	[bflag:$0x0] =	sbarrier.arrive $0xFFFF;
	(pc) =	sbr.rel @p0 .LBB2_1-.Ltmp2, $4  }
0x8e: {  	[hbm:s11], [sflag:s6] =	dma.local [spmem:s13], $0x2780  }
0x8f: {  	_ =	swait.ge [sflag:s14], $0x2780  }
0x90: {  	[sflag:s14] =	ssyncset.done $0x0  }
0x91: {  	[sflag:s14] =	ssyncadd.s32 $0xFFFFD880  }
0x92: {  	_ =	sfence.sel $0x180000  }
0x93: {  	[bflag:$0x0] =	sbarrier.arrive $0xFFFF  }
0x94: {  	p0 =	sne.s32 s1, $0x0;
	_ =	strace $0x9000004D  }
0x95: {  	s0 =	sadd.s32 @!p0 $0x100000, s0;
	[bflag:$0x2] =	sbarrier.arrive $0xFFFF  }
0x96: {  	[sflag:s0] =	ssyncadd.tile.s32 @!p0 $0x1;
	_ =	shalt  }
.Lfunc_end2:
_tile_overlayer_lowered:
.L_overlay_start_2:
0x97: {  	(tag) =	ssettag $0x2  }
0x98: {  	s0 =	rddreg [dreg:$0x0];
	s2 =	stileid.u32  }
0x99: {  	s1 =	rddreg [dreg:$0x1];
	p0 =	sne.s32 s2, $0x0  }
0x9a: {  	s3 =	rddreg [dreg:$0x2];
	[bflag:$0x3] =	sbarrier.arrive $0xFFFF;
	s2 =	simm.s32 @!p0 $0x1C05  }
0x9b: {  	[timem:s3], [sflag:s2] =	dma.local @!p0 [hbm:s0], s1  }
0x9c: {  	s0 =	simm.s32 @!p0 $0x5  }
0x9d: {  	_ =	swait.ge @!p0 [sflag:s0], s1  }
0x9e: {  	s1 =	ssub.s32 @!p0 $0x0, s1;
	[sflag:s0] =	ssyncset.done @!p0 $0x0  }
0x9f: {  	[sflag:s0] =	ssyncadd.s32 @!p0 s1  }
0xa0: {  	[bflag:$0x3] =	sbarrier.arrive $0xFFFF  }
0xa1: {  	_ =	shalt  }

</sc_bundles>
